<compile_context>
chip_gen: v7x
topology: tpu7x:2x2x1
jax: 0.10.2.dev20260603
libtpu: 0.0.44.dev20260713+nightly
codegen_flags: <defaults>
</compile_context>

<pallas_src>
import functools

import jax
import jax.numpy as jnp
from jax import lax
from jax.experimental import pallas as pl
from jax.experimental.pallas import tpu as pltpu
from jax.experimental.pallas import tpu_sc as plsc

NN = 10000
EE = 320000
D_IN = 128
D_H = 128
N_CLS = 64

NC = 2
NS = 16
NW = NC * NS
CHUNK = 128
NCHD = 79
NCHA = 158
EP = NW * NCHD * CHUNK
PAD_IDX = 10008
NP = 10240
ZR = NP // NS

_mesh = plsc.VectorSubcoreMesh(core_axis_name="c", subcore_axis_name="s")
_sc_params = pltpu.CompilerParams(use_tc_tiling_on_sc=False)



@functools.partial(
    pl.kernel,
    out_type=[
        jax.ShapeDtypeStruct((NC, NP, 16), jnp.float32),
        jax.ShapeDtypeStruct((NC, NP, 16), jnp.float32),
    ],
    mesh=_mesh,
    scratch_types=[
        pltpu.VMEM((NCHD, CHUNK), jnp.int32),
        pltpu.VMEM((NCHD, CHUNK), jnp.int32),
        pltpu.VMEM((CHUNK, 16), jnp.float32),
        pltpu.VMEM_SHARED((NP, 16), jnp.float32),
        pltpu.VMEM_SHARED((NP, 16), jnp.float32),
        pltpu.SemaphoreType.DMA,
        pltpu.SemaphoreType.DMA,
    ],
    compiler_params=_sc_params,
)
def _deg_kernel(src_hbm, dst_hbm, ones_hbm, zeros_hbm, out_s, out_t,
                src_v, dst_v, ones_v, acc_s, acc_t, q0, q1):
    qs = [q0, q1]
    c = lax.axis_index("c")
    s = lax.axis_index("s")
    w = s * NC + c
    pltpu.sync_copy(zeros_hbm, acc_s.at[pl.ds(s * ZR, ZR)])
    pltpu.sync_copy(zeros_hbm, acc_t.at[pl.ds(s * ZR, ZR)])
    pltpu.sync_copy(src_hbm.at[w], src_v)
    pltpu.sync_copy(dst_hbm.at[w], dst_v)
    pltpu.sync_copy(ones_hbm, ones_v)
    plsc.subcore_barrier()

    def body(j, carry):
        for p in range(2):
            @pl.when(j % 2 == p)
            def _(p=p):
                @pl.when(j >= 2)
                def _():
                    pltpu.make_async_copy(
                        ones_v, acc_s.at[src_v.at[j - 2]], qs[p]).wait()
                    pltpu.make_async_copy(
                        ones_v, acc_t.at[dst_v.at[j - 2]], qs[p]).wait()
                pltpu.async_copy(ones_v, acc_s.at[src_v.at[j]], qs[p],
                                 add=True)
                pltpu.async_copy(ones_v, acc_t.at[dst_v.at[j]], qs[p],
                                 add=True)
        return carry

    lax.fori_loop(0, NCHD, body, 0)
    for j in (NCHD - 2, NCHD - 1):
        pltpu.make_async_copy(ones_v, acc_s.at[src_v.at[j]], qs[j % 2]).wait()
        pltpu.make_async_copy(ones_v, acc_t.at[dst_v.at[j]], qs[j % 2]).wait()
    plsc.subcore_barrier()
    pltpu.sync_copy(acc_s.at[pl.ds(s * ZR, ZR)], out_s.at[c, pl.ds(s * ZR, ZR)])
    pltpu.sync_copy(acc_t.at[pl.ds(s * ZR, ZR)], out_t.at[c, pl.ds(s * ZR, ZR)])


PF = 5


def _make_agg_kernel(D):
    HD = D // 2

    @functools.partial(
        pl.kernel,
        out_type=jax.ShapeDtypeStruct((NC, NP, HD), jnp.float32),
        mesh=_mesh,
        scratch_types=[
            pltpu.VMEM((NCHA, CHUNK), jnp.int32),
            pltpu.VMEM((NCHA, CHUNK), jnp.int32),
        ] + [pltpu.VMEM((CHUNK, HD), jnp.float32)] * PF + [
            pltpu.VMEM_SHARED((NP, HD), jnp.float32),
        ] + [pltpu.SemaphoreType.DMA] * (2 * PF),
        compiler_params=_sc_params,
    )
    def _agg(h_hbm, src_hbm, dst_hbm, zeros_hbm, out_hbm,
             src_v, dst_v, *rest):
        bufs = list(rest[:PF])
        acc = rest[PF]
        sems = list(rest[PF + 1:PF + 1 + PF])
        ssems = list(rest[PF + 1 + PF:])
        c = lax.axis_index("c")
        s = lax.axis_index("s")
        pltpu.sync_copy(zeros_hbm, acc.at[pl.ds(s * ZR, ZR)])
        pltpu.sync_copy(src_hbm.at[c, s], src_v)
        pltpu.sync_copy(dst_hbm.at[s], dst_v)
        plsc.subcore_barrier()

        for p in range(PF - 1):
            pltpu.async_copy(h_hbm.at[src_v.at[p]], bufs[p], sems[p])

        def body(j, carry):
            for p in range(PF):
                @pl.when(j % PF == p)
                def _(p=p):
                    q = (p + PF - 1) % PF

                    @pl.when(j > 0)
                    def _():
                        pltpu.make_async_copy(
                            bufs[q], acc.at[dst_v.at[j - 1]], ssems[q]).wait()

                    @pl.when(j + PF - 1 < NCHA)
                    def _():
                        pltpu.async_copy(h_hbm.at[src_v.at[j + PF - 1]],
                                         bufs[q], sems[q])
                    pltpu.make_async_copy(h_hbm.at[src_v.at[j]],
                                          bufs[p], sems[p]).wait()
                    pltpu.async_copy(bufs[p], acc.at[dst_v.at[j]],
                                     ssems[p], add=True)
            return carry

        lax.fori_loop(0, NCHA, body, 0)
        pltpu.make_async_copy(bufs[(NCHA - 1) % PF],
                              acc.at[dst_v.at[NCHA - 1]],
                              ssems[(NCHA - 1) % PF]).wait()
        plsc.subcore_barrier()
        pltpu.sync_copy(acc.at[pl.ds(s * ZR, ZR)],
                        out_hbm.at[c, pl.ds(s * ZR, ZR)])

    return _agg



_BR = 256


def _norm_col(dpair, lo):
    d = dpair[0] + dpair[1]
    return lax.rsqrt(jnp.maximum(d[:, :1], lo))


def _tc1_body(x_ref, degs_ref, w1_ref, out_ref):
    ns = _norm_col(degs_ref[...], 1.0)
    out_ref[...] = jnp.dot(x_ref[...] * ns, w1_ref[...],
                           preferred_element_type=jnp.float32)


def _tc2_body(a_ref, degs_ref, degt_ref, w2_ref, b1_ref, out_ref):
    nd = _norm_col(degt_ref[...], 1.0)
    ns = _norm_col(degs_ref[...], 1.0)
    a = jnp.concatenate([a_ref[0], a_ref[1]], axis=1)
    h = jnp.maximum(a * nd + b1_ref[...], 0.0)
    out_ref[...] = jnp.dot(h * ns, w2_ref[...],
                           preferred_element_type=jnp.float32)


def _tc3_body(q_ref, degt_ref, b2_ref, out_ref):
    nd = _norm_col(degt_ref[...], 1.0)
    q = jnp.concatenate([q_ref[0], q_ref[1]], axis=1)
    out_ref[...] = q * nd + b2_ref[...]


def _row_spec(d):
    return pl.BlockSpec((_BR, d), lambda i: (i, 0))


def _deg_spec():
    return pl.BlockSpec((2, _BR, 16), lambda i: (0, i, 0))


def _full_spec(shape):
    return pl.BlockSpec(shape, lambda i: tuple(0 for _ in shape))


def kernel(x, edge_index, W1, b1, W2, b2):
    src = edge_index[0]
    dst = edge_index[1]
    pad = jnp.full((EP - EE,), PAD_IDX, jnp.int32)
    src_p = jnp.concatenate([src, pad])
    dst_p = jnp.concatenate([dst, pad])
    src_d = src_p.reshape(NW, NCHD, CHUNK)
    dst_d = dst_p.reshape(NW, NCHD, CHUNK)
    src2 = jnp.stack([2 * src_p, 2 * src_p + 1]).reshape(NC, NS, NCHA, CHUNK)
    dst_a = dst_p.reshape(NS, NCHA, CHUNK)
    ones16 = jnp.ones((CHUNK, 16), jnp.float32)
    z16 = jnp.zeros((ZR, 16), jnp.float32)
    z64 = jnp.zeros((ZR, D_H // 2), jnp.float32)
    z32 = jnp.zeros((ZR, N_CLS // 2), jnp.float32)

    deg_s, deg_t = _deg_kernel(src_d, dst_d, ones16, z16)

    grid = (NP // _BR,)
    h1 = pl.pallas_call(
        _tc1_body,
        grid=grid,
        in_specs=[_row_spec(D_IN), _deg_spec(), _full_spec((D_IN, D_H))],
        out_specs=_row_spec(D_H),
        out_shape=jax.ShapeDtypeStruct((NP, D_H), jnp.float32),
    )(x, deg_s, W1)

    agg1 = _make_agg_kernel(D_H)(
        h1.reshape(2 * NP, D_H // 2), src2, dst_a, z64)

    g2 = pl.pallas_call(
        _tc2_body,
        grid=grid,
        in_specs=[pl.BlockSpec((2, _BR, D_H // 2), lambda i: (0, i, 0)),
                  _deg_spec(), _deg_spec(),
                  _full_spec((D_H, N_CLS)), _full_spec((1, D_H))],
        out_specs=_row_spec(N_CLS),
        out_shape=jax.ShapeDtypeStruct((NP, N_CLS), jnp.float32),
    )(agg1, deg_s, deg_t, W2, b1.reshape(1, D_H))

    agg2 = _make_agg_kernel(N_CLS)(
        g2.reshape(2 * NP, N_CLS // 2), src2, dst_a, z32)

    out = pl.pallas_call(
        _tc3_body,
        grid=grid,
        in_specs=[pl.BlockSpec((2, _BR, N_CLS // 2), lambda i: (0, i, 0)),
                  _deg_spec(), _full_spec((1, N_CLS))],
        out_specs=_row_spec(N_CLS),
        out_shape=jax.ShapeDtypeStruct((NP, N_CLS), jnp.float32),
    )(agg2, deg_t, b2.reshape(1, N_CLS))

    return out[:NN]

# --- scband reference (transcript-rebuilt; emitter-appended) ---
"""Pipeline reference for scband-gcn-10239202034017 (READ-ONLY COPY).

The authoritative reference and input builder live on the scoring server;
editing this copy changes nothing except your own understanding.
"""

import jax, jax.numpy as jnp
import numpy as np

N = 10000
E = 320000
D_IN = 128
D_H = 128
N_CLS = 64


def setup_inputs(seed: int = 0) -> dict:
    key = jax.random.key(seed)
    k1, k2, k3, k4, k5, k6 = jax.random.split(key, 6)
    x = jax.random.normal(k1, (N, D_IN), dtype=jnp.float32)
    edge_index = jax.random.randint(k2, (2, E), 0, N, dtype=jnp.int32)
    # GraphConv weights (glorot-ish init) and biases
    W1 = jax.random.normal(k3, (D_IN, D_H), dtype=jnp.float32) * (1.0 / np.sqrt(D_IN))
    b1 = jnp.zeros((D_H,), dtype=jnp.float32)
    W2 = jax.random.normal(k4, (D_H, N_CLS), dtype=jnp.float32) * (1.0 / np.sqrt(D_H))
    b2 = jnp.zeros((N_CLS,), dtype=jnp.float32)
    return {"x": x, "edge_index": edge_index, "W1": W1, "b1": b1, "W2": W2, "b2": b2}


def _graph_conv(x, W, b, src, dst):
    # DGL GraphConv with norm='both':
    #   h = D_dst^{-1/2} A (D_src^{-1/2} x W) + b
    out_deg = jnp.zeros((N,), x.dtype).at[src].add(1.0)
    in_deg = jnp.zeros((N,), x.dtype).at[dst].add(1.0)
    norm_src = jax.lax.rsqrt(jnp.clip(out_deg, 1.0, None))
    norm_dst = jax.lax.rsqrt(jnp.clip(in_deg, 1.0, None))
    h = x * norm_src[:, None]
    # in_feats >= out_feats: apply weight before aggregation (DGL fast path)
    h = h @ W
    msgs = h[src]
    agg = jnp.zeros((N, h.shape[1]), h.dtype).at[dst].add(msgs)
    return agg * norm_dst[:, None] + b


def reference(x, edge_index, W1, b1, W2, b2):
    # mode == 'predict'
    src = edge_index[0]
    dst = edge_index[1]
    h = _graph_conv(x, W1, b1, src, dst)
    h = jax.nn.relu(h)
    out = _graph_conv(h, W2, b2, src, dst)
    return out

if __name__ == "__main__":
    import jax
    _d = setup_inputs()
    print(jax.jit(kernel)(*tuple(_d.values())))

</pallas_src>

<mosaic_0001>
#map = affine_map<(d0, d1) -> (0, 0, 0)>
#map1 = affine_map<(d0, d1) -> (0, 0)>
module attributes {stable_mosaic.version = 14 : i64} {
  func.func @_deg_kernel(%arg0: i32, %arg1: i32, %arg2: memref<32x79x128xi32, #tpu.memory_space<hbm>>, %arg3: memref<32x79x128xi32, #tpu.memory_space<hbm>>, %arg4: memref<128x16xf32, #tpu.memory_space<hbm>>, %arg5: memref<640x16xf32, #tpu.memory_space<hbm>>, %arg6: memref<2x10240x16xf32, #tpu.memory_space<hbm>>, %arg7: memref<2x10240x16xf32, #tpu.memory_space<hbm>>, %arg8: memref<79x128xi32, #tpu.memory_space<vmem>>, %arg9: memref<79x128xi32, #tpu.memory_space<vmem>>, %arg10: memref<128x16xf32, #tpu.memory_space<vmem>>, %arg11: memref<10240x16xf32, #tpu.memory_space<vmem_shared>>, %arg12: memref<10240x16xf32, #tpu.memory_space<vmem_shared>>, %arg13: memref<!tpu.dma_semaphore, #tpu.memory_space<semaphore_mem>>, %arg14: memref<!tpu.dma_semaphore, #tpu.memory_space<semaphore_mem>>) attributes {dimension_semantics = [#tpu.dimension_semantics<core_parallel>, #tpu.dimension_semantics<subcore_parallel>], iteration_bounds = array<i64: 2, 16>, scalar_prefetch = 0 : i64, scratch_operands = 7 : i64, tpu.core_type = #tpu.core_type<sc_vector_subcore>, window_params = [{transform_indices = #map}, {transform_indices = #map}, {transform_indices = #map1}, {transform_indices = #map1}, {transform_indices = #map}, {transform_indices = #map}]} {
    %mul3A = arith.constant 2 : i32
    %mul3A_0 = arith.muli %arg1, %mul3A : i32
    %add3A = arith.addi %mul3A_0, %arg0 : i32
    %mul3A_1 = arith.constant 640 : i32
    %mul3A_2 = arith.muli %arg1, %mul3A_1 : i32
    "tpu.region"() ({
      %run_scoped3A = tpu.sem_alloc : memref<!tpu.dma_semaphore, #tpu.memory_space<semaphore_mem>>
      %dma_start3A = arith.constant 0 : i32
      %dma_start3A_46 = tpu.memref_slice %arg11[%mul3A_2, %dma_start3A] : memref<10240x16xf32, #tpu.memory_space<vmem_shared>> -> memref<640x16xf32, #tpu.memory_space<vmem_shared>>
      tpu.enqueue_dma source(%arg5 : memref<640x16xf32, #tpu.memory_space<hbm>>) target(%dma_start3A_46 : memref<640x16xf32, #tpu.memory_space<vmem_shared>>) target_semaphore(%run_scoped3A : memref<!tpu.dma_semaphore, #tpu.memory_space<semaphore_mem>>)
      %dma_wait3A_47 = arith.constant 0 : i32
      %dma_wait3A_48 = tpu.memref_slice %arg11[%mul3A_2, %dma_wait3A_47] : memref<10240x16xf32, #tpu.memory_space<vmem_shared>> -> memref<640x16xf32, #tpu.memory_space<vmem_shared>>
      tpu.wait_dma2 semaphore(%run_scoped3A : memref<!tpu.dma_semaphore, #tpu.memory_space<semaphore_mem>>) src(%arg5 : memref<640x16xf32, #tpu.memory_space<hbm>>) dst(%dma_wait3A_48 : memref<640x16xf32, #tpu.memory_space<vmem_shared>>)
      tpu.yield
    }) : () -> ()
    %mul3A_3 = arith.constant 640 : i32
    %mul3A_4 = arith.muli %arg1, %mul3A_3 : i32
    "tpu.region"() ({
      %run_scoped3A = tpu.sem_alloc : memref<!tpu.dma_semaphore, #tpu.memory_space<semaphore_mem>>
      %dma_start3A = arith.constant 0 : i32
      %dma_start3A_46 = tpu.memref_slice %arg12[%mul3A_4, %dma_start3A] : memref<10240x16xf32, #tpu.memory_space<vmem_shared>> -> memref<640x16xf32, #tpu.memory_space<vmem_shared>>
      tpu.enqueue_dma source(%arg5 : memref<640x16xf32, #tpu.memory_space<hbm>>) target(%dma_start3A_46 : memref<640x16xf32, #tpu.memory_space<vmem_shared>>) target_semaphore(%run_scoped3A : memref<!tpu.dma_semaphore, #tpu.memory_space<semaphore_mem>>)
      %dma_wait3A_47 = arith.constant 0 : i32
      %dma_wait3A_48 = tpu.memref_slice %arg12[%mul3A_4, %dma_wait3A_47] : memref<10240x16xf32, #tpu.memory_space<vmem_shared>> -> memref<640x16xf32, #tpu.memory_space<vmem_shared>>
      tpu.wait_dma2 semaphore(%run_scoped3A : memref<!tpu.dma_semaphore, #tpu.memory_space<semaphore_mem>>) src(%arg5 : memref<640x16xf32, #tpu.memory_space<hbm>>) dst(%dma_wait3A_48 : memref<640x16xf32, #tpu.memory_space<vmem_shared>>)
      tpu.yield
    }) : () -> ()
    "tpu.region"() ({
      %run_scoped3A = tpu.sem_alloc : memref<!tpu.dma_semaphore, #tpu.memory_space<semaphore_mem>>
      %dma_start3A = arith.constant 0 : i32
      %dma_start3A_46 = arith.constant 0 : i32
      %dma_start3A_47 = tpu.memref_slice %arg2[%add3A, %dma_start3A, %dma_start3A_46] : memref<32x79x128xi32, #tpu.memory_space<hbm>> -> memref<1x79x128xi32, #tpu.memory_space<hbm>>
      %dma_start3A_48 = tpu.memref_squeeze %dma_start3A_47 : memref<1x79x128xi32, #tpu.memory_space<hbm>> -> memref<79x128xi32, #tpu.memory_space<hbm>>
      %dma_start3A_49 = arith.constant 0 : i32
      %dma_start3A_50 = arith.constant 0 : i32
      %dma_start3A_51 = tpu.memref_slice %arg2[%add3A, %dma_start3A_49, %dma_start3A_50] : memref<32x79x128xi32, #tpu.memory_space<hbm>> -> memref<1x79x128xi32, #tpu.memory_space<hbm>>
      %dma_start3A_52 = tpu.memref_squeeze %dma_start3A_51 : memref<1x79x128xi32, #tpu.memory_space<hbm>> -> memref<79x128xi32, #tpu.memory_space<hbm>>
      tpu.enqueue_dma source(%dma_start3A_52 : memref<79x128xi32, #tpu.memory_space<hbm>>) target(%arg8 : memref<79x128xi32, #tpu.memory_space<vmem>>) target_semaphore(%run_scoped3A : memref<!tpu.dma_semaphore, #tpu.memory_space<semaphore_mem>>)
      %dma_wait3A_53 = arith.constant 0 : i32
      %dma_wait3A_54 = arith.constant 0 : i32
      %dma_wait3A_55 = tpu.memref_slice %arg2[%add3A, %dma_wait3A_53, %dma_wait3A_54] : memref<32x79x128xi32, #tpu.memory_space<hbm>> -> memref<1x79x128xi32, #tpu.memory_space<hbm>>
      %dma_wait3A_56 = tpu.memref_squeeze %dma_wait3A_55 : memref<1x79x128xi32, #tpu.memory_space<hbm>> -> memref<79x128xi32, #tpu.memory_space<hbm>>
      %dma_wait3A_57 = arith.constant 0 : i32
      %dma_wait3A_58 = arith.constant 0 : i32
      %dma_wait3A_59 = tpu.memref_slice %arg2[%add3A, %dma_wait3A_57, %dma_wait3A_58] : memref<32x79x128xi32, #tpu.memory_space<hbm>> -> memref<1x79x128xi32, #tpu.memory_space<hbm>>
      %dma_wait3A_60 = tpu.memref_squeeze %dma_wait3A_59 : memref<1x79x128xi32, #tpu.memory_space<hbm>> -> memref<79x128xi32, #tpu.memory_space<hbm>>
      tpu.wait_dma2 semaphore(%run_scoped3A : memref<!tpu.dma_semaphore, #tpu.memory_space<semaphore_mem>>) src(%dma_wait3A_60 : memref<79x128xi32, #tpu.memory_space<hbm>>) dst(%arg8 : memref<79x128xi32, #tpu.memory_space<vmem>>)
      tpu.yield
    }) : () -> ()
    "tpu.region"() ({
      %run_scoped3A = tpu.sem_alloc : memref<!tpu.dma_semaphore, #tpu.memory_space<semaphore_mem>>
      %dma_start3A = arith.constant 0 : i32
      %dma_start3A_46 = arith.constant 0 : i32
      %dma_start3A_47 = tpu.memref_slice %arg3[%add3A, %dma_start3A, %dma_start3A_46] : memref<32x79x128xi32, #tpu.memory_space<hbm>> -> memref<1x79x128xi32, #tpu.memory_space<hbm>>
      %dma_start3A_48 = tpu.memref_squeeze %dma_start3A_47 : memref<1x79x128xi32, #tpu.memory_space<hbm>> -> memref<79x128xi32, #tpu.memory_space<hbm>>
      %dma_start3A_49 = arith.constant 0 : i32
      %dma_start3A_50 = arith.constant 0 : i32
      %dma_start3A_51 = tpu.memref_slice %arg3[%add3A, %dma_start3A_49, %dma_start3A_50] : memref<32x79x128xi32, #tpu.memory_space<hbm>> -> memref<1x79x128xi32, #tpu.memory_space<hbm>>
      %dma_start3A_52 = tpu.memref_squeeze %dma_start3A_51 : memref<1x79x128xi32, #tpu.memory_space<hbm>> -> memref<79x128xi32, #tpu.memory_space<hbm>>
      tpu.enqueue_dma source(%dma_start3A_52 : memref<79x128xi32, #tpu.memory_space<hbm>>) target(%arg9 : memref<79x128xi32, #tpu.memory_space<vmem>>) target_semaphore(%run_scoped3A : memref<!tpu.dma_semaphore, #tpu.memory_space<semaphore_mem>>)
      %dma_wait3A_53 = arith.constant 0 : i32
      %dma_wait3A_54 = arith.constant 0 : i32
      %dma_wait3A_55 = tpu.memref_slice %arg3[%add3A, %dma_wait3A_53, %dma_wait3A_54] : memref<32x79x128xi32, #tpu.memory_space<hbm>> -> memref<1x79x128xi32, #tpu.memory_space<hbm>>
      %dma_wait3A_56 = tpu.memref_squeeze %dma_wait3A_55 : memref<1x79x128xi32, #tpu.memory_space<hbm>> -> memref<79x128xi32, #tpu.memory_space<hbm>>
      %dma_wait3A_57 = arith.constant 0 : i32
      %dma_wait3A_58 = arith.constant 0 : i32
      %dma_wait3A_59 = tpu.memref_slice %arg3[%add3A, %dma_wait3A_57, %dma_wait3A_58] : memref<32x79x128xi32, #tpu.memory_space<hbm>> -> memref<1x79x128xi32, #tpu.memory_space<hbm>>
      %dma_wait3A_60 = tpu.memref_squeeze %dma_wait3A_59 : memref<1x79x128xi32, #tpu.memory_space<hbm>> -> memref<79x128xi32, #tpu.memory_space<hbm>>
      tpu.wait_dma2 semaphore(%run_scoped3A : memref<!tpu.dma_semaphore, #tpu.memory_space<semaphore_mem>>) src(%dma_wait3A_60 : memref<79x128xi32, #tpu.memory_space<hbm>>) dst(%arg9 : memref<79x128xi32, #tpu.memory_space<vmem>>)
      tpu.yield
    }) : () -> ()
    "tpu.region"() ({
      %run_scoped3A = tpu.sem_alloc : memref<!tpu.dma_semaphore, #tpu.memory_space<semaphore_mem>>
      tpu.enqueue_dma source(%arg4 : memref<128x16xf32, #tpu.memory_space<hbm>>) target(%arg10 : memref<128x16xf32, #tpu.memory_space<vmem>>) target_semaphore(%run_scoped3A : memref<!tpu.dma_semaphore, #tpu.memory_space<semaphore_mem>>)
      tpu.wait_dma2 semaphore(%run_scoped3A : memref<!tpu.dma_semaphore, #tpu.memory_space<semaphore_mem>>) src(%arg4 : memref<128x16xf32, #tpu.memory_space<hbm>>) dst(%arg10 : memref<128x16xf32, #tpu.memory_space<vmem>>)
      tpu.yield
    }) : () -> ()
    %barrier3A = arith.constant 0 : index
    tpu.barrier barrier_id(%barrier3A)
    %scan3A = arith.constant 0 : i32
    %scan3A_5 = arith.constant 0 : i32
    %scan3A_6 = arith.constant 79 : i32
    %scan3A_7 = arith.addi %scan3A_5, %scan3A_6 : i32
    %scan3A_8 = arith.constant 1 : i32
    scf.for %scan3A_46 = %scan3A_5 to %scan3A_7 step %scan3A_8  : i32 {
      %jit3A = arith.constant 2 : i32
      %eq3A = arith.constant 0 : i32
      %eq3A_47 = arith.cmpi eq, %jit3A, %eq3A : i32
      %jit3A_48 = arith.constant 1 : i32
      %select_n3A = arith.select %eq3A_47, %jit3A_48, %jit3A : i32
      %rem3A = arith.remsi %scan3A_46, %select_n3A : i32
      %ne3A = arith.constant 0 : i32
      %ne3A_49 = arith.cmpi ne, %rem3A, %ne3A : i32
      %lt3A = arith.constant 0 : i32
      %lt3A_50 = arith.cmpi slt, %rem3A, %lt3A : i32
      %lt3A_51 = arith.constant 0 : i32
      %lt3A_52 = arith.cmpi slt, %select_n3A, %lt3A_51 : i32
      %ne3A_53 = arith.xori %lt3A_50, %lt3A_52 : i1
      %and3A = arith.andi %ne3A_53, %ne3A_49 : i1
      %add3A_54 = arith.addi %rem3A, %select_n3A : i32
      %select_n3A_55 = arith.select %and3A, %add3A_54, %rem3A : i32
      %eq3A_56 = arith.constant 0 : i32
      %eq3A_57 = arith.cmpi eq, %select_n3A_55, %eq3A_56 : i32
      %convert_element_type3A = arith.extui %eq3A_57 : i1 to i32
      %cond3A = arith.constant 0 : i32
      %cond3A_58 = arith.cmpi ne, %convert_element_type3A, %cond3A : i32
      scf.if %cond3A_58 {
        %ge3A = arith.constant 2 : i32
        %ge3A_80 = arith.cmpi sge, %scan3A_46, %ge3A : i32
        %convert_element_type3A_81 = arith.extui %ge3A_80 : i1 to i32
        %cond3A_82 = arith.constant 0 : i32
        %cond3A_83 = arith.cmpi ne, %convert_element_type3A_81, %cond3A_82 : i32
        scf.if %cond3A_83 {
          %sub3A = arith.constant 2 : i32
          %sub3A_95 = arith.subi %scan3A_46, %sub3A : i32
          %dma_wait3A_96 = arith.constant 0 : i32
          %dma_wait3A_97 = tpu.memref_slice %arg8[%sub3A_95, %dma_wait3A_96] : memref<79x128xi32, #tpu.memory_space<vmem>> -> memref<1x128xi32, #tpu.memory_space<vmem>>
          %dma_wait3A_98 = tpu.memref_squeeze %dma_wait3A_97 : memref<1x128xi32, #tpu.memory_space<vmem>> -> memref<128xi32, #tpu.memory_space<vmem>>
          %dma_wait3A_99 = arith.constant 0 : i32
          %dma_wait3A_100 = arith.constant 0 : i32
          %dma_wait3A_101 = tpu.memref_slice %arg11[%dma_wait3A_99, %dma_wait3A_100] : memref<10240x16xf32, #tpu.memory_space<vmem_shared>> -> memref<10240x16xf32, #tpu.memory_space<vmem_shared>>
          tpu.wait_indirect_dma semaphore(%arg13 : memref<!tpu.dma_semaphore, #tpu.memory_space<semaphore_mem>>) src(%arg10 : memref<128x16xf32, #tpu.memory_space<vmem>>) dst(%dma_wait3A_101 : memref<10240x16xf32, #tpu.memory_space<vmem_shared>>)
          %sub3A_102 = arith.constant 2 : i32
          %sub3A_103 = arith.subi %scan3A_46, %sub3A_102 : i32
          %dma_wait3A_104 = arith.constant 0 : i32
          %dma_wait3A_105 = tpu.memref_slice %arg9[%sub3A_103, %dma_wait3A_104] : memref<79x128xi32, #tpu.memory_space<vmem>> -> memref<1x128xi32, #tpu.memory_space<vmem>>
          %dma_wait3A_106 = tpu.memref_squeeze %dma_wait3A_105 : memref<1x128xi32, #tpu.memory_space<vmem>> -> memref<128xi32, #tpu.memory_space<vmem>>
          %dma_wait3A_107 = arith.constant 0 : i32
          %dma_wait3A_108 = arith.constant 0 : i32
          %dma_wait3A_109 = tpu.memref_slice %arg12[%dma_wait3A_107, %dma_wait3A_108] : memref<10240x16xf32, #tpu.memory_space<vmem_shared>> -> memref<10240x16xf32, #tpu.memory_space<vmem_shared>>
          tpu.wait_indirect_dma semaphore(%arg13 : memref<!tpu.dma_semaphore, #tpu.memory_space<semaphore_mem>>) src(%arg10 : memref<128x16xf32, #tpu.memory_space<vmem>>) dst(%dma_wait3A_109 : memref<10240x16xf32, #tpu.memory_space<vmem_shared>>)
        } else {
        }
        %dma_start3A = arith.constant 0 : i32
        %dma_start3A_84 = tpu.memref_slice %arg8[%scan3A_46, %dma_start3A] : memref<79x128xi32, #tpu.memory_space<vmem>> -> memref<1x128xi32, #tpu.memory_space<vmem>>
        %dma_start3A_85 = tpu.memref_squeeze %dma_start3A_84 : memref<1x128xi32, #tpu.memory_space<vmem>> -> memref<128xi32, #tpu.memory_space<vmem>>
        %dma_start3A_86 = arith.constant 0 : i32
        %dma_start3A_87 = arith.constant 0 : i32
        %dma_start3A_88 = tpu.memref_slice %arg11[%dma_start3A_86, %dma_start3A_87] : memref<10240x16xf32, #tpu.memory_space<vmem_shared>> -> memref<10240x16xf32, #tpu.memory_space<vmem_shared>>
        tpu.enqueue_indirect_dma source(%arg10 : memref<128x16xf32, #tpu.memory_space<vmem>>) target(%dma_start3A_88 : memref<10240x16xf32, #tpu.memory_space<vmem_shared>>) offsets(%dma_start3A_85 : memref<128xi32, #tpu.memory_space<vmem>>) semaphore(%arg13 : memref<!tpu.dma_semaphore, #tpu.memory_space<semaphore_mem>>) {add = true}
        %dma_start3A_89 = arith.constant 0 : i32
        %dma_start3A_90 = tpu.memref_slice %arg9[%scan3A_46, %dma_start3A_89] : memref<79x128xi32, #tpu.memory_space<vmem>> -> memref<1x128xi32, #tpu.memory_space<vmem>>
        %dma_start3A_91 = tpu.memref_squeeze %dma_start3A_90 : memref<1x128xi32, #tpu.memory_space<vmem>> -> memref<128xi32, #tpu.memory_space<vmem>>
        %dma_start3A_92 = arith.constant 0 : i32
        %dma_start3A_93 = arith.constant 0 : i32
        %dma_start3A_94 = tpu.memref_slice %arg12[%dma_start3A_92, %dma_start3A_93] : memref<10240x16xf32, #tpu.memory_space<vmem_shared>> -> memref<10240x16xf32, #tpu.memory_space<vmem_shared>>
        tpu.enqueue_indirect_dma source(%arg10 : memref<128x16xf32, #tpu.memory_space<vmem>>) target(%dma_start3A_94 : memref<10240x16xf32, #tpu.memory_space<vmem_shared>>) offsets(%dma_start3A_91 : memref<128xi32, #tpu.memory_space<vmem>>) semaphore(%arg13 : memref<!tpu.dma_semaphore, #tpu.memory_space<semaphore_mem>>) {add = true}
      } else {
      }
      %jit3A_59 = arith.constant 2 : i32
      %eq3A_60 = arith.constant 0 : i32
      %eq3A_61 = arith.cmpi eq, %jit3A_59, %eq3A_60 : i32
      %jit3A_62 = arith.constant 1 : i32
      %select_n3A_63 = arith.select %eq3A_61, %jit3A_62, %jit3A_59 : i32
      %rem3A_64 = arith.remsi %scan3A_46, %select_n3A_63 : i32
      %ne3A_65 = arith.constant 0 : i32
      %ne3A_66 = arith.cmpi ne, %rem3A_64, %ne3A_65 : i32
      %lt3A_67 = arith.constant 0 : i32
      %lt3A_68 = arith.cmpi slt, %rem3A_64, %lt3A_67 : i32
      %lt3A_69 = arith.constant 0 : i32
      %lt3A_70 = arith.cmpi slt, %select_n3A_63, %lt3A_69 : i32
      %ne3A_71 = arith.xori %lt3A_68, %lt3A_70 : i1
      %and3A_72 = arith.andi %ne3A_71, %ne3A_66 : i1
      %add3A_73 = arith.addi %rem3A_64, %select_n3A_63 : i32
      %select_n3A_74 = arith.select %and3A_72, %add3A_73, %rem3A_64 : i32
      %eq3A_75 = arith.constant 1 : i32
      %eq3A_76 = arith.cmpi eq, %select_n3A_74, %eq3A_75 : i32
      %convert_element_type3A_77 = arith.extui %eq3A_76 : i1 to i32
      %cond3A_78 = arith.constant 0 : i32
      %cond3A_79 = arith.cmpi ne, %convert_element_type3A_77, %cond3A_78 : i32
      scf.if %cond3A_79 {
        %ge3A = arith.constant 2 : i32
        %ge3A_80 = arith.cmpi sge, %scan3A_46, %ge3A : i32
        %convert_element_type3A_81 = arith.extui %ge3A_80 : i1 to i32
        %cond3A_82 = arith.constant 0 : i32
        %cond3A_83 = arith.cmpi ne, %convert_element_type3A_81, %cond3A_82 : i32
        scf.if %cond3A_83 {
          %sub3A = arith.constant 2 : i32
          %sub3A_95 = arith.subi %scan3A_46, %sub3A : i32
          %dma_wait3A_96 = arith.constant 0 : i32
          %dma_wait3A_97 = tpu.memref_slice %arg8[%sub3A_95, %dma_wait3A_96] : memref<79x128xi32, #tpu.memory_space<vmem>> -> memref<1x128xi32, #tpu.memory_space<vmem>>
          %dma_wait3A_98 = tpu.memref_squeeze %dma_wait3A_97 : memref<1x128xi32, #tpu.memory_space<vmem>> -> memref<128xi32, #tpu.memory_space<vmem>>
          %dma_wait3A_99 = arith.constant 0 : i32
          %dma_wait3A_100 = arith.constant 0 : i32
          %dma_wait3A_101 = tpu.memref_slice %arg11[%dma_wait3A_99, %dma_wait3A_100] : memref<10240x16xf32, #tpu.memory_space<vmem_shared>> -> memref<10240x16xf32, #tpu.memory_space<vmem_shared>>
          tpu.wait_indirect_dma semaphore(%arg14 : memref<!tpu.dma_semaphore, #tpu.memory_space<semaphore_mem>>) src(%arg10 : memref<128x16xf32, #tpu.memory_space<vmem>>) dst(%dma_wait3A_101 : memref<10240x16xf32, #tpu.memory_space<vmem_shared>>)
          %sub3A_102 = arith.constant 2 : i32
          %sub3A_103 = arith.subi %scan3A_46, %sub3A_102 : i32
          %dma_wait3A_104 = arith.constant 0 : i32
          %dma_wait3A_105 = tpu.memref_slice %arg9[%sub3A_103, %dma_wait3A_104] : memref<79x128xi32, #tpu.memory_space<vmem>> -> memref<1x128xi32, #tpu.memory_space<vmem>>
          %dma_wait3A_106 = tpu.memref_squeeze %dma_wait3A_105 : memref<1x128xi32, #tpu.memory_space<vmem>> -> memref<128xi32, #tpu.memory_space<vmem>>
          %dma_wait3A_107 = arith.constant 0 : i32
          %dma_wait3A_108 = arith.constant 0 : i32
          %dma_wait3A_109 = tpu.memref_slice %arg12[%dma_wait3A_107, %dma_wait3A_108] : memref<10240x16xf32, #tpu.memory_space<vmem_shared>> -> memref<10240x16xf32, #tpu.memory_space<vmem_shared>>
          tpu.wait_indirect_dma semaphore(%arg14 : memref<!tpu.dma_semaphore, #tpu.memory_space<semaphore_mem>>) src(%arg10 : memref<128x16xf32, #tpu.memory_space<vmem>>) dst(%dma_wait3A_109 : memref<10240x16xf32, #tpu.memory_space<vmem_shared>>)
        } else {
        }
        %dma_start3A = arith.constant 0 : i32
        %dma_start3A_84 = tpu.memref_slice %arg8[%scan3A_46, %dma_start3A] : memref<79x128xi32, #tpu.memory_space<vmem>> -> memref<1x128xi32, #tpu.memory_space<vmem>>
        %dma_start3A_85 = tpu.memref_squeeze %dma_start3A_84 : memref<1x128xi32, #tpu.memory_space<vmem>> -> memref<128xi32, #tpu.memory_space<vmem>>
        %dma_start3A_86 = arith.constant 0 : i32
        %dma_start3A_87 = arith.constant 0 : i32
        %dma_start3A_88 = tpu.memref_slice %arg11[%dma_start3A_86, %dma_start3A_87] : memref<10240x16xf32, #tpu.memory_space<vmem_shared>> -> memref<10240x16xf32, #tpu.memory_space<vmem_shared>>
        tpu.enqueue_indirect_dma source(%arg10 : memref<128x16xf32, #tpu.memory_space<vmem>>) target(%dma_start3A_88 : memref<10240x16xf32, #tpu.memory_space<vmem_shared>>) offsets(%dma_start3A_85 : memref<128xi32, #tpu.memory_space<vmem>>) semaphore(%arg14 : memref<!tpu.dma_semaphore, #tpu.memory_space<semaphore_mem>>) {add = true}
        %dma_start3A_89 = arith.constant 0 : i32
        %dma_start3A_90 = tpu.memref_slice %arg9[%scan3A_46, %dma_start3A_89] : memref<79x128xi32, #tpu.memory_space<vmem>> -> memref<1x128xi32, #tpu.memory_space<vmem>>
        %dma_start3A_91 = tpu.memref_squeeze %dma_start3A_90 : memref<1x128xi32, #tpu.memory_space<vmem>> -> memref<128xi32, #tpu.memory_space<vmem>>
        %dma_start3A_92 = arith.constant 0 : i32
        %dma_start3A_93 = arith.constant 0 : i32
        %dma_start3A_94 = tpu.memref_slice %arg12[%dma_start3A_92, %dma_start3A_93] : memref<10240x16xf32, #tpu.memory_space<vmem_shared>> -> memref<10240x16xf32, #tpu.memory_space<vmem_shared>>
        tpu.enqueue_indirect_dma source(%arg10 : memref<128x16xf32, #tpu.memory_space<vmem>>) target(%dma_start3A_94 : memref<10240x16xf32, #tpu.memory_space<vmem_shared>>) offsets(%dma_start3A_91 : memref<128xi32, #tpu.memory_space<vmem>>) semaphore(%arg14 : memref<!tpu.dma_semaphore, #tpu.memory_space<semaphore_mem>>) {add = true}
      } else {
      }
    }
    %scan3A_9 = arith.constant 79 : i32
    %dma_wait3A = arith.constant 77 : i32
    %dma_wait3A_10 = arith.constant 0 : i32
    %dma_wait3A_11 = tpu.memref_slice %arg8[%dma_wait3A, %dma_wait3A_10] : memref<79x128xi32, #tpu.memory_space<vmem>> -> memref<1x128xi32, #tpu.memory_space<vmem>>
    %dma_wait3A_12 = tpu.memref_squeeze %dma_wait3A_11 : memref<1x128xi32, #tpu.memory_space<vmem>> -> memref<128xi32, #tpu.memory_space<vmem>>
    %dma_wait3A_13 = arith.constant 0 : i32
    %dma_wait3A_14 = arith.constant 0 : i32
    %dma_wait3A_15 = tpu.memref_slice %arg11[%dma_wait3A_13, %dma_wait3A_14] : memref<10240x16xf32, #tpu.memory_space<vmem_shared>> -> memref<10240x16xf32, #tpu.memory_space<vmem_shared>>
    tpu.wait_indirect_dma semaphore(%arg14 : memref<!tpu.dma_semaphore, #tpu.memory_space<semaphore_mem>>) src(%arg10 : memref<128x16xf32, #tpu.memory_space<vmem>>) dst(%dma_wait3A_15 : memref<10240x16xf32, #tpu.memory_space<vmem_shared>>)
    %dma_wait3A_16 = arith.constant 77 : i32
    %dma_wait3A_17 = arith.constant 0 : i32
    %dma_wait3A_18 = tpu.memref_slice %arg9[%dma_wait3A_16, %dma_wait3A_17] : memref<79x128xi32, #tpu.memory_space<vmem>> -> memref<1x128xi32, #tpu.memory_space<vmem>>
    %dma_wait3A_19 = tpu.memref_squeeze %dma_wait3A_18 : memref<1x128xi32, #tpu.memory_space<vmem>> -> memref<128xi32, #tpu.memory_space<vmem>>
    %dma_wait3A_20 = arith.constant 0 : i32
    %dma_wait3A_21 = arith.constant 0 : i32
    %dma_wait3A_22 = tpu.memref_slice %arg12[%dma_wait3A_20, %dma_wait3A_21] : memref<10240x16xf32, #tpu.memory_space<vmem_shared>> -> memref<10240x16xf32, #tpu.memory_space<vmem_shared>>
    tpu.wait_indirect_dma semaphore(%arg14 : memref<!tpu.dma_semaphore, #tpu.memory_space<semaphore_mem>>) src(%arg10 : memref<128x16xf32, #tpu.memory_space<vmem>>) dst(%dma_wait3A_22 : memref<10240x16xf32, #tpu.memory_space<vmem_shared>>)
    %dma_wait3A_23 = arith.constant 78 : i32
    %dma_wait3A_24 = arith.constant 0 : i32
    %dma_wait3A_25 = tpu.memref_slice %arg8[%dma_wait3A_23, %dma_wait3A_24] : memref<79x128xi32, #tpu.memory_space<vmem>> -> memref<1x128xi32, #tpu.memory_space<vmem>>
    %dma_wait3A_26 = tpu.memref_squeeze %dma_wait3A_25 : memref<1x128xi32, #tpu.memory_space<vmem>> -> memref<128xi32, #tpu.memory_space<vmem>>
    %dma_wait3A_27 = arith.constant 0 : i32
    %dma_wait3A_28 = arith.constant 0 : i32
    %dma_wait3A_29 = tpu.memref_slice %arg11[%dma_wait3A_27, %dma_wait3A_28] : memref<10240x16xf32, #tpu.memory_space<vmem_shared>> -> memref<10240x16xf32, #tpu.memory_space<vmem_shared>>
    tpu.wait_indirect_dma semaphore(%arg13 : memref<!tpu.dma_semaphore, #tpu.memory_space<semaphore_mem>>) src(%arg10 : memref<128x16xf32, #tpu.memory_space<vmem>>) dst(%dma_wait3A_29 : memref<10240x16xf32, #tpu.memory_space<vmem_shared>>)
    %dma_wait3A_30 = arith.constant 78 : i32
    %dma_wait3A_31 = arith.constant 0 : i32
    %dma_wait3A_32 = tpu.memref_slice %arg9[%dma_wait3A_30, %dma_wait3A_31] : memref<79x128xi32, #tpu.memory_space<vmem>> -> memref<1x128xi32, #tpu.memory_space<vmem>>
    %dma_wait3A_33 = tpu.memref_squeeze %dma_wait3A_32 : memref<1x128xi32, #tpu.memory_space<vmem>> -> memref<128xi32, #tpu.memory_space<vmem>>
    %dma_wait3A_34 = arith.constant 0 : i32
    %dma_wait3A_35 = arith.constant 0 : i32
    %dma_wait3A_36 = tpu.memref_slice %arg12[%dma_wait3A_34, %dma_wait3A_35] : memref<10240x16xf32, #tpu.memory_space<vmem_shared>> -> memref<10240x16xf32, #tpu.memory_space<vmem_shared>>
    tpu.wait_indirect_dma semaphore(%arg13 : memref<!tpu.dma_semaphore, #tpu.memory_space<semaphore_mem>>) src(%arg10 : memref<128x16xf32, #tpu.memory_space<vmem>>) dst(%dma_wait3A_36 : memref<10240x16xf32, #tpu.memory_space<vmem_shared>>)
    %barrier3A_37 = arith.constant 0 : index
    tpu.barrier barrier_id(%barrier3A_37)
    %mul3A_38 = arith.constant 640 : i32
    %mul3A_39 = arith.muli %arg1, %mul3A_38 : i32
    %mul3A_40 = arith.constant 640 : i32
    %mul3A_41 = arith.muli %arg1, %mul3A_40 : i32
    "tpu.region"() ({
      %run_scoped3A = tpu.sem_alloc : memref<!tpu.dma_semaphore, #tpu.memory_space<semaphore_mem>>
      %dma_start3A = arith.constant 0 : i32
      %dma_start3A_46 = tpu.memref_slice %arg6[%arg0, %mul3A_41, %dma_start3A] : memref<2x10240x16xf32, #tpu.memory_space<hbm>> -> memref<1x640x16xf32, #tpu.memory_space<hbm>>
      %dma_start3A_47 = tpu.memref_squeeze %dma_start3A_46 : memref<1x640x16xf32, #tpu.memory_space<hbm>> -> memref<640x16xf32, #tpu.memory_space<hbm>>
      %dma_start3A_48 = arith.constant 0 : i32
      %dma_start3A_49 = tpu.memref_slice %arg11[%mul3A_39, %dma_start3A_48] : memref<10240x16xf32, #tpu.memory_space<vmem_shared>> -> memref<640x16xf32, #tpu.memory_space<vmem_shared>>
      tpu.enqueue_dma source(%dma_start3A_49 : memref<640x16xf32, #tpu.memory_space<vmem_shared>>) target(%dma_start3A_47 : memref<640x16xf32, #tpu.memory_space<hbm>>) target_semaphore(%run_scoped3A : memref<!tpu.dma_semaphore, #tpu.memory_space<semaphore_mem>>)
      %dma_wait3A_50 = arith.constant 0 : i32
      %dma_wait3A_51 = tpu.memref_slice %arg6[%arg0, %mul3A_41, %dma_wait3A_50] : memref<2x10240x16xf32, #tpu.memory_space<hbm>> -> memref<1x640x16xf32, #tpu.memory_space<hbm>>
      %dma_wait3A_52 = tpu.memref_squeeze %dma_wait3A_51 : memref<1x640x16xf32, #tpu.memory_space<hbm>> -> memref<640x16xf32, #tpu.memory_space<hbm>>
      %dma_wait3A_53 = arith.constant 0 : i32
      %dma_wait3A_54 = tpu.memref_slice %arg11[%mul3A_39, %dma_wait3A_53] : memref<10240x16xf32, #tpu.memory_space<vmem_shared>> -> memref<640x16xf32, #tpu.memory_space<vmem_shared>>
      tpu.wait_dma2 semaphore(%run_scoped3A : memref<!tpu.dma_semaphore, #tpu.memory_space<semaphore_mem>>) src(%dma_wait3A_54 : memref<640x16xf32, #tpu.memory_space<vmem_shared>>) dst(%dma_wait3A_52 : memref<640x16xf32, #tpu.memory_space<hbm>>)
      tpu.yield
    }) : () -> ()
    %mul3A_42 = arith.constant 640 : i32
    %mul3A_43 = arith.muli %arg1, %mul3A_42 : i32
    %mul3A_44 = arith.constant 640 : i32
    %mul3A_45 = arith.muli %arg1, %mul3A_44 : i32
    "tpu.region"() ({
      %run_scoped3A = tpu.sem_alloc : memref<!tpu.dma_semaphore, #tpu.memory_space<semaphore_mem>>
      %dma_start3A = arith.constant 0 : i32
      %dma_start3A_46 = tpu.memref_slice %arg7[%arg0, %mul3A_45, %dma_start3A] : memref<2x10240x16xf32, #tpu.memory_space<hbm>> -> memref<1x640x16xf32, #tpu.memory_space<hbm>>
      %dma_start3A_47 = tpu.memref_squeeze %dma_start3A_46 : memref<1x640x16xf32, #tpu.memory_space<hbm>> -> memref<640x16xf32, #tpu.memory_space<hbm>>
      %dma_start3A_48 = arith.constant 0 : i32
      %dma_start3A_49 = tpu.memref_slice %arg12[%mul3A_43, %dma_start3A_48] : memref<10240x16xf32, #tpu.memory_space<vmem_shared>> -> memref<640x16xf32, #tpu.memory_space<vmem_shared>>
      tpu.enqueue_dma source(%dma_start3A_49 : memref<640x16xf32, #tpu.memory_space<vmem_shared>>) target(%dma_start3A_47 : memref<640x16xf32, #tpu.memory_space<hbm>>) target_semaphore(%run_scoped3A : memref<!tpu.dma_semaphore, #tpu.memory_space<semaphore_mem>>)
      %dma_wait3A_50 = arith.constant 0 : i32
      %dma_wait3A_51 = tpu.memref_slice %arg7[%arg0, %mul3A_45, %dma_wait3A_50] : memref<2x10240x16xf32, #tpu.memory_space<hbm>> -> memref<1x640x16xf32, #tpu.memory_space<hbm>>
      %dma_wait3A_52 = tpu.memref_squeeze %dma_wait3A_51 : memref<1x640x16xf32, #tpu.memory_space<hbm>> -> memref<640x16xf32, #tpu.memory_space<hbm>>
      %dma_wait3A_53 = arith.constant 0 : i32
      %dma_wait3A_54 = tpu.memref_slice %arg12[%mul3A_43, %dma_wait3A_53] : memref<10240x16xf32, #tpu.memory_space<vmem_shared>> -> memref<640x16xf32, #tpu.memory_space<vmem_shared>>
      tpu.wait_dma2 semaphore(%run_scoped3A : memref<!tpu.dma_semaphore, #tpu.memory_space<semaphore_mem>>) src(%dma_wait3A_54 : memref<640x16xf32, #tpu.memory_space<vmem_shared>>) dst(%dma_wait3A_52 : memref<640x16xf32, #tpu.memory_space<hbm>>)
      tpu.yield
    }) : () -> ()
    return
  }
}

#map = affine_map<(d0, d1) -> (0, 0)>
#map1 = affine_map<(d0, d1) -> (0, 0, 0, 0)>
#map2 = affine_map<(d0, d1) -> (0, 0, 0)>
module attributes {stable_mosaic.version = 14 : i64} {
  func.func @_agg(%arg0: i32, %arg1: i32, %arg2: memref<20480x64xf32, #tpu.memory_space<hbm>>, %arg3: memref<2x16x158x128xi32, #tpu.memory_space<hbm>>, %arg4: memref<16x158x128xi32, #tpu.memory_space<hbm>>, %arg5: memref<640x64xf32, #tpu.memory_space<hbm>>, %arg6: memref<2x10240x64xf32, #tpu.memory_space<hbm>>, %arg7: memref<158x128xi32, #tpu.memory_space<vmem>>, %arg8: memref<158x128xi32, #tpu.memory_space<vmem>>, %arg9: memref<128x64xf32, #tpu.memory_space<vmem>>, %arg10: memref<128x64xf32, #tpu.memory_space<vmem>>, %arg11: memref<128x64xf32, #tpu.memory_space<vmem>>, %arg12: memref<128x64xf32, #tpu.memory_space<vmem>>, %arg13: memref<128x64xf32, #tpu.memory_space<vmem>>, %arg14: memref<10240x64xf32, #tpu.memory_space<vmem_shared>>, %arg15: memref<!tpu.dma_semaphore, #tpu.memory_space<semaphore_mem>>, %arg16: memref<!tpu.dma_semaphore, #tpu.memory_space<semaphore_mem>>, %arg17: memref<!tpu.dma_semaphore, #tpu.memory_space<semaphore_mem>>, %arg18: memref<!tpu.dma_semaphore, #tpu.memory_space<semaphore_mem>>, %arg19: memref<!tpu.dma_semaphore, #tpu.memory_space<semaphore_mem>>, %arg20: memref<!tpu.dma_semaphore, #tpu.memory_space<semaphore_mem>>, %arg21: memref<!tpu.dma_semaphore, #tpu.memory_space<semaphore_mem>>, %arg22: memref<!tpu.dma_semaphore, #tpu.memory_space<semaphore_mem>>, %arg23: memref<!tpu.dma_semaphore, #tpu.memory_space<semaphore_mem>>, %arg24: memref<!tpu.dma_semaphore, #tpu.memory_space<semaphore_mem>>) attributes {dimension_semantics = [#tpu.dimension_semantics<core_parallel>, #tpu.dimension_semantics<subcore_parallel>], iteration_bounds = array<i64: 2, 16>, scalar_prefetch = 0 : i64, scratch_operands = 18 : i64, tpu.core_type = #tpu.core_type<sc_vector_subcore>, window_params = [{transform_indices = #map}, {transform_indices = #map1}, {transform_indices = #map2}, {transform_indices = #map}, {transform_indices = #map2}]} {
    %mul3A = arith.constant 640 : i32
    %mul3A_0 = arith.muli %arg1, %mul3A : i32
    "tpu.region"() ({
      %run_scoped3A = tpu.sem_alloc : memref<!tpu.dma_semaphore, #tpu.memory_space<semaphore_mem>>
      %dma_start3A_44 = arith.constant 0 : i32
      %dma_start3A_45 = tpu.memref_slice %arg14[%mul3A_0, %dma_start3A_44] : memref<10240x64xf32, #tpu.memory_space<vmem_shared>> -> memref<640x64xf32, #tpu.memory_space<vmem_shared>>
      tpu.enqueue_dma source(%arg5 : memref<640x64xf32, #tpu.memory_space<hbm>>) target(%dma_start3A_45 : memref<640x64xf32, #tpu.memory_space<vmem_shared>>) target_semaphore(%run_scoped3A : memref<!tpu.dma_semaphore, #tpu.memory_space<semaphore_mem>>)
      %dma_wait3A_46 = arith.constant 0 : i32
      %dma_wait3A_47 = tpu.memref_slice %arg14[%mul3A_0, %dma_wait3A_46] : memref<10240x64xf32, #tpu.memory_space<vmem_shared>> -> memref<640x64xf32, #tpu.memory_space<vmem_shared>>
      tpu.wait_dma2 semaphore(%run_scoped3A : memref<!tpu.dma_semaphore, #tpu.memory_space<semaphore_mem>>) src(%arg5 : memref<640x64xf32, #tpu.memory_space<hbm>>) dst(%dma_wait3A_47 : memref<640x64xf32, #tpu.memory_space<vmem_shared>>)
      tpu.yield
    }) : () -> ()
    "tpu.region"() ({
      %run_scoped3A = tpu.sem_alloc : memref<!tpu.dma_semaphore, #tpu.memory_space<semaphore_mem>>
      %dma_start3A_44 = arith.constant 0 : i32
      %dma_start3A_45 = arith.constant 0 : i32
      %dma_start3A_46 = tpu.memref_slice %arg3[%arg0, %arg1, %dma_start3A_44, %dma_start3A_45] : memref<2x16x158x128xi32, #tpu.memory_space<hbm>> -> memref<1x1x158x128xi32, #tpu.memory_space<hbm>>
      %dma_start3A_47 = tpu.memref_squeeze %dma_start3A_46 : memref<1x1x158x128xi32, #tpu.memory_space<hbm>> -> memref<158x128xi32, #tpu.memory_space<hbm>>
      %dma_start3A_48 = arith.constant 0 : i32
      %dma_start3A_49 = arith.constant 0 : i32
      %dma_start3A_50 = tpu.memref_slice %arg3[%arg0, %arg1, %dma_start3A_48, %dma_start3A_49] : memref<2x16x158x128xi32, #tpu.memory_space<hbm>> -> memref<1x1x158x128xi32, #tpu.memory_space<hbm>>
      %dma_start3A_51 = tpu.memref_squeeze %dma_start3A_50 : memref<1x1x158x128xi32, #tpu.memory_space<hbm>> -> memref<158x128xi32, #tpu.memory_space<hbm>>
      tpu.enqueue_dma source(%dma_start3A_51 : memref<158x128xi32, #tpu.memory_space<hbm>>) target(%arg7 : memref<158x128xi32, #tpu.memory_space<vmem>>) target_semaphore(%run_scoped3A : memref<!tpu.dma_semaphore, #tpu.memory_space<semaphore_mem>>)
      %dma_wait3A_52 = arith.constant 0 : i32
      %dma_wait3A_53 = arith.constant 0 : i32
      %dma_wait3A_54 = tpu.memref_slice %arg3[%arg0, %arg1, %dma_wait3A_52, %dma_wait3A_53] : memref<2x16x158x128xi32, #tpu.memory_space<hbm>> -> memref<1x1x158x128xi32, #tpu.memory_space<hbm>>
      %dma_wait3A_55 = tpu.memref_squeeze %dma_wait3A_54 : memref<1x1x158x128xi32, #tpu.memory_space<hbm>> -> memref<158x128xi32, #tpu.memory_space<hbm>>
      %dma_wait3A_56 = arith.constant 0 : i32
      %dma_wait3A_57 = arith.constant 0 : i32
      %dma_wait3A_58 = tpu.memref_slice %arg3[%arg0, %arg1, %dma_wait3A_56, %dma_wait3A_57] : memref<2x16x158x128xi32, #tpu.memory_space<hbm>> -> memref<1x1x158x128xi32, #tpu.memory_space<hbm>>
      %dma_wait3A_59 = tpu.memref_squeeze %dma_wait3A_58 : memref<1x1x158x128xi32, #tpu.memory_space<hbm>> -> memref<158x128xi32, #tpu.memory_space<hbm>>
      tpu.wait_dma2 semaphore(%run_scoped3A : memref<!tpu.dma_semaphore, #tpu.memory_space<semaphore_mem>>) src(%dma_wait3A_59 : memref<158x128xi32, #tpu.memory_space<hbm>>) dst(%arg7 : memref<158x128xi32, #tpu.memory_space<vmem>>)
      tpu.yield
    }) : () -> ()
    "tpu.region"() ({
      %run_scoped3A = tpu.sem_alloc : memref<!tpu.dma_semaphore, #tpu.memory_space<semaphore_mem>>
      %dma_start3A_44 = arith.constant 0 : i32
      %dma_start3A_45 = arith.constant 0 : i32
      %dma_start3A_46 = tpu.memref_slice %arg4[%arg1, %dma_start3A_44, %dma_start3A_45] : memref<16x158x128xi32, #tpu.memory_space<hbm>> -> memref<1x158x128xi32, #tpu.memory_space<hbm>>
      %dma_start3A_47 = tpu.memref_squeeze %dma_start3A_46 : memref<1x158x128xi32, #tpu.memory_space<hbm>> -> memref<158x128xi32, #tpu.memory_space<hbm>>
      %dma_start3A_48 = arith.constant 0 : i32
      %dma_start3A_49 = arith.constant 0 : i32
      %dma_start3A_50 = tpu.memref_slice %arg4[%arg1, %dma_start3A_48, %dma_start3A_49] : memref<16x158x128xi32, #tpu.memory_space<hbm>> -> memref<1x158x128xi32, #tpu.memory_space<hbm>>
      %dma_start3A_51 = tpu.memref_squeeze %dma_start3A_50 : memref<1x158x128xi32, #tpu.memory_space<hbm>> -> memref<158x128xi32, #tpu.memory_space<hbm>>
      tpu.enqueue_dma source(%dma_start3A_51 : memref<158x128xi32, #tpu.memory_space<hbm>>) target(%arg8 : memref<158x128xi32, #tpu.memory_space<vmem>>) target_semaphore(%run_scoped3A : memref<!tpu.dma_semaphore, #tpu.memory_space<semaphore_mem>>)
      %dma_wait3A_52 = arith.constant 0 : i32
      %dma_wait3A_53 = arith.constant 0 : i32
      %dma_wait3A_54 = tpu.memref_slice %arg4[%arg1, %dma_wait3A_52, %dma_wait3A_53] : memref<16x158x128xi32, #tpu.memory_space<hbm>> -> memref<1x158x128xi32, #tpu.memory_space<hbm>>
      %dma_wait3A_55 = tpu.memref_squeeze %dma_wait3A_54 : memref<1x158x128xi32, #tpu.memory_space<hbm>> -> memref<158x128xi32, #tpu.memory_space<hbm>>
      %dma_wait3A_56 = arith.constant 0 : i32
      %dma_wait3A_57 = arith.constant 0 : i32
      %dma_wait3A_58 = tpu.memref_slice %arg4[%arg1, %dma_wait3A_56, %dma_wait3A_57] : memref<16x158x128xi32, #tpu.memory_space<hbm>> -> memref<1x158x128xi32, #tpu.memory_space<hbm>>
      %dma_wait3A_59 = tpu.memref_squeeze %dma_wait3A_58 : memref<1x158x128xi32, #tpu.memory_space<hbm>> -> memref<158x128xi32, #tpu.memory_space<hbm>>
      tpu.wait_dma2 semaphore(%run_scoped3A : memref<!tpu.dma_semaphore, #tpu.memory_space<semaphore_mem>>) src(%dma_wait3A_59 : memref<158x128xi32, #tpu.memory_space<hbm>>) dst(%arg8 : memref<158x128xi32, #tpu.memory_space<vmem>>)
      tpu.yield
    }) : () -> ()
    %barrier3A = arith.constant 0 : index
    tpu.barrier barrier_id(%barrier3A)
    %dma_start3A = arith.constant 0 : i32
    %dma_start3A_1 = arith.constant 0 : i32
    %dma_start3A_2 = tpu.memref_slice %arg7[%dma_start3A, %dma_start3A_1] : memref<158x128xi32, #tpu.memory_space<vmem>> -> memref<1x128xi32, #tpu.memory_space<vmem>>
    %dma_start3A_3 = tpu.memref_squeeze %dma_start3A_2 : memref<1x128xi32, #tpu.memory_space<vmem>> -> memref<128xi32, #tpu.memory_space<vmem>>
    %dma_start3A_4 = arith.constant 0 : i32
    %dma_start3A_5 = arith.constant 0 : i32
    %dma_start3A_6 = tpu.memref_slice %arg2[%dma_start3A_4, %dma_start3A_5] : memref<20480x64xf32, #tpu.memory_space<hbm>> -> memref<20480x64xf32, #tpu.memory_space<hbm>>
    tpu.enqueue_indirect_dma source(%dma_start3A_6 : memref<20480x64xf32, #tpu.memory_space<hbm>>) target(%arg9 : memref<128x64xf32, #tpu.memory_space<vmem>>) offsets(%dma_start3A_3 : memref<128xi32, #tpu.memory_space<vmem>>) semaphore(%arg15 : memref<!tpu.dma_semaphore, #tpu.memory_space<semaphore_mem>>)
    %dma_start3A_7 = arith.constant 1 : i32
    %dma_start3A_8 = arith.constant 0 : i32
    %dma_start3A_9 = tpu.memref_slice %arg7[%dma_start3A_7, %dma_start3A_8] : memref<158x128xi32, #tpu.memory_space<vmem>> -> memref<1x128xi32, #tpu.memory_space<vmem>>
    %dma_start3A_10 = tpu.memref_squeeze %dma_start3A_9 : memref<1x128xi32, #tpu.memory_space<vmem>> -> memref<128xi32, #tpu.memory_space<vmem>>
    %dma_start3A_11 = arith.constant 0 : i32
    %dma_start3A_12 = arith.constant 0 : i32
    %dma_start3A_13 = tpu.memref_slice %arg2[%dma_start3A_11, %dma_start3A_12] : memref<20480x64xf32, #tpu.memory_space<hbm>> -> memref<20480x64xf32, #tpu.memory_space<hbm>>
    tpu.enqueue_indirect_dma source(%dma_start3A_13 : memref<20480x64xf32, #tpu.memory_space<hbm>>) target(%arg10 : memref<128x64xf32, #tpu.memory_space<vmem>>) offsets(%dma_start3A_10 : memref<128xi32, #tpu.memory_space<vmem>>) semaphore(%arg16 : memref<!tpu.dma_semaphore, #tpu.memory_space<semaphore_mem>>)
    %dma_start3A_14 = arith.constant 2 : i32
    %dma_start3A_15 = arith.constant 0 : i32
    %dma_start3A_16 = tpu.memref_slice %arg7[%dma_start3A_14, %dma_start3A_15] : memref<158x128xi32, #tpu.memory_space<vmem>> -> memref<1x128xi32, #tpu.memory_space<vmem>>
    %dma_start3A_17 = tpu.memref_squeeze %dma_start3A_16 : memref<1x128xi32, #tpu.memory_space<vmem>> -> memref<128xi32, #tpu.memory_space<vmem>>
    %dma_start3A_18 = arith.constant 0 : i32
    %dma_start3A_19 = arith.constant 0 : i32
    %dma_start3A_20 = tpu.memref_slice %arg2[%dma_start3A_18, %dma_start3A_19] : memref<20480x64xf32, #tpu.memory_space<hbm>> -> memref<20480x64xf32, #tpu.memory_space<hbm>>
    tpu.enqueue_indirect_dma source(%dma_start3A_20 : memref<20480x64xf32, #tpu.memory_space<hbm>>) target(%arg11 : memref<128x64xf32, #tpu.memory_space<vmem>>) offsets(%dma_start3A_17 : memref<128xi32, #tpu.memory_space<vmem>>) semaphore(%arg17 : memref<!tpu.dma_semaphore, #tpu.memory_space<semaphore_mem>>)
    %dma_start3A_21 = arith.constant 3 : i32
    %dma_start3A_22 = arith.constant 0 : i32
    %dma_start3A_23 = tpu.memref_slice %arg7[%dma_start3A_21, %dma_start3A_22] : memref<158x128xi32, #tpu.memory_space<vmem>> -> memref<1x128xi32, #tpu.memory_space<vmem>>
    %dma_start3A_24 = tpu.memref_squeeze %dma_start3A_23 : memref<1x128xi32, #tpu.memory_space<vmem>> -> memref<128xi32, #tpu.memory_space<vmem>>
    %dma_start3A_25 = arith.constant 0 : i32
    %dma_start3A_26 = arith.constant 0 : i32
    %dma_start3A_27 = tpu.memref_slice %arg2[%dma_start3A_25, %dma_start3A_26] : memref<20480x64xf32, #tpu.memory_space<hbm>> -> memref<20480x64xf32, #tpu.memory_space<hbm>>
    tpu.enqueue_indirect_dma source(%dma_start3A_27 : memref<20480x64xf32, #tpu.memory_space<hbm>>) target(%arg12 : memref<128x64xf32, #tpu.memory_space<vmem>>) offsets(%dma_start3A_24 : memref<128xi32, #tpu.memory_space<vmem>>) semaphore(%arg18 : memref<!tpu.dma_semaphore, #tpu.memory_space<semaphore_mem>>)
    %scan3A = arith.constant 0 : i32
    %scan3A_28 = arith.constant 0 : i32
    %scan3A_29 = arith.constant 158 : i32
    %scan3A_30 = arith.addi %scan3A_28, %scan3A_29 : i32
    %scan3A_31 = arith.constant 1 : i32
    scf.for %scan3A_44 = %scan3A_28 to %scan3A_30 step %scan3A_31  : i32 {
      %jit3A = arith.constant 5 : i32
      %eq3A = arith.constant 0 : i32
      %eq3A_45 = arith.cmpi eq, %jit3A, %eq3A : i32
      %jit3A_46 = arith.constant 1 : i32
      %select_n3A = arith.select %eq3A_45, %jit3A_46, %jit3A : i32
      %rem3A = arith.remsi %scan3A_44, %select_n3A : i32
      %ne3A = arith.constant 0 : i32
      %ne3A_47 = arith.cmpi ne, %rem3A, %ne3A : i32
      %lt3A = arith.constant 0 : i32
      %lt3A_48 = arith.cmpi slt, %rem3A, %lt3A : i32
      %lt3A_49 = arith.constant 0 : i32
      %lt3A_50 = arith.cmpi slt, %select_n3A, %lt3A_49 : i32
      %ne3A_51 = arith.xori %lt3A_48, %lt3A_50 : i1
      %and3A = arith.andi %ne3A_51, %ne3A_47 : i1
      %add3A = arith.addi %rem3A, %select_n3A : i32
      %select_n3A_52 = arith.select %and3A, %add3A, %rem3A : i32
      %eq3A_53 = arith.constant 0 : i32
      %eq3A_54 = arith.cmpi eq, %select_n3A_52, %eq3A_53 : i32
      %convert_element_type3A = arith.extui %eq3A_54 : i1 to i32
      %cond3A = arith.constant 0 : i32
      %cond3A_55 = arith.cmpi ne, %convert_element_type3A, %cond3A : i32
      scf.if %cond3A_55 {
        %gt3A = arith.constant 0 : i32
        %gt3A_140 = arith.cmpi sgt, %scan3A_44, %gt3A : i32
        %convert_element_type3A_141 = arith.extui %gt3A_140 : i1 to i32
        %cond3A_142 = arith.constant 0 : i32
        %cond3A_143 = arith.cmpi ne, %convert_element_type3A_141, %cond3A_142 : i32
        scf.if %cond3A_143 {
          %sub3A_164 = arith.constant 1 : i32
          %sub3A_165 = arith.subi %scan3A_44, %sub3A_164 : i32
          %dma_wait3A_166 = arith.constant 0 : i32
          %dma_wait3A_167 = tpu.memref_slice %arg8[%sub3A_165, %dma_wait3A_166] : memref<158x128xi32, #tpu.memory_space<vmem>> -> memref<1x128xi32, #tpu.memory_space<vmem>>
          %dma_wait3A_168 = tpu.memref_squeeze %dma_wait3A_167 : memref<1x128xi32, #tpu.memory_space<vmem>> -> memref<128xi32, #tpu.memory_space<vmem>>
          %dma_wait3A_169 = arith.constant 0 : i32
          %dma_wait3A_170 = arith.constant 0 : i32
          %dma_wait3A_171 = tpu.memref_slice %arg14[%dma_wait3A_169, %dma_wait3A_170] : memref<10240x64xf32, #tpu.memory_space<vmem_shared>> -> memref<10240x64xf32, #tpu.memory_space<vmem_shared>>
          tpu.wait_indirect_dma semaphore(%arg24 : memref<!tpu.dma_semaphore, #tpu.memory_space<semaphore_mem>>) src(%arg13 : memref<128x64xf32, #tpu.memory_space<vmem>>) dst(%dma_wait3A_171 : memref<10240x64xf32, #tpu.memory_space<vmem_shared>>)
        } else {
        }
        %add3A_144 = arith.constant 5 : i32
        %add3A_145 = arith.addi %scan3A_44, %add3A_144 : i32
        %sub3A = arith.constant 1 : i32
        %sub3A_146 = arith.subi %add3A_145, %sub3A : i32
        %lt3A_147 = arith.constant 158 : i32
        %lt3A_148 = arith.cmpi slt, %sub3A_146, %lt3A_147 : i32
        %convert_element_type3A_149 = arith.extui %lt3A_148 : i1 to i32
        %cond3A_150 = arith.constant 0 : i32
        %cond3A_151 = arith.cmpi ne, %convert_element_type3A_149, %cond3A_150 : i32
        scf.if %cond3A_151 {
          %add3A_164 = arith.constant 5 : i32
          %add3A_165 = arith.addi %scan3A_44, %add3A_164 : i32
          %sub3A_166 = arith.constant 1 : i32
          %sub3A_167 = arith.subi %add3A_165, %sub3A_166 : i32
          %dma_start3A_168 = arith.constant 0 : i32
          %dma_start3A_169 = tpu.memref_slice %arg7[%sub3A_167, %dma_start3A_168] : memref<158x128xi32, #tpu.memory_space<vmem>> -> memref<1x128xi32, #tpu.memory_space<vmem>>
          %dma_start3A_170 = tpu.memref_squeeze %dma_start3A_169 : memref<1x128xi32, #tpu.memory_space<vmem>> -> memref<128xi32, #tpu.memory_space<vmem>>
          %dma_start3A_171 = arith.constant 0 : i32
          %dma_start3A_172 = arith.constant 0 : i32
          %dma_start3A_173 = tpu.memref_slice %arg2[%dma_start3A_171, %dma_start3A_172] : memref<20480x64xf32, #tpu.memory_space<hbm>> -> memref<20480x64xf32, #tpu.memory_space<hbm>>
          tpu.enqueue_indirect_dma source(%dma_start3A_173 : memref<20480x64xf32, #tpu.memory_space<hbm>>) target(%arg13 : memref<128x64xf32, #tpu.memory_space<vmem>>) offsets(%dma_start3A_170 : memref<128xi32, #tpu.memory_space<vmem>>) semaphore(%arg19 : memref<!tpu.dma_semaphore, #tpu.memory_space<semaphore_mem>>)
        } else {
        }
        %dma_wait3A_152 = arith.constant 0 : i32
        %dma_wait3A_153 = tpu.memref_slice %arg7[%scan3A_44, %dma_wait3A_152] : memref<158x128xi32, #tpu.memory_space<vmem>> -> memref<1x128xi32, #tpu.memory_space<vmem>>
        %dma_wait3A_154 = tpu.memref_squeeze %dma_wait3A_153 : memref<1x128xi32, #tpu.memory_space<vmem>> -> memref<128xi32, #tpu.memory_space<vmem>>
        %dma_wait3A_155 = arith.constant 0 : i32
        %dma_wait3A_156 = arith.constant 0 : i32
        %dma_wait3A_157 = tpu.memref_slice %arg2[%dma_wait3A_155, %dma_wait3A_156] : memref<20480x64xf32, #tpu.memory_space<hbm>> -> memref<20480x64xf32, #tpu.memory_space<hbm>>
        tpu.wait_indirect_dma semaphore(%arg15 : memref<!tpu.dma_semaphore, #tpu.memory_space<semaphore_mem>>) src(%dma_wait3A_157 : memref<20480x64xf32, #tpu.memory_space<hbm>>) dst(%arg9 : memref<128x64xf32, #tpu.memory_space<vmem>>)
        %dma_start3A_158 = arith.constant 0 : i32
        %dma_start3A_159 = tpu.memref_slice %arg8[%scan3A_44, %dma_start3A_158] : memref<158x128xi32, #tpu.memory_space<vmem>> -> memref<1x128xi32, #tpu.memory_space<vmem>>
        %dma_start3A_160 = tpu.memref_squeeze %dma_start3A_159 : memref<1x128xi32, #tpu.memory_space<vmem>> -> memref<128xi32, #tpu.memory_space<vmem>>
        %dma_start3A_161 = arith.constant 0 : i32
        %dma_start3A_162 = arith.constant 0 : i32
        %dma_start3A_163 = tpu.memref_slice %arg14[%dma_start3A_161, %dma_start3A_162] : memref<10240x64xf32, #tpu.memory_space<vmem_shared>> -> memref<10240x64xf32, #tpu.memory_space<vmem_shared>>
        tpu.enqueue_indirect_dma source(%arg9 : memref<128x64xf32, #tpu.memory_space<vmem>>) target(%dma_start3A_163 : memref<10240x64xf32, #tpu.memory_space<vmem_shared>>) offsets(%dma_start3A_160 : memref<128xi32, #tpu.memory_space<vmem>>) semaphore(%arg20 : memref<!tpu.dma_semaphore, #tpu.memory_space<semaphore_mem>>) {add = true}
      } else {
      }
      %jit3A_56 = arith.constant 5 : i32
      %eq3A_57 = arith.constant 0 : i32
      %eq3A_58 = arith.cmpi eq, %jit3A_56, %eq3A_57 : i32
      %jit3A_59 = arith.constant 1 : i32
      %select_n3A_60 = arith.select %eq3A_58, %jit3A_59, %jit3A_56 : i32
      %rem3A_61 = arith.remsi %scan3A_44, %select_n3A_60 : i32
      %ne3A_62 = arith.constant 0 : i32
      %ne3A_63 = arith.cmpi ne, %rem3A_61, %ne3A_62 : i32
      %lt3A_64 = arith.constant 0 : i32
      %lt3A_65 = arith.cmpi slt, %rem3A_61, %lt3A_64 : i32
      %lt3A_66 = arith.constant 0 : i32
      %lt3A_67 = arith.cmpi slt, %select_n3A_60, %lt3A_66 : i32
      %ne3A_68 = arith.xori %lt3A_65, %lt3A_67 : i1
      %and3A_69 = arith.andi %ne3A_68, %ne3A_63 : i1
      %add3A_70 = arith.addi %rem3A_61, %select_n3A_60 : i32
      %select_n3A_71 = arith.select %and3A_69, %add3A_70, %rem3A_61 : i32
      %eq3A_72 = arith.constant 1 : i32
      %eq3A_73 = arith.cmpi eq, %select_n3A_71, %eq3A_72 : i32
      %convert_element_type3A_74 = arith.extui %eq3A_73 : i1 to i32
      %cond3A_75 = arith.constant 0 : i32
      %cond3A_76 = arith.cmpi ne, %convert_element_type3A_74, %cond3A_75 : i32
      scf.if %cond3A_76 {
        %gt3A = arith.constant 0 : i32
        %gt3A_140 = arith.cmpi sgt, %scan3A_44, %gt3A : i32
        %convert_element_type3A_141 = arith.extui %gt3A_140 : i1 to i32
        %cond3A_142 = arith.constant 0 : i32
        %cond3A_143 = arith.cmpi ne, %convert_element_type3A_141, %cond3A_142 : i32
        scf.if %cond3A_143 {
          %sub3A_164 = arith.constant 1 : i32
          %sub3A_165 = arith.subi %scan3A_44, %sub3A_164 : i32
          %dma_wait3A_166 = arith.constant 0 : i32
          %dma_wait3A_167 = tpu.memref_slice %arg8[%sub3A_165, %dma_wait3A_166] : memref<158x128xi32, #tpu.memory_space<vmem>> -> memref<1x128xi32, #tpu.memory_space<vmem>>
          %dma_wait3A_168 = tpu.memref_squeeze %dma_wait3A_167 : memref<1x128xi32, #tpu.memory_space<vmem>> -> memref<128xi32, #tpu.memory_space<vmem>>
          %dma_wait3A_169 = arith.constant 0 : i32
          %dma_wait3A_170 = arith.constant 0 : i32
          %dma_wait3A_171 = tpu.memref_slice %arg14[%dma_wait3A_169, %dma_wait3A_170] : memref<10240x64xf32, #tpu.memory_space<vmem_shared>> -> memref<10240x64xf32, #tpu.memory_space<vmem_shared>>
          tpu.wait_indirect_dma semaphore(%arg20 : memref<!tpu.dma_semaphore, #tpu.memory_space<semaphore_mem>>) src(%arg9 : memref<128x64xf32, #tpu.memory_space<vmem>>) dst(%dma_wait3A_171 : memref<10240x64xf32, #tpu.memory_space<vmem_shared>>)
        } else {
        }
        %add3A_144 = arith.constant 5 : i32
        %add3A_145 = arith.addi %scan3A_44, %add3A_144 : i32
        %sub3A = arith.constant 1 : i32
        %sub3A_146 = arith.subi %add3A_145, %sub3A : i32
        %lt3A_147 = arith.constant 158 : i32
        %lt3A_148 = arith.cmpi slt, %sub3A_146, %lt3A_147 : i32
        %convert_element_type3A_149 = arith.extui %lt3A_148 : i1 to i32
        %cond3A_150 = arith.constant 0 : i32
        %cond3A_151 = arith.cmpi ne, %convert_element_type3A_149, %cond3A_150 : i32
        scf.if %cond3A_151 {
          %add3A_164 = arith.constant 5 : i32
          %add3A_165 = arith.addi %scan3A_44, %add3A_164 : i32
          %sub3A_166 = arith.constant 1 : i32
          %sub3A_167 = arith.subi %add3A_165, %sub3A_166 : i32
          %dma_start3A_168 = arith.constant 0 : i32
          %dma_start3A_169 = tpu.memref_slice %arg7[%sub3A_167, %dma_start3A_168] : memref<158x128xi32, #tpu.memory_space<vmem>> -> memref<1x128xi32, #tpu.memory_space<vmem>>
          %dma_start3A_170 = tpu.memref_squeeze %dma_start3A_169 : memref<1x128xi32, #tpu.memory_space<vmem>> -> memref<128xi32, #tpu.memory_space<vmem>>
          %dma_start3A_171 = arith.constant 0 : i32
          %dma_start3A_172 = arith.constant 0 : i32
          %dma_start3A_173 = tpu.memref_slice %arg2[%dma_start3A_171, %dma_start3A_172] : memref<20480x64xf32, #tpu.memory_space<hbm>> -> memref<20480x64xf32, #tpu.memory_space<hbm>>
          tpu.enqueue_indirect_dma source(%dma_start3A_173 : memref<20480x64xf32, #tpu.memory_space<hbm>>) target(%arg9 : memref<128x64xf32, #tpu.memory_space<vmem>>) offsets(%dma_start3A_170 : memref<128xi32, #tpu.memory_space<vmem>>) semaphore(%arg15 : memref<!tpu.dma_semaphore, #tpu.memory_space<semaphore_mem>>)
        } else {
        }
        %dma_wait3A_152 = arith.constant 0 : i32
        %dma_wait3A_153 = tpu.memref_slice %arg7[%scan3A_44, %dma_wait3A_152] : memref<158x128xi32, #tpu.memory_space<vmem>> -> memref<1x128xi32, #tpu.memory_space<vmem>>
        %dma_wait3A_154 = tpu.memref_squeeze %dma_wait3A_153 : memref<1x128xi32, #tpu.memory_space<vmem>> -> memref<128xi32, #tpu.memory_space<vmem>>
        %dma_wait3A_155 = arith.constant 0 : i32
        %dma_wait3A_156 = arith.constant 0 : i32
        %dma_wait3A_157 = tpu.memref_slice %arg2[%dma_wait3A_155, %dma_wait3A_156] : memref<20480x64xf32, #tpu.memory_space<hbm>> -> memref<20480x64xf32, #tpu.memory_space<hbm>>
        tpu.wait_indirect_dma semaphore(%arg16 : memref<!tpu.dma_semaphore, #tpu.memory_space<semaphore_mem>>) src(%dma_wait3A_157 : memref<20480x64xf32, #tpu.memory_space<hbm>>) dst(%arg10 : memref<128x64xf32, #tpu.memory_space<vmem>>)
        %dma_start3A_158 = arith.constant 0 : i32
        %dma_start3A_159 = tpu.memref_slice %arg8[%scan3A_44, %dma_start3A_158] : memref<158x128xi32, #tpu.memory_space<vmem>> -> memref<1x128xi32, #tpu.memory_space<vmem>>
        %dma_start3A_160 = tpu.memref_squeeze %dma_start3A_159 : memref<1x128xi32, #tpu.memory_space<vmem>> -> memref<128xi32, #tpu.memory_space<vmem>>
        %dma_start3A_161 = arith.constant 0 : i32
        %dma_start3A_162 = arith.constant 0 : i32
        %dma_start3A_163 = tpu.memref_slice %arg14[%dma_start3A_161, %dma_start3A_162] : memref<10240x64xf32, #tpu.memory_space<vmem_shared>> -> memref<10240x64xf32, #tpu.memory_space<vmem_shared>>
        tpu.enqueue_indirect_dma source(%arg10 : memref<128x64xf32, #tpu.memory_space<vmem>>) target(%dma_start3A_163 : memref<10240x64xf32, #tpu.memory_space<vmem_shared>>) offsets(%dma_start3A_160 : memref<128xi32, #tpu.memory_space<vmem>>) semaphore(%arg21 : memref<!tpu.dma_semaphore, #tpu.memory_space<semaphore_mem>>) {add = true}
      } else {
      }
      %jit3A_77 = arith.constant 5 : i32
      %eq3A_78 = arith.constant 0 : i32
      %eq3A_79 = arith.cmpi eq, %jit3A_77, %eq3A_78 : i32
      %jit3A_80 = arith.constant 1 : i32
      %select_n3A_81 = arith.select %eq3A_79, %jit3A_80, %jit3A_77 : i32
      %rem3A_82 = arith.remsi %scan3A_44, %select_n3A_81 : i32
      %ne3A_83 = arith.constant 0 : i32
      %ne3A_84 = arith.cmpi ne, %rem3A_82, %ne3A_83 : i32
      %lt3A_85 = arith.constant 0 : i32
      %lt3A_86 = arith.cmpi slt, %rem3A_82, %lt3A_85 : i32
      %lt3A_87 = arith.constant 0 : i32
      %lt3A_88 = arith.cmpi slt, %select_n3A_81, %lt3A_87 : i32
      %ne3A_89 = arith.xori %lt3A_86, %lt3A_88 : i1
      %and3A_90 = arith.andi %ne3A_89, %ne3A_84 : i1
      %add3A_91 = arith.addi %rem3A_82, %select_n3A_81 : i32
      %select_n3A_92 = arith.select %and3A_90, %add3A_91, %rem3A_82 : i32
      %eq3A_93 = arith.constant 2 : i32
      %eq3A_94 = arith.cmpi eq, %select_n3A_92, %eq3A_93 : i32
      %convert_element_type3A_95 = arith.extui %eq3A_94 : i1 to i32
      %cond3A_96 = arith.constant 0 : i32
      %cond3A_97 = arith.cmpi ne, %convert_element_type3A_95, %cond3A_96 : i32
      scf.if %cond3A_97 {
        %gt3A = arith.constant 0 : i32
        %gt3A_140 = arith.cmpi sgt, %scan3A_44, %gt3A : i32
        %convert_element_type3A_141 = arith.extui %gt3A_140 : i1 to i32
        %cond3A_142 = arith.constant 0 : i32
        %cond3A_143 = arith.cmpi ne, %convert_element_type3A_141, %cond3A_142 : i32
        scf.if %cond3A_143 {
          %sub3A_164 = arith.constant 1 : i32
          %sub3A_165 = arith.subi %scan3A_44, %sub3A_164 : i32
          %dma_wait3A_166 = arith.constant 0 : i32
          %dma_wait3A_167 = tpu.memref_slice %arg8[%sub3A_165, %dma_wait3A_166] : memref<158x128xi32, #tpu.memory_space<vmem>> -> memref<1x128xi32, #tpu.memory_space<vmem>>
          %dma_wait3A_168 = tpu.memref_squeeze %dma_wait3A_167 : memref<1x128xi32, #tpu.memory_space<vmem>> -> memref<128xi32, #tpu.memory_space<vmem>>
          %dma_wait3A_169 = arith.constant 0 : i32
          %dma_wait3A_170 = arith.constant 0 : i32
          %dma_wait3A_171 = tpu.memref_slice %arg14[%dma_wait3A_169, %dma_wait3A_170] : memref<10240x64xf32, #tpu.memory_space<vmem_shared>> -> memref<10240x64xf32, #tpu.memory_space<vmem_shared>>
          tpu.wait_indirect_dma semaphore(%arg21 : memref<!tpu.dma_semaphore, #tpu.memory_space<semaphore_mem>>) src(%arg10 : memref<128x64xf32, #tpu.memory_space<vmem>>) dst(%dma_wait3A_171 : memref<10240x64xf32, #tpu.memory_space<vmem_shared>>)
        } else {
        }
        %add3A_144 = arith.constant 5 : i32
        %add3A_145 = arith.addi %scan3A_44, %add3A_144 : i32
        %sub3A = arith.constant 1 : i32
        %sub3A_146 = arith.subi %add3A_145, %sub3A : i32
        %lt3A_147 = arith.constant 158 : i32
        %lt3A_148 = arith.cmpi slt, %sub3A_146, %lt3A_147 : i32
        %convert_element_type3A_149 = arith.extui %lt3A_148 : i1 to i32
        %cond3A_150 = arith.constant 0 : i32
        %cond3A_151 = arith.cmpi ne, %convert_element_type3A_149, %cond3A_150 : i32
        scf.if %cond3A_151 {
          %add3A_164 = arith.constant 5 : i32
          %add3A_165 = arith.addi %scan3A_44, %add3A_164 : i32
          %sub3A_166 = arith.constant 1 : i32
          %sub3A_167 = arith.subi %add3A_165, %sub3A_166 : i32
          %dma_start3A_168 = arith.constant 0 : i32
          %dma_start3A_169 = tpu.memref_slice %arg7[%sub3A_167, %dma_start3A_168] : memref<158x128xi32, #tpu.memory_space<vmem>> -> memref<1x128xi32, #tpu.memory_space<vmem>>
          %dma_start3A_170 = tpu.memref_squeeze %dma_start3A_169 : memref<1x128xi32, #tpu.memory_space<vmem>> -> memref<128xi32, #tpu.memory_space<vmem>>
          %dma_start3A_171 = arith.constant 0 : i32
          %dma_start3A_172 = arith.constant 0 : i32
          %dma_start3A_173 = tpu.memref_slice %arg2[%dma_start3A_171, %dma_start3A_172] : memref<20480x64xf32, #tpu.memory_space<hbm>> -> memref<20480x64xf32, #tpu.memory_space<hbm>>
          tpu.enqueue_indirect_dma source(%dma_start3A_173 : memref<20480x64xf32, #tpu.memory_space<hbm>>) target(%arg10 : memref<128x64xf32, #tpu.memory_space<vmem>>) offsets(%dma_start3A_170 : memref<128xi32, #tpu.memory_space<vmem>>) semaphore(%arg16 : memref<!tpu.dma_semaphore, #tpu.memory_space<semaphore_mem>>)
        } else {
        }
        %dma_wait3A_152 = arith.constant 0 : i32
        %dma_wait3A_153 = tpu.memref_slice %arg7[%scan3A_44, %dma_wait3A_152] : memref<158x128xi32, #tpu.memory_space<vmem>> -> memref<1x128xi32, #tpu.memory_space<vmem>>
        %dma_wait3A_154 = tpu.memref_squeeze %dma_wait3A_153 : memref<1x128xi32, #tpu.memory_space<vmem>> -> memref<128xi32, #tpu.memory_space<vmem>>
        %dma_wait3A_155 = arith.constant 0 : i32
        %dma_wait3A_156 = arith.constant 0 : i32
        %dma_wait3A_157 = tpu.memref_slice %arg2[%dma_wait3A_155, %dma_wait3A_156] : memref<20480x64xf32, #tpu.memory_space<hbm>> -> memref<20480x64xf32, #tpu.memory_space<hbm>>
        tpu.wait_indirect_dma semaphore(%arg17 : memref<!tpu.dma_semaphore, #tpu.memory_space<semaphore_mem>>) src(%dma_wait3A_157 : memref<20480x64xf32, #tpu.memory_space<hbm>>) dst(%arg11 : memref<128x64xf32, #tpu.memory_space<vmem>>)
        %dma_start3A_158 = arith.constant 0 : i32
        %dma_start3A_159 = tpu.memref_slice %arg8[%scan3A_44, %dma_start3A_158] : memref<158x128xi32, #tpu.memory_space<vmem>> -> memref<1x128xi32, #tpu.memory_space<vmem>>
        %dma_start3A_160 = tpu.memref_squeeze %dma_start3A_159 : memref<1x128xi32, #tpu.memory_space<vmem>> -> memref<128xi32, #tpu.memory_space<vmem>>
        %dma_start3A_161 = arith.constant 0 : i32
        %dma_start3A_162 = arith.constant 0 : i32
        %dma_start3A_163 = tpu.memref_slice %arg14[%dma_start3A_161, %dma_start3A_162] : memref<10240x64xf32, #tpu.memory_space<vmem_shared>> -> memref<10240x64xf32, #tpu.memory_space<vmem_shared>>
        tpu.enqueue_indirect_dma source(%arg11 : memref<128x64xf32, #tpu.memory_space<vmem>>) target(%dma_start3A_163 : memref<10240x64xf32, #tpu.memory_space<vmem_shared>>) offsets(%dma_start3A_160 : memref<128xi32, #tpu.memory_space<vmem>>) semaphore(%arg22 : memref<!tpu.dma_semaphore, #tpu.memory_space<semaphore_mem>>) {add = true}
      } else {
      }
      %jit3A_98 = arith.constant 5 : i32
      %eq3A_99 = arith.constant 0 : i32
      %eq3A_100 = arith.cmpi eq, %jit3A_98, %eq3A_99 : i32
      %jit3A_101 = arith.constant 1 : i32
      %select_n3A_102 = arith.select %eq3A_100, %jit3A_101, %jit3A_98 : i32
      %rem3A_103 = arith.remsi %scan3A_44, %select_n3A_102 : i32
      %ne3A_104 = arith.constant 0 : i32
      %ne3A_105 = arith.cmpi ne, %rem3A_103, %ne3A_104 : i32
      %lt3A_106 = arith.constant 0 : i32
      %lt3A_107 = arith.cmpi slt, %rem3A_103, %lt3A_106 : i32
      %lt3A_108 = arith.constant 0 : i32
      %lt3A_109 = arith.cmpi slt, %select_n3A_102, %lt3A_108 : i32
      %ne3A_110 = arith.xori %lt3A_107, %lt3A_109 : i1
      %and3A_111 = arith.andi %ne3A_110, %ne3A_105 : i1
      %add3A_112 = arith.addi %rem3A_103, %select_n3A_102 : i32
      %select_n3A_113 = arith.select %and3A_111, %add3A_112, %rem3A_103 : i32
      %eq3A_114 = arith.constant 3 : i32
      %eq3A_115 = arith.cmpi eq, %select_n3A_113, %eq3A_114 : i32
      %convert_element_type3A_116 = arith.extui %eq3A_115 : i1 to i32
      %cond3A_117 = arith.constant 0 : i32
      %cond3A_118 = arith.cmpi ne, %convert_element_type3A_116, %cond3A_117 : i32
      scf.if %cond3A_118 {
        %gt3A = arith.constant 0 : i32
        %gt3A_140 = arith.cmpi sgt, %scan3A_44, %gt3A : i32
        %convert_element_type3A_141 = arith.extui %gt3A_140 : i1 to i32
        %cond3A_142 = arith.constant 0 : i32
        %cond3A_143 = arith.cmpi ne, %convert_element_type3A_141, %cond3A_142 : i32
        scf.if %cond3A_143 {
          %sub3A_164 = arith.constant 1 : i32
          %sub3A_165 = arith.subi %scan3A_44, %sub3A_164 : i32
          %dma_wait3A_166 = arith.constant 0 : i32
          %dma_wait3A_167 = tpu.memref_slice %arg8[%sub3A_165, %dma_wait3A_166] : memref<158x128xi32, #tpu.memory_space<vmem>> -> memref<1x128xi32, #tpu.memory_space<vmem>>
          %dma_wait3A_168 = tpu.memref_squeeze %dma_wait3A_167 : memref<1x128xi32, #tpu.memory_space<vmem>> -> memref<128xi32, #tpu.memory_space<vmem>>
          %dma_wait3A_169 = arith.constant 0 : i32
          %dma_wait3A_170 = arith.constant 0 : i32
          %dma_wait3A_171 = tpu.memref_slice %arg14[%dma_wait3A_169, %dma_wait3A_170] : memref<10240x64xf32, #tpu.memory_space<vmem_shared>> -> memref<10240x64xf32, #tpu.memory_space<vmem_shared>>
          tpu.wait_indirect_dma semaphore(%arg22 : memref<!tpu.dma_semaphore, #tpu.memory_space<semaphore_mem>>) src(%arg11 : memref<128x64xf32, #tpu.memory_space<vmem>>) dst(%dma_wait3A_171 : memref<10240x64xf32, #tpu.memory_space<vmem_shared>>)
        } else {
        }
        %add3A_144 = arith.constant 5 : i32
        %add3A_145 = arith.addi %scan3A_44, %add3A_144 : i32
        %sub3A = arith.constant 1 : i32
        %sub3A_146 = arith.subi %add3A_145, %sub3A : i32
        %lt3A_147 = arith.constant 158 : i32
        %lt3A_148 = arith.cmpi slt, %sub3A_146, %lt3A_147 : i32
        %convert_element_type3A_149 = arith.extui %lt3A_148 : i1 to i32
        %cond3A_150 = arith.constant 0 : i32
        %cond3A_151 = arith.cmpi ne, %convert_element_type3A_149, %cond3A_150 : i32
        scf.if %cond3A_151 {
          %add3A_164 = arith.constant 5 : i32
          %add3A_165 = arith.addi %scan3A_44, %add3A_164 : i32
          %sub3A_166 = arith.constant 1 : i32
          %sub3A_167 = arith.subi %add3A_165, %sub3A_166 : i32
          %dma_start3A_168 = arith.constant 0 : i32
          %dma_start3A_169 = tpu.memref_slice %arg7[%sub3A_167, %dma_start3A_168] : memref<158x128xi32, #tpu.memory_space<vmem>> -> memref<1x128xi32, #tpu.memory_space<vmem>>
          %dma_start3A_170 = tpu.memref_squeeze %dma_start3A_169 : memref<1x128xi32, #tpu.memory_space<vmem>> -> memref<128xi32, #tpu.memory_space<vmem>>
          %dma_start3A_171 = arith.constant 0 : i32
          %dma_start3A_172 = arith.constant 0 : i32
          %dma_start3A_173 = tpu.memref_slice %arg2[%dma_start3A_171, %dma_start3A_172] : memref<20480x64xf32, #tpu.memory_space<hbm>> -> memref<20480x64xf32, #tpu.memory_space<hbm>>
          tpu.enqueue_indirect_dma source(%dma_start3A_173 : memref<20480x64xf32, #tpu.memory_space<hbm>>) target(%arg11 : memref<128x64xf32, #tpu.memory_space<vmem>>) offsets(%dma_start3A_170 : memref<128xi32, #tpu.memory_space<vmem>>) semaphore(%arg17 : memref<!tpu.dma_semaphore, #tpu.memory_space<semaphore_mem>>)
        } else {
        }
        %dma_wait3A_152 = arith.constant 0 : i32
        %dma_wait3A_153 = tpu.memref_slice %arg7[%scan3A_44, %dma_wait3A_152] : memref<158x128xi32, #tpu.memory_space<vmem>> -> memref<1x128xi32, #tpu.memory_space<vmem>>
        %dma_wait3A_154 = tpu.memref_squeeze %dma_wait3A_153 : memref<1x128xi32, #tpu.memory_space<vmem>> -> memref<128xi32, #tpu.memory_space<vmem>>
        %dma_wait3A_155 = arith.constant 0 : i32
        %dma_wait3A_156 = arith.constant 0 : i32
        %dma_wait3A_157 = tpu.memref_slice %arg2[%dma_wait3A_155, %dma_wait3A_156] : memref<20480x64xf32, #tpu.memory_space<hbm>> -> memref<20480x64xf32, #tpu.memory_space<hbm>>
        tpu.wait_indirect_dma semaphore(%arg18 : memref<!tpu.dma_semaphore, #tpu.memory_space<semaphore_mem>>) src(%dma_wait3A_157 : memref<20480x64xf32, #tpu.memory_space<hbm>>) dst(%arg12 : memref<128x64xf32, #tpu.memory_space<vmem>>)
        %dma_start3A_158 = arith.constant 0 : i32
        %dma_start3A_159 = tpu.memref_slice %arg8[%scan3A_44, %dma_start3A_158] : memref<158x128xi32, #tpu.memory_space<vmem>> -> memref<1x128xi32, #tpu.memory_space<vmem>>
        %dma_start3A_160 = tpu.memref_squeeze %dma_start3A_159 : memref<1x128xi32, #tpu.memory_space<vmem>> -> memref<128xi32, #tpu.memory_space<vmem>>
        %dma_start3A_161 = arith.constant 0 : i32
        %dma_start3A_162 = arith.constant 0 : i32
        %dma_start3A_163 = tpu.memref_slice %arg14[%dma_start3A_161, %dma_start3A_162] : memref<10240x64xf32, #tpu.memory_space<vmem_shared>> -> memref<10240x64xf32, #tpu.memory_space<vmem_shared>>
        tpu.enqueue_indirect_dma source(%arg12 : memref<128x64xf32, #tpu.memory_space<vmem>>) target(%dma_start3A_163 : memref<10240x64xf32, #tpu.memory_space<vmem_shared>>) offsets(%dma_start3A_160 : memref<128xi32, #tpu.memory_space<vmem>>) semaphore(%arg23 : memref<!tpu.dma_semaphore, #tpu.memory_space<semaphore_mem>>) {add = true}
      } else {
      }
      %jit3A_119 = arith.constant 5 : i32
      %eq3A_120 = arith.constant 0 : i32
      %eq3A_121 = arith.cmpi eq, %jit3A_119, %eq3A_120 : i32
      %jit3A_122 = arith.constant 1 : i32
      %select_n3A_123 = arith.select %eq3A_121, %jit3A_122, %jit3A_119 : i32
      %rem3A_124 = arith.remsi %scan3A_44, %select_n3A_123 : i32
      %ne3A_125 = arith.constant 0 : i32
      %ne3A_126 = arith.cmpi ne, %rem3A_124, %ne3A_125 : i32
      %lt3A_127 = arith.constant 0 : i32
      %lt3A_128 = arith.cmpi slt, %rem3A_124, %lt3A_127 : i32
      %lt3A_129 = arith.constant 0 : i32
      %lt3A_130 = arith.cmpi slt, %select_n3A_123, %lt3A_129 : i32
      %ne3A_131 = arith.xori %lt3A_128, %lt3A_130 : i1
      %and3A_132 = arith.andi %ne3A_131, %ne3A_126 : i1
      %add3A_133 = arith.addi %rem3A_124, %select_n3A_123 : i32
      %select_n3A_134 = arith.select %and3A_132, %add3A_133, %rem3A_124 : i32
      %eq3A_135 = arith.constant 4 : i32
      %eq3A_136 = arith.cmpi eq, %select_n3A_134, %eq3A_135 : i32
      %convert_element_type3A_137 = arith.extui %eq3A_136 : i1 to i32
      %cond3A_138 = arith.constant 0 : i32
      %cond3A_139 = arith.cmpi ne, %convert_element_type3A_137, %cond3A_138 : i32
      scf.if %cond3A_139 {
        %gt3A = arith.constant 0 : i32
        %gt3A_140 = arith.cmpi sgt, %scan3A_44, %gt3A : i32
        %convert_element_type3A_141 = arith.extui %gt3A_140 : i1 to i32
        %cond3A_142 = arith.constant 0 : i32
        %cond3A_143 = arith.cmpi ne, %convert_element_type3A_141, %cond3A_142 : i32
        scf.if %cond3A_143 {
          %sub3A_164 = arith.constant 1 : i32
          %sub3A_165 = arith.subi %scan3A_44, %sub3A_164 : i32
          %dma_wait3A_166 = arith.constant 0 : i32
          %dma_wait3A_167 = tpu.memref_slice %arg8[%sub3A_165, %dma_wait3A_166] : memref<158x128xi32, #tpu.memory_space<vmem>> -> memref<1x128xi32, #tpu.memory_space<vmem>>
          %dma_wait3A_168 = tpu.memref_squeeze %dma_wait3A_167 : memref<1x128xi32, #tpu.memory_space<vmem>> -> memref<128xi32, #tpu.memory_space<vmem>>
          %dma_wait3A_169 = arith.constant 0 : i32
          %dma_wait3A_170 = arith.constant 0 : i32
          %dma_wait3A_171 = tpu.memref_slice %arg14[%dma_wait3A_169, %dma_wait3A_170] : memref<10240x64xf32, #tpu.memory_space<vmem_shared>> -> memref<10240x64xf32, #tpu.memory_space<vmem_shared>>
          tpu.wait_indirect_dma semaphore(%arg23 : memref<!tpu.dma_semaphore, #tpu.memory_space<semaphore_mem>>) src(%arg12 : memref<128x64xf32, #tpu.memory_space<vmem>>) dst(%dma_wait3A_171 : memref<10240x64xf32, #tpu.memory_space<vmem_shared>>)
        } else {
        }
        %add3A_144 = arith.constant 5 : i32
        %add3A_145 = arith.addi %scan3A_44, %add3A_144 : i32
        %sub3A = arith.constant 1 : i32
        %sub3A_146 = arith.subi %add3A_145, %sub3A : i32
        %lt3A_147 = arith.constant 158 : i32
        %lt3A_148 = arith.cmpi slt, %sub3A_146, %lt3A_147 : i32
        %convert_element_type3A_149 = arith.extui %lt3A_148 : i1 to i32
        %cond3A_150 = arith.constant 0 : i32
        %cond3A_151 = arith.cmpi ne, %convert_element_type3A_149, %cond3A_150 : i32
        scf.if %cond3A_151 {
          %add3A_164 = arith.constant 5 : i32
          %add3A_165 = arith.addi %scan3A_44, %add3A_164 : i32
          %sub3A_166 = arith.constant 1 : i32
          %sub3A_167 = arith.subi %add3A_165, %sub3A_166 : i32
          %dma_start3A_168 = arith.constant 0 : i32
          %dma_start3A_169 = tpu.memref_slice %arg7[%sub3A_167, %dma_start3A_168] : memref<158x128xi32, #tpu.memory_space<vmem>> -> memref<1x128xi32, #tpu.memory_space<vmem>>
          %dma_start3A_170 = tpu.memref_squeeze %dma_start3A_169 : memref<1x128xi32, #tpu.memory_space<vmem>> -> memref<128xi32, #tpu.memory_space<vmem>>
          %dma_start3A_171 = arith.constant 0 : i32
          %dma_start3A_172 = arith.constant 0 : i32
          %dma_start3A_173 = tpu.memref_slice %arg2[%dma_start3A_171, %dma_start3A_172] : memref<20480x64xf32, #tpu.memory_space<hbm>> -> memref<20480x64xf32, #tpu.memory_space<hbm>>
          tpu.enqueue_indirect_dma source(%dma_start3A_173 : memref<20480x64xf32, #tpu.memory_space<hbm>>) target(%arg12 : memref<128x64xf32, #tpu.memory_space<vmem>>) offsets(%dma_start3A_170 : memref<128xi32, #tpu.memory_space<vmem>>) semaphore(%arg18 : memref<!tpu.dma_semaphore, #tpu.memory_space<semaphore_mem>>)
        } else {
        }
        %dma_wait3A_152 = arith.constant 0 : i32
        %dma_wait3A_153 = tpu.memref_slice %arg7[%scan3A_44, %dma_wait3A_152] : memref<158x128xi32, #tpu.memory_space<vmem>> -> memref<1x128xi32, #tpu.memory_space<vmem>>
        %dma_wait3A_154 = tpu.memref_squeeze %dma_wait3A_153 : memref<1x128xi32, #tpu.memory_space<vmem>> -> memref<128xi32, #tpu.memory_space<vmem>>
        %dma_wait3A_155 = arith.constant 0 : i32
        %dma_wait3A_156 = arith.constant 0 : i32
        %dma_wait3A_157 = tpu.memref_slice %arg2[%dma_wait3A_155, %dma_wait3A_156] : memref<20480x64xf32, #tpu.memory_space<hbm>> -> memref<20480x64xf32, #tpu.memory_space<hbm>>
        tpu.wait_indirect_dma semaphore(%arg19 : memref<!tpu.dma_semaphore, #tpu.memory_space<semaphore_mem>>) src(%dma_wait3A_157 : memref<20480x64xf32, #tpu.memory_space<hbm>>) dst(%arg13 : memref<128x64xf32, #tpu.memory_space<vmem>>)
        %dma_start3A_158 = arith.constant 0 : i32
        %dma_start3A_159 = tpu.memref_slice %arg8[%scan3A_44, %dma_start3A_158] : memref<158x128xi32, #tpu.memory_space<vmem>> -> memref<1x128xi32, #tpu.memory_space<vmem>>
        %dma_start3A_160 = tpu.memref_squeeze %dma_start3A_159 : memref<1x128xi32, #tpu.memory_space<vmem>> -> memref<128xi32, #tpu.memory_space<vmem>>
        %dma_start3A_161 = arith.constant 0 : i32
        %dma_start3A_162 = arith.constant 0 : i32
        %dma_start3A_163 = tpu.memref_slice %arg14[%dma_start3A_161, %dma_start3A_162] : memref<10240x64xf32, #tpu.memory_space<vmem_shared>> -> memref<10240x64xf32, #tpu.memory_space<vmem_shared>>
        tpu.enqueue_indirect_dma source(%arg13 : memref<128x64xf32, #tpu.memory_space<vmem>>) target(%dma_start3A_163 : memref<10240x64xf32, #tpu.memory_space<vmem_shared>>) offsets(%dma_start3A_160 : memref<128xi32, #tpu.memory_space<vmem>>) semaphore(%arg24 : memref<!tpu.dma_semaphore, #tpu.memory_space<semaphore_mem>>) {add = true}
      } else {
      }
    }
    %scan3A_32 = arith.constant 158 : i32
    %dma_wait3A = arith.constant 157 : i32
    %dma_wait3A_33 = arith.constant 0 : i32
    %dma_wait3A_34 = tpu.memref_slice %arg8[%dma_wait3A, %dma_wait3A_33] : memref<158x128xi32, #tpu.memory_space<vmem>> -> memref<1x128xi32, #tpu.memory_space<vmem>>
    %dma_wait3A_35 = tpu.memref_squeeze %dma_wait3A_34 : memref<1x128xi32, #tpu.memory_space<vmem>> -> memref<128xi32, #tpu.memory_space<vmem>>
    %dma_wait3A_36 = arith.constant 0 : i32
    %dma_wait3A_37 = arith.constant 0 : i32
    %dma_wait3A_38 = tpu.memref_slice %arg14[%dma_wait3A_36, %dma_wait3A_37] : memref<10240x64xf32, #tpu.memory_space<vmem_shared>> -> memref<10240x64xf32, #tpu.memory_space<vmem_shared>>
    tpu.wait_indirect_dma semaphore(%arg22 : memref<!tpu.dma_semaphore, #tpu.memory_space<semaphore_mem>>) src(%arg11 : memref<128x64xf32, #tpu.memory_space<vmem>>) dst(%dma_wait3A_38 : memref<10240x64xf32, #tpu.memory_space<vmem_shared>>)
    %barrier3A_39 = arith.constant 0 : index
    tpu.barrier barrier_id(%barrier3A_39)
    %mul3A_40 = arith.constant 640 : i32
    %mul3A_41 = arith.muli %arg1, %mul3A_40 : i32
    %mul3A_42 = arith.constant 640 : i32
    %mul3A_43 = arith.muli %arg1, %mul3A_42 : i32
    "tpu.region"() ({
      %run_scoped3A = tpu.sem_alloc : memref<!tpu.dma_semaphore, #tpu.memory_space<semaphore_mem>>
      %dma_start3A_44 = arith.constant 0 : i32
      %dma_start3A_45 = tpu.memref_slice %arg6[%arg0, %mul3A_43, %dma_start3A_44] : memref<2x10240x64xf32, #tpu.memory_space<hbm>> -> memref<1x640x64xf32, #tpu.memory_space<hbm>>
      %dma_start3A_46 = tpu.memref_squeeze %dma_start3A_45 : memref<1x640x64xf32, #tpu.memory_space<hbm>> -> memref<640x64xf32, #tpu.memory_space<hbm>>
      %dma_start3A_47 = arith.constant 0 : i32
      %dma_start3A_48 = tpu.memref_slice %arg14[%mul3A_41, %dma_start3A_47] : memref<10240x64xf32, #tpu.memory_space<vmem_shared>> -> memref<640x64xf32, #tpu.memory_space<vmem_shared>>
      tpu.enqueue_dma source(%dma_start3A_48 : memref<640x64xf32, #tpu.memory_space<vmem_shared>>) target(%dma_start3A_46 : memref<640x64xf32, #tpu.memory_space<hbm>>) target_semaphore(%run_scoped3A : memref<!tpu.dma_semaphore, #tpu.memory_space<semaphore_mem>>)
      %dma_wait3A_49 = arith.constant 0 : i32
      %dma_wait3A_50 = tpu.memref_slice %arg6[%arg0, %mul3A_43, %dma_wait3A_49] : memref<2x10240x64xf32, #tpu.memory_space<hbm>> -> memref<1x640x64xf32, #tpu.memory_space<hbm>>
      %dma_wait3A_51 = tpu.memref_squeeze %dma_wait3A_50 : memref<1x640x64xf32, #tpu.memory_space<hbm>> -> memref<640x64xf32, #tpu.memory_space<hbm>>
      %dma_wait3A_52 = arith.constant 0 : i32
      %dma_wait3A_53 = tpu.memref_slice %arg14[%mul3A_41, %dma_wait3A_52] : memref<10240x64xf32, #tpu.memory_space<vmem_shared>> -> memref<640x64xf32, #tpu.memory_space<vmem_shared>>
      tpu.wait_dma2 semaphore(%run_scoped3A : memref<!tpu.dma_semaphore, #tpu.memory_space<semaphore_mem>>) src(%dma_wait3A_53 : memref<640x64xf32, #tpu.memory_space<vmem_shared>>) dst(%dma_wait3A_51 : memref<640x64xf32, #tpu.memory_space<hbm>>)
      tpu.yield
    }) : () -> ()
    return
  }
}

#map = affine_map<(d0, d1) -> (0, 0)>
#map1 = affine_map<(d0, d1) -> (0, 0, 0, 0)>
#map2 = affine_map<(d0, d1) -> (0, 0, 0)>
module attributes {stable_mosaic.version = 14 : i64} {
  func.func @_agg(%arg0: i32, %arg1: i32, %arg2: memref<20480x32xf32, #tpu.memory_space<hbm>>, %arg3: memref<2x16x158x128xi32, #tpu.memory_space<hbm>>, %arg4: memref<16x158x128xi32, #tpu.memory_space<hbm>>, %arg5: memref<640x32xf32, #tpu.memory_space<hbm>>, %arg6: memref<2x10240x32xf32, #tpu.memory_space<hbm>>, %arg7: memref<158x128xi32, #tpu.memory_space<vmem>>, %arg8: memref<158x128xi32, #tpu.memory_space<vmem>>, %arg9: memref<128x32xf32, #tpu.memory_space<vmem>>, %arg10: memref<128x32xf32, #tpu.memory_space<vmem>>, %arg11: memref<128x32xf32, #tpu.memory_space<vmem>>, %arg12: memref<128x32xf32, #tpu.memory_space<vmem>>, %arg13: memref<128x32xf32, #tpu.memory_space<vmem>>, %arg14: memref<10240x32xf32, #tpu.memory_space<vmem_shared>>, %arg15: memref<!tpu.dma_semaphore, #tpu.memory_space<semaphore_mem>>, %arg16: memref<!tpu.dma_semaphore, #tpu.memory_space<semaphore_mem>>, %arg17: memref<!tpu.dma_semaphore, #tpu.memory_space<semaphore_mem>>, %arg18: memref<!tpu.dma_semaphore, #tpu.memory_space<semaphore_mem>>, %arg19: memref<!tpu.dma_semaphore, #tpu.memory_space<semaphore_mem>>, %arg20: memref<!tpu.dma_semaphore, #tpu.memory_space<semaphore_mem>>, %arg21: memref<!tpu.dma_semaphore, #tpu.memory_space<semaphore_mem>>, %arg22: memref<!tpu.dma_semaphore, #tpu.memory_space<semaphore_mem>>, %arg23: memref<!tpu.dma_semaphore, #tpu.memory_space<semaphore_mem>>, %arg24: memref<!tpu.dma_semaphore, #tpu.memory_space<semaphore_mem>>) attributes {dimension_semantics = [#tpu.dimension_semantics<core_parallel>, #tpu.dimension_semantics<subcore_parallel>], iteration_bounds = array<i64: 2, 16>, scalar_prefetch = 0 : i64, scratch_operands = 18 : i64, tpu.core_type = #tpu.core_type<sc_vector_subcore>, window_params = [{transform_indices = #map}, {transform_indices = #map1}, {transform_indices = #map2}, {transform_indices = #map}, {transform_indices = #map2}]} {
    %mul3A = arith.constant 640 : i32
    %mul3A_0 = arith.muli %arg1, %mul3A : i32
    "tpu.region"() ({
      %run_scoped3A = tpu.sem_alloc : memref<!tpu.dma_semaphore, #tpu.memory_space<semaphore_mem>>
      %dma_start3A_44 = arith.constant 0 : i32
      %dma_start3A_45 = tpu.memref_slice %arg14[%mul3A_0, %dma_start3A_44] : memref<10240x32xf32, #tpu.memory_space<vmem_shared>> -> memref<640x32xf32, #tpu.memory_space<vmem_shared>>
      tpu.enqueue_dma source(%arg5 : memref<640x32xf32, #tpu.memory_space<hbm>>) target(%dma_start3A_45 : memref<640x32xf32, #tpu.memory_space<vmem_shared>>) target_semaphore(%run_scoped3A : memref<!tpu.dma_semaphore, #tpu.memory_space<semaphore_mem>>)
      %dma_wait3A_46 = arith.constant 0 : i32
      %dma_wait3A_47 = tpu.memref_slice %arg14[%mul3A_0, %dma_wait3A_46] : memref<10240x32xf32, #tpu.memory_space<vmem_shared>> -> memref<640x32xf32, #tpu.memory_space<vmem_shared>>
      tpu.wait_dma2 semaphore(%run_scoped3A : memref<!tpu.dma_semaphore, #tpu.memory_space<semaphore_mem>>) src(%arg5 : memref<640x32xf32, #tpu.memory_space<hbm>>) dst(%dma_wait3A_47 : memref<640x32xf32, #tpu.memory_space<vmem_shared>>)
      tpu.yield
    }) : () -> ()
    "tpu.region"() ({
      %run_scoped3A = tpu.sem_alloc : memref<!tpu.dma_semaphore, #tpu.memory_space<semaphore_mem>>
      %dma_start3A_44 = arith.constant 0 : i32
      %dma_start3A_45 = arith.constant 0 : i32
      %dma_start3A_46 = tpu.memref_slice %arg3[%arg0, %arg1, %dma_start3A_44, %dma_start3A_45] : memref<2x16x158x128xi32, #tpu.memory_space<hbm>> -> memref<1x1x158x128xi32, #tpu.memory_space<hbm>>
      %dma_start3A_47 = tpu.memref_squeeze %dma_start3A_46 : memref<1x1x158x128xi32, #tpu.memory_space<hbm>> -> memref<158x128xi32, #tpu.memory_space<hbm>>
      %dma_start3A_48 = arith.constant 0 : i32
      %dma_start3A_49 = arith.constant 0 : i32
      %dma_start3A_50 = tpu.memref_slice %arg3[%arg0, %arg1, %dma_start3A_48, %dma_start3A_49] : memref<2x16x158x128xi32, #tpu.memory_space<hbm>> -> memref<1x1x158x128xi32, #tpu.memory_space<hbm>>
      %dma_start3A_51 = tpu.memref_squeeze %dma_start3A_50 : memref<1x1x158x128xi32, #tpu.memory_space<hbm>> -> memref<158x128xi32, #tpu.memory_space<hbm>>
      tpu.enqueue_dma source(%dma_start3A_51 : memref<158x128xi32, #tpu.memory_space<hbm>>) target(%arg7 : memref<158x128xi32, #tpu.memory_space<vmem>>) target_semaphore(%run_scoped3A : memref<!tpu.dma_semaphore, #tpu.memory_space<semaphore_mem>>)
      %dma_wait3A_52 = arith.constant 0 : i32
      %dma_wait3A_53 = arith.constant 0 : i32
      %dma_wait3A_54 = tpu.memref_slice %arg3[%arg0, %arg1, %dma_wait3A_52, %dma_wait3A_53] : memref<2x16x158x128xi32, #tpu.memory_space<hbm>> -> memref<1x1x158x128xi32, #tpu.memory_space<hbm>>
      %dma_wait3A_55 = tpu.memref_squeeze %dma_wait3A_54 : memref<1x1x158x128xi32, #tpu.memory_space<hbm>> -> memref<158x128xi32, #tpu.memory_space<hbm>>
      %dma_wait3A_56 = arith.constant 0 : i32
      %dma_wait3A_57 = arith.constant 0 : i32
      %dma_wait3A_58 = tpu.memref_slice %arg3[%arg0, %arg1, %dma_wait3A_56, %dma_wait3A_57] : memref<2x16x158x128xi32, #tpu.memory_space<hbm>> -> memref<1x1x158x128xi32, #tpu.memory_space<hbm>>
      %dma_wait3A_59 = tpu.memref_squeeze %dma_wait3A_58 : memref<1x1x158x128xi32, #tpu.memory_space<hbm>> -> memref<158x128xi32, #tpu.memory_space<hbm>>
      tpu.wait_dma2 semaphore(%run_scoped3A : memref<!tpu.dma_semaphore, #tpu.memory_space<semaphore_mem>>) src(%dma_wait3A_59 : memref<158x128xi32, #tpu.memory_space<hbm>>) dst(%arg7 : memref<158x128xi32, #tpu.memory_space<vmem>>)
      tpu.yield
    }) : () -> ()
    "tpu.region"() ({
      %run_scoped3A = tpu.sem_alloc : memref<!tpu.dma_semaphore, #tpu.memory_space<semaphore_mem>>
      %dma_start3A_44 = arith.constant 0 : i32
      %dma_start3A_45 = arith.constant 0 : i32
      %dma_start3A_46 = tpu.memref_slice %arg4[%arg1, %dma_start3A_44, %dma_start3A_45] : memref<16x158x128xi32, #tpu.memory_space<hbm>> -> memref<1x158x128xi32, #tpu.memory_space<hbm>>
      %dma_start3A_47 = tpu.memref_squeeze %dma_start3A_46 : memref<1x158x128xi32, #tpu.memory_space<hbm>> -> memref<158x128xi32, #tpu.memory_space<hbm>>
      %dma_start3A_48 = arith.constant 0 : i32
      %dma_start3A_49 = arith.constant 0 : i32
      %dma_start3A_50 = tpu.memref_slice %arg4[%arg1, %dma_start3A_48, %dma_start3A_49] : memref<16x158x128xi32, #tpu.memory_space<hbm>> -> memref<1x158x128xi32, #tpu.memory_space<hbm>>
      %dma_start3A_51 = tpu.memref_squeeze %dma_start3A_50 : memref<1x158x128xi32, #tpu.memory_space<hbm>> -> memref<158x128xi32, #tpu.memory_space<hbm>>
      tpu.enqueue_dma source(%dma_start3A_51 : memref<158x128xi32, #tpu.memory_space<hbm>>) target(%arg8 : memref<158x128xi32, #tpu.memory_space<vmem>>) target_semaphore(%run_scoped3A : memref<!tpu.dma_semaphore, #tpu.memory_space<semaphore_mem>>)
      %dma_wait3A_52 = arith.constant 0 : i32
      %dma_wait3A_53 = arith.constant 0 : i32
      %dma_wait3A_54 = tpu.memref_slice %arg4[%arg1, %dma_wait3A_52, %dma_wait3A_53] : memref<16x158x128xi32, #tpu.memory_space<hbm>> -> memref<1x158x128xi32, #tpu.memory_space<hbm>>
      %dma_wait3A_55 = tpu.memref_squeeze %dma_wait3A_54 : memref<1x158x128xi32, #tpu.memory_space<hbm>> -> memref<158x128xi32, #tpu.memory_space<hbm>>
      %dma_wait3A_56 = arith.constant 0 : i32
      %dma_wait3A_57 = arith.constant 0 : i32
      %dma_wait3A_58 = tpu.memref_slice %arg4[%arg1, %dma_wait3A_56, %dma_wait3A_57] : memref<16x158x128xi32, #tpu.memory_space<hbm>> -> memref<1x158x128xi32, #tpu.memory_space<hbm>>
      %dma_wait3A_59 = tpu.memref_squeeze %dma_wait3A_58 : memref<1x158x128xi32, #tpu.memory_space<hbm>> -> memref<158x128xi32, #tpu.memory_space<hbm>>
      tpu.wait_dma2 semaphore(%run_scoped3A : memref<!tpu.dma_semaphore, #tpu.memory_space<semaphore_mem>>) src(%dma_wait3A_59 : memref<158x128xi32, #tpu.memory_space<hbm>>) dst(%arg8 : memref<158x128xi32, #tpu.memory_space<vmem>>)
      tpu.yield
    }) : () -> ()
    %barrier3A = arith.constant 0 : index
    tpu.barrier barrier_id(%barrier3A)
    %dma_start3A = arith.constant 0 : i32
    %dma_start3A_1 = arith.constant 0 : i32
    %dma_start3A_2 = tpu.memref_slice %arg7[%dma_start3A, %dma_start3A_1] : memref<158x128xi32, #tpu.memory_space<vmem>> -> memref<1x128xi32, #tpu.memory_space<vmem>>
    %dma_start3A_3 = tpu.memref_squeeze %dma_start3A_2 : memref<1x128xi32, #tpu.memory_space<vmem>> -> memref<128xi32, #tpu.memory_space<vmem>>
    %dma_start3A_4 = arith.constant 0 : i32
    %dma_start3A_5 = arith.constant 0 : i32
    %dma_start3A_6 = tpu.memref_slice %arg2[%dma_start3A_4, %dma_start3A_5] : memref<20480x32xf32, #tpu.memory_space<hbm>> -> memref<20480x32xf32, #tpu.memory_space<hbm>>
    tpu.enqueue_indirect_dma source(%dma_start3A_6 : memref<20480x32xf32, #tpu.memory_space<hbm>>) target(%arg9 : memref<128x32xf32, #tpu.memory_space<vmem>>) offsets(%dma_start3A_3 : memref<128xi32, #tpu.memory_space<vmem>>) semaphore(%arg15 : memref<!tpu.dma_semaphore, #tpu.memory_space<semaphore_mem>>)
    %dma_start3A_7 = arith.constant 1 : i32
    %dma_start3A_8 = arith.constant 0 : i32
    %dma_start3A_9 = tpu.memref_slice %arg7[%dma_start3A_7, %dma_start3A_8] : memref<158x128xi32, #tpu.memory_space<vmem>> -> memref<1x128xi32, #tpu.memory_space<vmem>>
    %dma_start3A_10 = tpu.memref_squeeze %dma_start3A_9 : memref<1x128xi32, #tpu.memory_space<vmem>> -> memref<128xi32, #tpu.memory_space<vmem>>
    %dma_start3A_11 = arith.constant 0 : i32
    %dma_start3A_12 = arith.constant 0 : i32
    %dma_start3A_13 = tpu.memref_slice %arg2[%dma_start3A_11, %dma_start3A_12] : memref<20480x32xf32, #tpu.memory_space<hbm>> -> memref<20480x32xf32, #tpu.memory_space<hbm>>
    tpu.enqueue_indirect_dma source(%dma_start3A_13 : memref<20480x32xf32, #tpu.memory_space<hbm>>) target(%arg10 : memref<128x32xf32, #tpu.memory_space<vmem>>) offsets(%dma_start3A_10 : memref<128xi32, #tpu.memory_space<vmem>>) semaphore(%arg16 : memref<!tpu.dma_semaphore, #tpu.memory_space<semaphore_mem>>)
    %dma_start3A_14 = arith.constant 2 : i32
    %dma_start3A_15 = arith.constant 0 : i32
    %dma_start3A_16 = tpu.memref_slice %arg7[%dma_start3A_14, %dma_start3A_15] : memref<158x128xi32, #tpu.memory_space<vmem>> -> memref<1x128xi32, #tpu.memory_space<vmem>>
    %dma_start3A_17 = tpu.memref_squeeze %dma_start3A_16 : memref<1x128xi32, #tpu.memory_space<vmem>> -> memref<128xi32, #tpu.memory_space<vmem>>
    %dma_start3A_18 = arith.constant 0 : i32
    %dma_start3A_19 = arith.constant 0 : i32
    %dma_start3A_20 = tpu.memref_slice %arg2[%dma_start3A_18, %dma_start3A_19] : memref<20480x32xf32, #tpu.memory_space<hbm>> -> memref<20480x32xf32, #tpu.memory_space<hbm>>
    tpu.enqueue_indirect_dma source(%dma_start3A_20 : memref<20480x32xf32, #tpu.memory_space<hbm>>) target(%arg11 : memref<128x32xf32, #tpu.memory_space<vmem>>) offsets(%dma_start3A_17 : memref<128xi32, #tpu.memory_space<vmem>>) semaphore(%arg17 : memref<!tpu.dma_semaphore, #tpu.memory_space<semaphore_mem>>)
    %dma_start3A_21 = arith.constant 3 : i32
    %dma_start3A_22 = arith.constant 0 : i32
    %dma_start3A_23 = tpu.memref_slice %arg7[%dma_start3A_21, %dma_start3A_22] : memref<158x128xi32, #tpu.memory_space<vmem>> -> memref<1x128xi32, #tpu.memory_space<vmem>>
    %dma_start3A_24 = tpu.memref_squeeze %dma_start3A_23 : memref<1x128xi32, #tpu.memory_space<vmem>> -> memref<128xi32, #tpu.memory_space<vmem>>
    %dma_start3A_25 = arith.constant 0 : i32
    %dma_start3A_26 = arith.constant 0 : i32
    %dma_start3A_27 = tpu.memref_slice %arg2[%dma_start3A_25, %dma_start3A_26] : memref<20480x32xf32, #tpu.memory_space<hbm>> -> memref<20480x32xf32, #tpu.memory_space<hbm>>
    tpu.enqueue_indirect_dma source(%dma_start3A_27 : memref<20480x32xf32, #tpu.memory_space<hbm>>) target(%arg12 : memref<128x32xf32, #tpu.memory_space<vmem>>) offsets(%dma_start3A_24 : memref<128xi32, #tpu.memory_space<vmem>>) semaphore(%arg18 : memref<!tpu.dma_semaphore, #tpu.memory_space<semaphore_mem>>)
    %scan3A = arith.constant 0 : i32
    %scan3A_28 = arith.constant 0 : i32
    %scan3A_29 = arith.constant 158 : i32
    %scan3A_30 = arith.addi %scan3A_28, %scan3A_29 : i32
    %scan3A_31 = arith.constant 1 : i32
    scf.for %scan3A_44 = %scan3A_28 to %scan3A_30 step %scan3A_31  : i32 {
      %jit3A = arith.constant 5 : i32
      %eq3A = arith.constant 0 : i32
      %eq3A_45 = arith.cmpi eq, %jit3A, %eq3A : i32
      %jit3A_46 = arith.constant 1 : i32
      %select_n3A = arith.select %eq3A_45, %jit3A_46, %jit3A : i32
      %rem3A = arith.remsi %scan3A_44, %select_n3A : i32
      %ne3A = arith.constant 0 : i32
      %ne3A_47 = arith.cmpi ne, %rem3A, %ne3A : i32
      %lt3A = arith.constant 0 : i32
      %lt3A_48 = arith.cmpi slt, %rem3A, %lt3A : i32
      %lt3A_49 = arith.constant 0 : i32
      %lt3A_50 = arith.cmpi slt, %select_n3A, %lt3A_49 : i32
      %ne3A_51 = arith.xori %lt3A_48, %lt3A_50 : i1
      %and3A = arith.andi %ne3A_51, %ne3A_47 : i1
      %add3A = arith.addi %rem3A, %select_n3A : i32
      %select_n3A_52 = arith.select %and3A, %add3A, %rem3A : i32
      %eq3A_53 = arith.constant 0 : i32
      %eq3A_54 = arith.cmpi eq, %select_n3A_52, %eq3A_53 : i32
      %convert_element_type3A = arith.extui %eq3A_54 : i1 to i32
      %cond3A = arith.constant 0 : i32
      %cond3A_55 = arith.cmpi ne, %convert_element_type3A, %cond3A : i32
      scf.if %cond3A_55 {
        %gt3A = arith.constant 0 : i32
        %gt3A_140 = arith.cmpi sgt, %scan3A_44, %gt3A : i32
        %convert_element_type3A_141 = arith.extui %gt3A_140 : i1 to i32
        %cond3A_142 = arith.constant 0 : i32
        %cond3A_143 = arith.cmpi ne, %convert_element_type3A_141, %cond3A_142 : i32
        scf.if %cond3A_143 {
          %sub3A_164 = arith.constant 1 : i32
          %sub3A_165 = arith.subi %scan3A_44, %sub3A_164 : i32
          %dma_wait3A_166 = arith.constant 0 : i32
          %dma_wait3A_167 = tpu.memref_slice %arg8[%sub3A_165, %dma_wait3A_166] : memref<158x128xi32, #tpu.memory_space<vmem>> -> memref<1x128xi32, #tpu.memory_space<vmem>>
          %dma_wait3A_168 = tpu.memref_squeeze %dma_wait3A_167 : memref<1x128xi32, #tpu.memory_space<vmem>> -> memref<128xi32, #tpu.memory_space<vmem>>
          %dma_wait3A_169 = arith.constant 0 : i32
          %dma_wait3A_170 = arith.constant 0 : i32
          %dma_wait3A_171 = tpu.memref_slice %arg14[%dma_wait3A_169, %dma_wait3A_170] : memref<10240x32xf32, #tpu.memory_space<vmem_shared>> -> memref<10240x32xf32, #tpu.memory_space<vmem_shared>>
          tpu.wait_indirect_dma semaphore(%arg24 : memref<!tpu.dma_semaphore, #tpu.memory_space<semaphore_mem>>) src(%arg13 : memref<128x32xf32, #tpu.memory_space<vmem>>) dst(%dma_wait3A_171 : memref<10240x32xf32, #tpu.memory_space<vmem_shared>>)
        } else {
        }
        %add3A_144 = arith.constant 5 : i32
        %add3A_145 = arith.addi %scan3A_44, %add3A_144 : i32
        %sub3A = arith.constant 1 : i32
        %sub3A_146 = arith.subi %add3A_145, %sub3A : i32
        %lt3A_147 = arith.constant 158 : i32
        %lt3A_148 = arith.cmpi slt, %sub3A_146, %lt3A_147 : i32
        %convert_element_type3A_149 = arith.extui %lt3A_148 : i1 to i32
        %cond3A_150 = arith.constant 0 : i32
        %cond3A_151 = arith.cmpi ne, %convert_element_type3A_149, %cond3A_150 : i32
        scf.if %cond3A_151 {
          %add3A_164 = arith.constant 5 : i32
          %add3A_165 = arith.addi %scan3A_44, %add3A_164 : i32
          %sub3A_166 = arith.constant 1 : i32
          %sub3A_167 = arith.subi %add3A_165, %sub3A_166 : i32
          %dma_start3A_168 = arith.constant 0 : i32
          %dma_start3A_169 = tpu.memref_slice %arg7[%sub3A_167, %dma_start3A_168] : memref<158x128xi32, #tpu.memory_space<vmem>> -> memref<1x128xi32, #tpu.memory_space<vmem>>
          %dma_start3A_170 = tpu.memref_squeeze %dma_start3A_169 : memref<1x128xi32, #tpu.memory_space<vmem>> -> memref<128xi32, #tpu.memory_space<vmem>>
          %dma_start3A_171 = arith.constant 0 : i32
          %dma_start3A_172 = arith.constant 0 : i32
          %dma_start3A_173 = tpu.memref_slice %arg2[%dma_start3A_171, %dma_start3A_172] : memref<20480x32xf32, #tpu.memory_space<hbm>> -> memref<20480x32xf32, #tpu.memory_space<hbm>>
          tpu.enqueue_indirect_dma source(%dma_start3A_173 : memref<20480x32xf32, #tpu.memory_space<hbm>>) target(%arg13 : memref<128x32xf32, #tpu.memory_space<vmem>>) offsets(%dma_start3A_170 : memref<128xi32, #tpu.memory_space<vmem>>) semaphore(%arg19 : memref<!tpu.dma_semaphore, #tpu.memory_space<semaphore_mem>>)
        } else {
        }
        %dma_wait3A_152 = arith.constant 0 : i32
        %dma_wait3A_153 = tpu.memref_slice %arg7[%scan3A_44, %dma_wait3A_152] : memref<158x128xi32, #tpu.memory_space<vmem>> -> memref<1x128xi32, #tpu.memory_space<vmem>>
        %dma_wait3A_154 = tpu.memref_squeeze %dma_wait3A_153 : memref<1x128xi32, #tpu.memory_space<vmem>> -> memref<128xi32, #tpu.memory_space<vmem>>
        %dma_wait3A_155 = arith.constant 0 : i32
        %dma_wait3A_156 = arith.constant 0 : i32
        %dma_wait3A_157 = tpu.memref_slice %arg2[%dma_wait3A_155, %dma_wait3A_156] : memref<20480x32xf32, #tpu.memory_space<hbm>> -> memref<20480x32xf32, #tpu.memory_space<hbm>>
        tpu.wait_indirect_dma semaphore(%arg15 : memref<!tpu.dma_semaphore, #tpu.memory_space<semaphore_mem>>) src(%dma_wait3A_157 : memref<20480x32xf32, #tpu.memory_space<hbm>>) dst(%arg9 : memref<128x32xf32, #tpu.memory_space<vmem>>)
        %dma_start3A_158 = arith.constant 0 : i32
        %dma_start3A_159 = tpu.memref_slice %arg8[%scan3A_44, %dma_start3A_158] : memref<158x128xi32, #tpu.memory_space<vmem>> -> memref<1x128xi32, #tpu.memory_space<vmem>>
        %dma_start3A_160 = tpu.memref_squeeze %dma_start3A_159 : memref<1x128xi32, #tpu.memory_space<vmem>> -> memref<128xi32, #tpu.memory_space<vmem>>
        %dma_start3A_161 = arith.constant 0 : i32
        %dma_start3A_162 = arith.constant 0 : i32
        %dma_start3A_163 = tpu.memref_slice %arg14[%dma_start3A_161, %dma_start3A_162] : memref<10240x32xf32, #tpu.memory_space<vmem_shared>> -> memref<10240x32xf32, #tpu.memory_space<vmem_shared>>
        tpu.enqueue_indirect_dma source(%arg9 : memref<128x32xf32, #tpu.memory_space<vmem>>) target(%dma_start3A_163 : memref<10240x32xf32, #tpu.memory_space<vmem_shared>>) offsets(%dma_start3A_160 : memref<128xi32, #tpu.memory_space<vmem>>) semaphore(%arg20 : memref<!tpu.dma_semaphore, #tpu.memory_space<semaphore_mem>>) {add = true}
      } else {
      }
      %jit3A_56 = arith.constant 5 : i32
      %eq3A_57 = arith.constant 0 : i32
      %eq3A_58 = arith.cmpi eq, %jit3A_56, %eq3A_57 : i32
      %jit3A_59 = arith.constant 1 : i32
      %select_n3A_60 = arith.select %eq3A_58, %jit3A_59, %jit3A_56 : i32
      %rem3A_61 = arith.remsi %scan3A_44, %select_n3A_60 : i32
      %ne3A_62 = arith.constant 0 : i32
      %ne3A_63 = arith.cmpi ne, %rem3A_61, %ne3A_62 : i32
      %lt3A_64 = arith.constant 0 : i32
      %lt3A_65 = arith.cmpi slt, %rem3A_61, %lt3A_64 : i32
      %lt3A_66 = arith.constant 0 : i32
      %lt3A_67 = arith.cmpi slt, %select_n3A_60, %lt3A_66 : i32
      %ne3A_68 = arith.xori %lt3A_65, %lt3A_67 : i1
      %and3A_69 = arith.andi %ne3A_68, %ne3A_63 : i1
      %add3A_70 = arith.addi %rem3A_61, %select_n3A_60 : i32
      %select_n3A_71 = arith.select %and3A_69, %add3A_70, %rem3A_61 : i32
      %eq3A_72 = arith.constant 1 : i32
      %eq3A_73 = arith.cmpi eq, %select_n3A_71, %eq3A_72 : i32
      %convert_element_type3A_74 = arith.extui %eq3A_73 : i1 to i32
      %cond3A_75 = arith.constant 0 : i32
      %cond3A_76 = arith.cmpi ne, %convert_element_type3A_74, %cond3A_75 : i32
      scf.if %cond3A_76 {
        %gt3A = arith.constant 0 : i32
        %gt3A_140 = arith.cmpi sgt, %scan3A_44, %gt3A : i32
        %convert_element_type3A_141 = arith.extui %gt3A_140 : i1 to i32
        %cond3A_142 = arith.constant 0 : i32
        %cond3A_143 = arith.cmpi ne, %convert_element_type3A_141, %cond3A_142 : i32
        scf.if %cond3A_143 {
          %sub3A_164 = arith.constant 1 : i32
          %sub3A_165 = arith.subi %scan3A_44, %sub3A_164 : i32
          %dma_wait3A_166 = arith.constant 0 : i32
          %dma_wait3A_167 = tpu.memref_slice %arg8[%sub3A_165, %dma_wait3A_166] : memref<158x128xi32, #tpu.memory_space<vmem>> -> memref<1x128xi32, #tpu.memory_space<vmem>>
          %dma_wait3A_168 = tpu.memref_squeeze %dma_wait3A_167 : memref<1x128xi32, #tpu.memory_space<vmem>> -> memref<128xi32, #tpu.memory_space<vmem>>
          %dma_wait3A_169 = arith.constant 0 : i32
          %dma_wait3A_170 = arith.constant 0 : i32
          %dma_wait3A_171 = tpu.memref_slice %arg14[%dma_wait3A_169, %dma_wait3A_170] : memref<10240x32xf32, #tpu.memory_space<vmem_shared>> -> memref<10240x32xf32, #tpu.memory_space<vmem_shared>>
          tpu.wait_indirect_dma semaphore(%arg20 : memref<!tpu.dma_semaphore, #tpu.memory_space<semaphore_mem>>) src(%arg9 : memref<128x32xf32, #tpu.memory_space<vmem>>) dst(%dma_wait3A_171 : memref<10240x32xf32, #tpu.memory_space<vmem_shared>>)
        } else {
        }
        %add3A_144 = arith.constant 5 : i32
        %add3A_145 = arith.addi %scan3A_44, %add3A_144 : i32
        %sub3A = arith.constant 1 : i32
        %sub3A_146 = arith.subi %add3A_145, %sub3A : i32
        %lt3A_147 = arith.constant 158 : i32
        %lt3A_148 = arith.cmpi slt, %sub3A_146, %lt3A_147 : i32
        %convert_element_type3A_149 = arith.extui %lt3A_148 : i1 to i32
        %cond3A_150 = arith.constant 0 : i32
        %cond3A_151 = arith.cmpi ne, %convert_element_type3A_149, %cond3A_150 : i32
        scf.if %cond3A_151 {
          %add3A_164 = arith.constant 5 : i32
          %add3A_165 = arith.addi %scan3A_44, %add3A_164 : i32
          %sub3A_166 = arith.constant 1 : i32
          %sub3A_167 = arith.subi %add3A_165, %sub3A_166 : i32
          %dma_start3A_168 = arith.constant 0 : i32
          %dma_start3A_169 = tpu.memref_slice %arg7[%sub3A_167, %dma_start3A_168] : memref<158x128xi32, #tpu.memory_space<vmem>> -> memref<1x128xi32, #tpu.memory_space<vmem>>
          %dma_start3A_170 = tpu.memref_squeeze %dma_start3A_169 : memref<1x128xi32, #tpu.memory_space<vmem>> -> memref<128xi32, #tpu.memory_space<vmem>>
          %dma_start3A_171 = arith.constant 0 : i32
          %dma_start3A_172 = arith.constant 0 : i32
          %dma_start3A_173 = tpu.memref_slice %arg2[%dma_start3A_171, %dma_start3A_172] : memref<20480x32xf32, #tpu.memory_space<hbm>> -> memref<20480x32xf32, #tpu.memory_space<hbm>>
          tpu.enqueue_indirect_dma source(%dma_start3A_173 : memref<20480x32xf32, #tpu.memory_space<hbm>>) target(%arg9 : memref<128x32xf32, #tpu.memory_space<vmem>>) offsets(%dma_start3A_170 : memref<128xi32, #tpu.memory_space<vmem>>) semaphore(%arg15 : memref<!tpu.dma_semaphore, #tpu.memory_space<semaphore_mem>>)
        } else {
        }
        %dma_wait3A_152 = arith.constant 0 : i32
        %dma_wait3A_153 = tpu.memref_slice %arg7[%scan3A_44, %dma_wait3A_152] : memref<158x128xi32, #tpu.memory_space<vmem>> -> memref<1x128xi32, #tpu.memory_space<vmem>>
        %dma_wait3A_154 = tpu.memref_squeeze %dma_wait3A_153 : memref<1x128xi32, #tpu.memory_space<vmem>> -> memref<128xi32, #tpu.memory_space<vmem>>
        %dma_wait3A_155 = arith.constant 0 : i32
        %dma_wait3A_156 = arith.constant 0 : i32
        %dma_wait3A_157 = tpu.memref_slice %arg2[%dma_wait3A_155, %dma_wait3A_156] : memref<20480x32xf32, #tpu.memory_space<hbm>> -> memref<20480x32xf32, #tpu.memory_space<hbm>>
        tpu.wait_indirect_dma semaphore(%arg16 : memref<!tpu.dma_semaphore, #tpu.memory_space<semaphore_mem>>) src(%dma_wait3A_157 : memref<20480x32xf32, #tpu.memory_space<hbm>>) dst(%arg10 : memref<128x32xf32, #tpu.memory_space<vmem>>)
        %dma_start3A_158 = arith.constant 0 : i32
        %dma_start3A_159 = tpu.memref_slice %arg8[%scan3A_44, %dma_start3A_158] : memref<158x128xi32, #tpu.memory_space<vmem>> -> memref<1x128xi32, #tpu.memory_space<vmem>>
        %dma_start3A_160 = tpu.memref_squeeze %dma_start3A_159 : memref<1x128xi32, #tpu.memory_space<vmem>> -> memref<128xi32, #tpu.memory_space<vmem>>
        %dma_start3A_161 = arith.constant 0 : i32
        %dma_start3A_162 = arith.constant 0 : i32
        %dma_start3A_163 = tpu.memref_slice %arg14[%dma_start3A_161, %dma_start3A_162] : memref<10240x32xf32, #tpu.memory_space<vmem_shared>> -> memref<10240x32xf32, #tpu.memory_space<vmem_shared>>
        tpu.enqueue_indirect_dma source(%arg10 : memref<128x32xf32, #tpu.memory_space<vmem>>) target(%dma_start3A_163 : memref<10240x32xf32, #tpu.memory_space<vmem_shared>>) offsets(%dma_start3A_160 : memref<128xi32, #tpu.memory_space<vmem>>) semaphore(%arg21 : memref<!tpu.dma_semaphore, #tpu.memory_space<semaphore_mem>>) {add = true}
      } else {
      }
      %jit3A_77 = arith.constant 5 : i32
      %eq3A_78 = arith.constant 0 : i32
      %eq3A_79 = arith.cmpi eq, %jit3A_77, %eq3A_78 : i32
      %jit3A_80 = arith.constant 1 : i32
      %select_n3A_81 = arith.select %eq3A_79, %jit3A_80, %jit3A_77 : i32
      %rem3A_82 = arith.remsi %scan3A_44, %select_n3A_81 : i32
      %ne3A_83 = arith.constant 0 : i32
      %ne3A_84 = arith.cmpi ne, %rem3A_82, %ne3A_83 : i32
      %lt3A_85 = arith.constant 0 : i32
      %lt3A_86 = arith.cmpi slt, %rem3A_82, %lt3A_85 : i32
      %lt3A_87 = arith.constant 0 : i32
      %lt3A_88 = arith.cmpi slt, %select_n3A_81, %lt3A_87 : i32
      %ne3A_89 = arith.xori %lt3A_86, %lt3A_88 : i1
      %and3A_90 = arith.andi %ne3A_89, %ne3A_84 : i1
      %add3A_91 = arith.addi %rem3A_82, %select_n3A_81 : i32
      %select_n3A_92 = arith.select %and3A_90, %add3A_91, %rem3A_82 : i32
      %eq3A_93 = arith.constant 2 : i32
      %eq3A_94 = arith.cmpi eq, %select_n3A_92, %eq3A_93 : i32
      %convert_element_type3A_95 = arith.extui %eq3A_94 : i1 to i32
      %cond3A_96 = arith.constant 0 : i32
      %cond3A_97 = arith.cmpi ne, %convert_element_type3A_95, %cond3A_96 : i32
      scf.if %cond3A_97 {
        %gt3A = arith.constant 0 : i32
        %gt3A_140 = arith.cmpi sgt, %scan3A_44, %gt3A : i32
        %convert_element_type3A_141 = arith.extui %gt3A_140 : i1 to i32
        %cond3A_142 = arith.constant 0 : i32
        %cond3A_143 = arith.cmpi ne, %convert_element_type3A_141, %cond3A_142 : i32
        scf.if %cond3A_143 {
          %sub3A_164 = arith.constant 1 : i32
          %sub3A_165 = arith.subi %scan3A_44, %sub3A_164 : i32
          %dma_wait3A_166 = arith.constant 0 : i32
          %dma_wait3A_167 = tpu.memref_slice %arg8[%sub3A_165, %dma_wait3A_166] : memref<158x128xi32, #tpu.memory_space<vmem>> -> memref<1x128xi32, #tpu.memory_space<vmem>>
          %dma_wait3A_168 = tpu.memref_squeeze %dma_wait3A_167 : memref<1x128xi32, #tpu.memory_space<vmem>> -> memref<128xi32, #tpu.memory_space<vmem>>
          %dma_wait3A_169 = arith.constant 0 : i32
          %dma_wait3A_170 = arith.constant 0 : i32
          %dma_wait3A_171 = tpu.memref_slice %arg14[%dma_wait3A_169, %dma_wait3A_170] : memref<10240x32xf32, #tpu.memory_space<vmem_shared>> -> memref<10240x32xf32, #tpu.memory_space<vmem_shared>>
          tpu.wait_indirect_dma semaphore(%arg21 : memref<!tpu.dma_semaphore, #tpu.memory_space<semaphore_mem>>) src(%arg10 : memref<128x32xf32, #tpu.memory_space<vmem>>) dst(%dma_wait3A_171 : memref<10240x32xf32, #tpu.memory_space<vmem_shared>>)
        } else {
        }
        %add3A_144 = arith.constant 5 : i32
        %add3A_145 = arith.addi %scan3A_44, %add3A_144 : i32
        %sub3A = arith.constant 1 : i32
        %sub3A_146 = arith.subi %add3A_145, %sub3A : i32
        %lt3A_147 = arith.constant 158 : i32
        %lt3A_148 = arith.cmpi slt, %sub3A_146, %lt3A_147 : i32
        %convert_element_type3A_149 = arith.extui %lt3A_148 : i1 to i32
        %cond3A_150 = arith.constant 0 : i32
        %cond3A_151 = arith.cmpi ne, %convert_element_type3A_149, %cond3A_150 : i32
        scf.if %cond3A_151 {
          %add3A_164 = arith.constant 5 : i32
          %add3A_165 = arith.addi %scan3A_44, %add3A_164 : i32
          %sub3A_166 = arith.constant 1 : i32
          %sub3A_167 = arith.subi %add3A_165, %sub3A_166 : i32
          %dma_start3A_168 = arith.constant 0 : i32
          %dma_start3A_169 = tpu.memref_slice %arg7[%sub3A_167, %dma_start3A_168] : memref<158x128xi32, #tpu.memory_space<vmem>> -> memref<1x128xi32, #tpu.memory_space<vmem>>
          %dma_start3A_170 = tpu.memref_squeeze %dma_start3A_169 : memref<1x128xi32, #tpu.memory_space<vmem>> -> memref<128xi32, #tpu.memory_space<vmem>>
          %dma_start3A_171 = arith.constant 0 : i32
          %dma_start3A_172 = arith.constant 0 : i32
          %dma_start3A_173 = tpu.memref_slice %arg2[%dma_start3A_171, %dma_start3A_172] : memref<20480x32xf32, #tpu.memory_space<hbm>> -> memref<20480x32xf32, #tpu.memory_space<hbm>>
          tpu.enqueue_indirect_dma source(%dma_start3A_173 : memref<20480x32xf32, #tpu.memory_space<hbm>>) target(%arg10 : memref<128x32xf32, #tpu.memory_space<vmem>>) offsets(%dma_start3A_170 : memref<128xi32, #tpu.memory_space<vmem>>) semaphore(%arg16 : memref<!tpu.dma_semaphore, #tpu.memory_space<semaphore_mem>>)
        } else {
        }
        %dma_wait3A_152 = arith.constant 0 : i32
        %dma_wait3A_153 = tpu.memref_slice %arg7[%scan3A_44, %dma_wait3A_152] : memref<158x128xi32, #tpu.memory_space<vmem>> -> memref<1x128xi32, #tpu.memory_space<vmem>>
        %dma_wait3A_154 = tpu.memref_squeeze %dma_wait3A_153 : memref<1x128xi32, #tpu.memory_space<vmem>> -> memref<128xi32, #tpu.memory_space<vmem>>
        %dma_wait3A_155 = arith.constant 0 : i32
        %dma_wait3A_156 = arith.constant 0 : i32
        %dma_wait3A_157 = tpu.memref_slice %arg2[%dma_wait3A_155, %dma_wait3A_156] : memref<20480x32xf32, #tpu.memory_space<hbm>> -> memref<20480x32xf32, #tpu.memory_space<hbm>>
        tpu.wait_indirect_dma semaphore(%arg17 : memref<!tpu.dma_semaphore, #tpu.memory_space<semaphore_mem>>) src(%dma_wait3A_157 : memref<20480x32xf32, #tpu.memory_space<hbm>>) dst(%arg11 : memref<128x32xf32, #tpu.memory_space<vmem>>)
        %dma_start3A_158 = arith.constant 0 : i32
        %dma_start3A_159 = tpu.memref_slice %arg8[%scan3A_44, %dma_start3A_158] : memref<158x128xi32, #tpu.memory_space<vmem>> -> memref<1x128xi32, #tpu.memory_space<vmem>>
        %dma_start3A_160 = tpu.memref_squeeze %dma_start3A_159 : memref<1x128xi32, #tpu.memory_space<vmem>> -> memref<128xi32, #tpu.memory_space<vmem>>
        %dma_start3A_161 = arith.constant 0 : i32
        %dma_start3A_162 = arith.constant 0 : i32
        %dma_start3A_163 = tpu.memref_slice %arg14[%dma_start3A_161, %dma_start3A_162] : memref<10240x32xf32, #tpu.memory_space<vmem_shared>> -> memref<10240x32xf32, #tpu.memory_space<vmem_shared>>
        tpu.enqueue_indirect_dma source(%arg11 : memref<128x32xf32, #tpu.memory_space<vmem>>) target(%dma_start3A_163 : memref<10240x32xf32, #tpu.memory_space<vmem_shared>>) offsets(%dma_start3A_160 : memref<128xi32, #tpu.memory_space<vmem>>) semaphore(%arg22 : memref<!tpu.dma_semaphore, #tpu.memory_space<semaphore_mem>>) {add = true}
      } else {
      }
      %jit3A_98 = arith.constant 5 : i32
      %eq3A_99 = arith.constant 0 : i32
      %eq3A_100 = arith.cmpi eq, %jit3A_98, %eq3A_99 : i32
      %jit3A_101 = arith.constant 1 : i32
      %select_n3A_102 = arith.select %eq3A_100, %jit3A_101, %jit3A_98 : i32
      %rem3A_103 = arith.remsi %scan3A_44, %select_n3A_102 : i32
      %ne3A_104 = arith.constant 0 : i32
      %ne3A_105 = arith.cmpi ne, %rem3A_103, %ne3A_104 : i32
      %lt3A_106 = arith.constant 0 : i32
      %lt3A_107 = arith.cmpi slt, %rem3A_103, %lt3A_106 : i32
      %lt3A_108 = arith.constant 0 : i32
      %lt3A_109 = arith.cmpi slt, %select_n3A_102, %lt3A_108 : i32
      %ne3A_110 = arith.xori %lt3A_107, %lt3A_109 : i1
      %and3A_111 = arith.andi %ne3A_110, %ne3A_105 : i1
      %add3A_112 = arith.addi %rem3A_103, %select_n3A_102 : i32
      %select_n3A_113 = arith.select %and3A_111, %add3A_112, %rem3A_103 : i32
      %eq3A_114 = arith.constant 3 : i32
      %eq3A_115 = arith.cmpi eq, %select_n3A_113, %eq3A_114 : i32
      %convert_element_type3A_116 = arith.extui %eq3A_115 : i1 to i32
      %cond3A_117 = arith.constant 0 : i32
      %cond3A_118 = arith.cmpi ne, %convert_element_type3A_116, %cond3A_117 : i32
      scf.if %cond3A_118 {
        %gt3A = arith.constant 0 : i32
        %gt3A_140 = arith.cmpi sgt, %scan3A_44, %gt3A : i32
        %convert_element_type3A_141 = arith.extui %gt3A_140 : i1 to i32
        %cond3A_142 = arith.constant 0 : i32
        %cond3A_143 = arith.cmpi ne, %convert_element_type3A_141, %cond3A_142 : i32
        scf.if %cond3A_143 {
          %sub3A_164 = arith.constant 1 : i32
          %sub3A_165 = arith.subi %scan3A_44, %sub3A_164 : i32
          %dma_wait3A_166 = arith.constant 0 : i32
          %dma_wait3A_167 = tpu.memref_slice %arg8[%sub3A_165, %dma_wait3A_166] : memref<158x128xi32, #tpu.memory_space<vmem>> -> memref<1x128xi32, #tpu.memory_space<vmem>>
          %dma_wait3A_168 = tpu.memref_squeeze %dma_wait3A_167 : memref<1x128xi32, #tpu.memory_space<vmem>> -> memref<128xi32, #tpu.memory_space<vmem>>
          %dma_wait3A_169 = arith.constant 0 : i32
          %dma_wait3A_170 = arith.constant 0 : i32
          %dma_wait3A_171 = tpu.memref_slice %arg14[%dma_wait3A_169, %dma_wait3A_170] : memref<10240x32xf32, #tpu.memory_space<vmem_shared>> -> memref<10240x32xf32, #tpu.memory_space<vmem_shared>>
          tpu.wait_indirect_dma semaphore(%arg22 : memref<!tpu.dma_semaphore, #tpu.memory_space<semaphore_mem>>) src(%arg11 : memref<128x32xf32, #tpu.memory_space<vmem>>) dst(%dma_wait3A_171 : memref<10240x32xf32, #tpu.memory_space<vmem_shared>>)
        } else {
        }
        %add3A_144 = arith.constant 5 : i32
        %add3A_145 = arith.addi %scan3A_44, %add3A_144 : i32
        %sub3A = arith.constant 1 : i32
        %sub3A_146 = arith.subi %add3A_145, %sub3A : i32
        %lt3A_147 = arith.constant 158 : i32
        %lt3A_148 = arith.cmpi slt, %sub3A_146, %lt3A_147 : i32
        %convert_element_type3A_149 = arith.extui %lt3A_148 : i1 to i32
        %cond3A_150 = arith.constant 0 : i32
        %cond3A_151 = arith.cmpi ne, %convert_element_type3A_149, %cond3A_150 : i32
        scf.if %cond3A_151 {
          %add3A_164 = arith.constant 5 : i32
          %add3A_165 = arith.addi %scan3A_44, %add3A_164 : i32
          %sub3A_166 = arith.constant 1 : i32
          %sub3A_167 = arith.subi %add3A_165, %sub3A_166 : i32
          %dma_start3A_168 = arith.constant 0 : i32
          %dma_start3A_169 = tpu.memref_slice %arg7[%sub3A_167, %dma_start3A_168] : memref<158x128xi32, #tpu.memory_space<vmem>> -> memref<1x128xi32, #tpu.memory_space<vmem>>
          %dma_start3A_170 = tpu.memref_squeeze %dma_start3A_169 : memref<1x128xi32, #tpu.memory_space<vmem>> -> memref<128xi32, #tpu.memory_space<vmem>>
          %dma_start3A_171 = arith.constant 0 : i32
          %dma_start3A_172 = arith.constant 0 : i32
          %dma_start3A_173 = tpu.memref_slice %arg2[%dma_start3A_171, %dma_start3A_172] : memref<20480x32xf32, #tpu.memory_space<hbm>> -> memref<20480x32xf32, #tpu.memory_space<hbm>>
          tpu.enqueue_indirect_dma source(%dma_start3A_173 : memref<20480x32xf32, #tpu.memory_space<hbm>>) target(%arg11 : memref<128x32xf32, #tpu.memory_space<vmem>>) offsets(%dma_start3A_170 : memref<128xi32, #tpu.memory_space<vmem>>) semaphore(%arg17 : memref<!tpu.dma_semaphore, #tpu.memory_space<semaphore_mem>>)
        } else {
        }
        %dma_wait3A_152 = arith.constant 0 : i32
        %dma_wait3A_153 = tpu.memref_slice %arg7[%scan3A_44, %dma_wait3A_152] : memref<158x128xi32, #tpu.memory_space<vmem>> -> memref<1x128xi32, #tpu.memory_space<vmem>>
        %dma_wait3A_154 = tpu.memref_squeeze %dma_wait3A_153 : memref<1x128xi32, #tpu.memory_space<vmem>> -> memref<128xi32, #tpu.memory_space<vmem>>
        %dma_wait3A_155 = arith.constant 0 : i32
        %dma_wait3A_156 = arith.constant 0 : i32
        %dma_wait3A_157 = tpu.memref_slice %arg2[%dma_wait3A_155, %dma_wait3A_156] : memref<20480x32xf32, #tpu.memory_space<hbm>> -> memref<20480x32xf32, #tpu.memory_space<hbm>>
        tpu.wait_indirect_dma semaphore(%arg18 : memref<!tpu.dma_semaphore, #tpu.memory_space<semaphore_mem>>) src(%dma_wait3A_157 : memref<20480x32xf32, #tpu.memory_space<hbm>>) dst(%arg12 : memref<128x32xf32, #tpu.memory_space<vmem>>)
        %dma_start3A_158 = arith.constant 0 : i32
        %dma_start3A_159 = tpu.memref_slice %arg8[%scan3A_44, %dma_start3A_158] : memref<158x128xi32, #tpu.memory_space<vmem>> -> memref<1x128xi32, #tpu.memory_space<vmem>>
        %dma_start3A_160 = tpu.memref_squeeze %dma_start3A_159 : memref<1x128xi32, #tpu.memory_space<vmem>> -> memref<128xi32, #tpu.memory_space<vmem>>
        %dma_start3A_161 = arith.constant 0 : i32
        %dma_start3A_162 = arith.constant 0 : i32
        %dma_start3A_163 = tpu.memref_slice %arg14[%dma_start3A_161, %dma_start3A_162] : memref<10240x32xf32, #tpu.memory_space<vmem_shared>> -> memref<10240x32xf32, #tpu.memory_space<vmem_shared>>
        tpu.enqueue_indirect_dma source(%arg12 : memref<128x32xf32, #tpu.memory_space<vmem>>) target(%dma_start3A_163 : memref<10240x32xf32, #tpu.memory_space<vmem_shared>>) offsets(%dma_start3A_160 : memref<128xi32, #tpu.memory_space<vmem>>) semaphore(%arg23 : memref<!tpu.dma_semaphore, #tpu.memory_space<semaphore_mem>>) {add = true}
      } else {
      }
      %jit3A_119 = arith.constant 5 : i32
      %eq3A_120 = arith.constant 0 : i32
      %eq3A_121 = arith.cmpi eq, %jit3A_119, %eq3A_120 : i32
      %jit3A_122 = arith.constant 1 : i32
      %select_n3A_123 = arith.select %eq3A_121, %jit3A_122, %jit3A_119 : i32
      %rem3A_124 = arith.remsi %scan3A_44, %select_n3A_123 : i32
      %ne3A_125 = arith.constant 0 : i32
      %ne3A_126 = arith.cmpi ne, %rem3A_124, %ne3A_125 : i32
      %lt3A_127 = arith.constant 0 : i32
      %lt3A_128 = arith.cmpi slt, %rem3A_124, %lt3A_127 : i32
      %lt3A_129 = arith.constant 0 : i32
      %lt3A_130 = arith.cmpi slt, %select_n3A_123, %lt3A_129 : i32
      %ne3A_131 = arith.xori %lt3A_128, %lt3A_130 : i1
      %and3A_132 = arith.andi %ne3A_131, %ne3A_126 : i1
      %add3A_133 = arith.addi %rem3A_124, %select_n3A_123 : i32
      %select_n3A_134 = arith.select %and3A_132, %add3A_133, %rem3A_124 : i32
      %eq3A_135 = arith.constant 4 : i32
      %eq3A_136 = arith.cmpi eq, %select_n3A_134, %eq3A_135 : i32
      %convert_element_type3A_137 = arith.extui %eq3A_136 : i1 to i32
      %cond3A_138 = arith.constant 0 : i32
      %cond3A_139 = arith.cmpi ne, %convert_element_type3A_137, %cond3A_138 : i32
      scf.if %cond3A_139 {
        %gt3A = arith.constant 0 : i32
        %gt3A_140 = arith.cmpi sgt, %scan3A_44, %gt3A : i32
        %convert_element_type3A_141 = arith.extui %gt3A_140 : i1 to i32
        %cond3A_142 = arith.constant 0 : i32
        %cond3A_143 = arith.cmpi ne, %convert_element_type3A_141, %cond3A_142 : i32
        scf.if %cond3A_143 {
          %sub3A_164 = arith.constant 1 : i32
          %sub3A_165 = arith.subi %scan3A_44, %sub3A_164 : i32
          %dma_wait3A_166 = arith.constant 0 : i32
          %dma_wait3A_167 = tpu.memref_slice %arg8[%sub3A_165, %dma_wait3A_166] : memref<158x128xi32, #tpu.memory_space<vmem>> -> memref<1x128xi32, #tpu.memory_space<vmem>>
          %dma_wait3A_168 = tpu.memref_squeeze %dma_wait3A_167 : memref<1x128xi32, #tpu.memory_space<vmem>> -> memref<128xi32, #tpu.memory_space<vmem>>
          %dma_wait3A_169 = arith.constant 0 : i32
          %dma_wait3A_170 = arith.constant 0 : i32
          %dma_wait3A_171 = tpu.memref_slice %arg14[%dma_wait3A_169, %dma_wait3A_170] : memref<10240x32xf32, #tpu.memory_space<vmem_shared>> -> memref<10240x32xf32, #tpu.memory_space<vmem_shared>>
          tpu.wait_indirect_dma semaphore(%arg23 : memref<!tpu.dma_semaphore, #tpu.memory_space<semaphore_mem>>) src(%arg12 : memref<128x32xf32, #tpu.memory_space<vmem>>) dst(%dma_wait3A_171 : memref<10240x32xf32, #tpu.memory_space<vmem_shared>>)
        } else {
        }
        %add3A_144 = arith.constant 5 : i32
        %add3A_145 = arith.addi %scan3A_44, %add3A_144 : i32
        %sub3A = arith.constant 1 : i32
        %sub3A_146 = arith.subi %add3A_145, %sub3A : i32
        %lt3A_147 = arith.constant 158 : i32
        %lt3A_148 = arith.cmpi slt, %sub3A_146, %lt3A_147 : i32
        %convert_element_type3A_149 = arith.extui %lt3A_148 : i1 to i32
        %cond3A_150 = arith.constant 0 : i32
        %cond3A_151 = arith.cmpi ne, %convert_element_type3A_149, %cond3A_150 : i32
        scf.if %cond3A_151 {
          %add3A_164 = arith.constant 5 : i32
          %add3A_165 = arith.addi %scan3A_44, %add3A_164 : i32
          %sub3A_166 = arith.constant 1 : i32
          %sub3A_167 = arith.subi %add3A_165, %sub3A_166 : i32
          %dma_start3A_168 = arith.constant 0 : i32
          %dma_start3A_169 = tpu.memref_slice %arg7[%sub3A_167, %dma_start3A_168] : memref<158x128xi32, #tpu.memory_space<vmem>> -> memref<1x128xi32, #tpu.memory_space<vmem>>
          %dma_start3A_170 = tpu.memref_squeeze %dma_start3A_169 : memref<1x128xi32, #tpu.memory_space<vmem>> -> memref<128xi32, #tpu.memory_space<vmem>>
          %dma_start3A_171 = arith.constant 0 : i32
          %dma_start3A_172 = arith.constant 0 : i32
          %dma_start3A_173 = tpu.memref_slice %arg2[%dma_start3A_171, %dma_start3A_172] : memref<20480x32xf32, #tpu.memory_space<hbm>> -> memref<20480x32xf32, #tpu.memory_space<hbm>>
          tpu.enqueue_indirect_dma source(%dma_start3A_173 : memref<20480x32xf32, #tpu.memory_space<hbm>>) target(%arg12 : memref<128x32xf32, #tpu.memory_space<vmem>>) offsets(%dma_start3A_170 : memref<128xi32, #tpu.memory_space<vmem>>) semaphore(%arg18 : memref<!tpu.dma_semaphore, #tpu.memory_space<semaphore_mem>>)
        } else {
        }
        %dma_wait3A_152 = arith.constant 0 : i32
        %dma_wait3A_153 = tpu.memref_slice %arg7[%scan3A_44, %dma_wait3A_152] : memref<158x128xi32, #tpu.memory_space<vmem>> -> memref<1x128xi32, #tpu.memory_space<vmem>>
        %dma_wait3A_154 = tpu.memref_squeeze %dma_wait3A_153 : memref<1x128xi32, #tpu.memory_space<vmem>> -> memref<128xi32, #tpu.memory_space<vmem>>
        %dma_wait3A_155 = arith.constant 0 : i32
        %dma_wait3A_156 = arith.constant 0 : i32
        %dma_wait3A_157 = tpu.memref_slice %arg2[%dma_wait3A_155, %dma_wait3A_156] : memref<20480x32xf32, #tpu.memory_space<hbm>> -> memref<20480x32xf32, #tpu.memory_space<hbm>>
        tpu.wait_indirect_dma semaphore(%arg19 : memref<!tpu.dma_semaphore, #tpu.memory_space<semaphore_mem>>) src(%dma_wait3A_157 : memref<20480x32xf32, #tpu.memory_space<hbm>>) dst(%arg13 : memref<128x32xf32, #tpu.memory_space<vmem>>)
        %dma_start3A_158 = arith.constant 0 : i32
        %dma_start3A_159 = tpu.memref_slice %arg8[%scan3A_44, %dma_start3A_158] : memref<158x128xi32, #tpu.memory_space<vmem>> -> memref<1x128xi32, #tpu.memory_space<vmem>>
        %dma_start3A_160 = tpu.memref_squeeze %dma_start3A_159 : memref<1x128xi32, #tpu.memory_space<vmem>> -> memref<128xi32, #tpu.memory_space<vmem>>
        %dma_start3A_161 = arith.constant 0 : i32
        %dma_start3A_162 = arith.constant 0 : i32
        %dma_start3A_163 = tpu.memref_slice %arg14[%dma_start3A_161, %dma_start3A_162] : memref<10240x32xf32, #tpu.memory_space<vmem_shared>> -> memref<10240x32xf32, #tpu.memory_space<vmem_shared>>
        tpu.enqueue_indirect_dma source(%arg13 : memref<128x32xf32, #tpu.memory_space<vmem>>) target(%dma_start3A_163 : memref<10240x32xf32, #tpu.memory_space<vmem_shared>>) offsets(%dma_start3A_160 : memref<128xi32, #tpu.memory_space<vmem>>) semaphore(%arg24 : memref<!tpu.dma_semaphore, #tpu.memory_space<semaphore_mem>>) {add = true}
      } else {
      }
    }
    %scan3A_32 = arith.constant 158 : i32
    %dma_wait3A = arith.constant 157 : i32
    %dma_wait3A_33 = arith.constant 0 : i32
    %dma_wait3A_34 = tpu.memref_slice %arg8[%dma_wait3A, %dma_wait3A_33] : memref<158x128xi32, #tpu.memory_space<vmem>> -> memref<1x128xi32, #tpu.memory_space<vmem>>
    %dma_wait3A_35 = tpu.memref_squeeze %dma_wait3A_34 : memref<1x128xi32, #tpu.memory_space<vmem>> -> memref<128xi32, #tpu.memory_space<vmem>>
    %dma_wait3A_36 = arith.constant 0 : i32
    %dma_wait3A_37 = arith.constant 0 : i32
    %dma_wait3A_38 = tpu.memref_slice %arg14[%dma_wait3A_36, %dma_wait3A_37] : memref<10240x32xf32, #tpu.memory_space<vmem_shared>> -> memref<10240x32xf32, #tpu.memory_space<vmem_shared>>
    tpu.wait_indirect_dma semaphore(%arg22 : memref<!tpu.dma_semaphore, #tpu.memory_space<semaphore_mem>>) src(%arg11 : memref<128x32xf32, #tpu.memory_space<vmem>>) dst(%dma_wait3A_38 : memref<10240x32xf32, #tpu.memory_space<vmem_shared>>)
    %barrier3A_39 = arith.constant 0 : index
    tpu.barrier barrier_id(%barrier3A_39)
    %mul3A_40 = arith.constant 640 : i32
    %mul3A_41 = arith.muli %arg1, %mul3A_40 : i32
    %mul3A_42 = arith.constant 640 : i32
    %mul3A_43 = arith.muli %arg1, %mul3A_42 : i32
    "tpu.region"() ({
      %run_scoped3A = tpu.sem_alloc : memref<!tpu.dma_semaphore, #tpu.memory_space<semaphore_mem>>
      %dma_start3A_44 = arith.constant 0 : i32
      %dma_start3A_45 = tpu.memref_slice %arg6[%arg0, %mul3A_43, %dma_start3A_44] : memref<2x10240x32xf32, #tpu.memory_space<hbm>> -> memref<1x640x32xf32, #tpu.memory_space<hbm>>
      %dma_start3A_46 = tpu.memref_squeeze %dma_start3A_45 : memref<1x640x32xf32, #tpu.memory_space<hbm>> -> memref<640x32xf32, #tpu.memory_space<hbm>>
      %dma_start3A_47 = arith.constant 0 : i32
      %dma_start3A_48 = tpu.memref_slice %arg14[%mul3A_41, %dma_start3A_47] : memref<10240x32xf32, #tpu.memory_space<vmem_shared>> -> memref<640x32xf32, #tpu.memory_space<vmem_shared>>
      tpu.enqueue_dma source(%dma_start3A_48 : memref<640x32xf32, #tpu.memory_space<vmem_shared>>) target(%dma_start3A_46 : memref<640x32xf32, #tpu.memory_space<hbm>>) target_semaphore(%run_scoped3A : memref<!tpu.dma_semaphore, #tpu.memory_space<semaphore_mem>>)
      %dma_wait3A_49 = arith.constant 0 : i32
      %dma_wait3A_50 = tpu.memref_slice %arg6[%arg0, %mul3A_43, %dma_wait3A_49] : memref<2x10240x32xf32, #tpu.memory_space<hbm>> -> memref<1x640x32xf32, #tpu.memory_space<hbm>>
      %dma_wait3A_51 = tpu.memref_squeeze %dma_wait3A_50 : memref<1x640x32xf32, #tpu.memory_space<hbm>> -> memref<640x32xf32, #tpu.memory_space<hbm>>
      %dma_wait3A_52 = arith.constant 0 : i32
      %dma_wait3A_53 = tpu.memref_slice %arg14[%mul3A_41, %dma_wait3A_52] : memref<10240x32xf32, #tpu.memory_space<vmem_shared>> -> memref<640x32xf32, #tpu.memory_space<vmem_shared>>
      tpu.wait_dma2 semaphore(%run_scoped3A : memref<!tpu.dma_semaphore, #tpu.memory_space<semaphore_mem>>) src(%dma_wait3A_53 : memref<640x32xf32, #tpu.memory_space<vmem_shared>>) dst(%dma_wait3A_51 : memref<640x32xf32, #tpu.memory_space<hbm>>)
      tpu.yield
    }) : () -> ()
    return
  }
}

module attributes {stable_mosaic.version = 14 : i64} {
  func.func @_tc1_body(%arg0: i32, %arg1: memref<256x128xf32, #tpu.memory_space<vmem>>, %arg2: memref<2x256x16xf32, #tpu.memory_space<vmem>>, %arg3: memref<128x128xf32, #tpu.memory_space<vmem>>, %arg4: memref<256x128xf32, #tpu.memory_space<vmem>>) attributes {dimension_semantics = [#tpu.dimension_semantics<arbitrary>], iteration_bounds = array<i64: 40>, scalar_prefetch = 0 : i64, scratch_operands = 0 : i64, tpu.core_type = #tpu.core_type<tc>, window_params = [{transform_indices = @transform_0, window_bounds = array<i64: 256, 128>}, {transform_indices = @transform_1, window_bounds = array<i64: 2, 256, 16>}, {pipeline_mode = #tpu.pipeline_mode<synchronous>, transform_indices = @transform_2, window_bounds = array<i64: 128, 128>}, {transform_indices = @transform_3, window_bounds = array<i64: 256, 128>}]} {
    %get3A = arith.constant 0 : index
    %get3A_0 = arith.constant 0 : index
    %get3A_1 = arith.constant 0 : index
    %get3A_2 = vector.load %arg2[%get3A, %get3A_0, %get3A_1] : memref<2x256x16xf32, #tpu.memory_space<vmem>>, vector<2x256x16xf32>
    %slice3A = vector.extract_strided_slice %get3A_2 {offsets = [0, 0, 0], sizes = [1, 256, 16], strides = [1, 1, 1]} : vector<2x256x16xf32> to vector<1x256x16xf32>
    %squeeze3A = vector.shape_cast %slice3A : vector<1x256x16xf32> to vector<256x16xf32>
    %slice3A_3 = vector.extract_strided_slice %get3A_2 {offsets = [1, 0, 0], sizes = [1, 256, 16], strides = [1, 1, 1]} : vector<2x256x16xf32> to vector<1x256x16xf32>
    %squeeze3A_4 = vector.shape_cast %slice3A_3 : vector<1x256x16xf32> to vector<256x16xf32>
    %add3A = arith.addf %squeeze3A, %squeeze3A_4 : vector<256x16xf32>
    %slice3A_5 = vector.extract_strided_slice %add3A {offsets = [0, 0], sizes = [256, 1], strides = [1, 1]} : vector<256x16xf32> to vector<256x1xf32>
    %max3A = arith.constant 1.000000e+00 : f32
    %max3A_6 = vector.broadcast %max3A : f32 to vector<256x1xf32>
    %max3A_7 = arith.maximumf %slice3A_5, %max3A_6 : vector<256x1xf32>
    %rsqrt3A = math.rsqrt %max3A_7 : vector<256x1xf32>
    %get3A_8 = arith.constant 0 : index
    %get3A_9 = arith.constant 0 : index
    %get3A_10 = vector.load %arg1[%get3A_8, %get3A_9] : memref<256x128xf32, #tpu.memory_space<vmem>>, vector<256x128xf32>
    %mul3A = vector.broadcast %rsqrt3A : vector<256x1xf32> to vector<256x128xf32>
    %mul3A_11 = arith.mulf %get3A_10, %mul3A : vector<256x128xf32>
    %get3A_12 = arith.constant 0 : index
    %get3A_13 = arith.constant 0 : index
    %get3A_14 = vector.load %arg3[%get3A_12, %get3A_13] : memref<128x128xf32, #tpu.memory_space<vmem>>, vector<128x128xf32>
    %dot_general3A = arith.constant dense<0.000000e+00> : vector<256x128xf32>
    %dot_general3A_15 = tpu.matmul %mul3A_11, %get3A_14, %dot_general3A {dimension_numbers = #tpu.dot_dimension_numbers<[1], [0], [0], [1], [0, 0, 1, 1], [], []>, transpose_lhs_hint = false} : vector<256x128xf32>, vector<128x128xf32>, vector<256x128xf32> -> vector<256x128xf32>
    %swap3A = arith.constant 0 : index
    %swap3A_16 = arith.constant 0 : index
    %swap3A_17 = vector.load %arg4[%swap3A, %swap3A_16] : memref<256x128xf32, #tpu.memory_space<vmem>>, vector<256x128xf32>
    tpu.vector_store %arg4[%swap3A, %swap3A_16], %dot_general3A_15 {strides = array<i32>} : memref<256x128xf32, #tpu.memory_space<vmem>>, vector<256x128xf32>,
    return
  }
  func.func @transform_0(%arg0: i32) -> (i32, i32) {
    %c0_i32 = arith.constant 0 : i32
    %c0_i32_0 = arith.constant 0 : i32
    return %arg0, %c0_i32 : i32, i32
  }
  func.func @transform_1(%arg0: i32) -> (i32, i32, i32) {
    %c0_i32 = arith.constant 0 : i32
    %c0_i32_0 = arith.constant 0 : i32
    %c0_i32_1 = arith.constant 0 : i32
    return %c0_i32, %arg0, %c0_i32_0 : i32, i32, i32
  }
  func.func @transform_2(%arg0: i32) -> (i32, i32) {
    %c0_i32 = arith.constant 0 : i32
    %c0_i32_0 = arith.constant 0 : i32
    %c0_i32_1 = arith.constant 0 : i32
    return %c0_i32, %c0_i32_0 : i32, i32
  }
  func.func @transform_3(%arg0: i32) -> (i32, i32) {
    %c0_i32 = arith.constant 0 : i32
    %c0_i32_0 = arith.constant 0 : i32
    return %arg0, %c0_i32 : i32, i32
  }
}

module attributes {stable_mosaic.version = 14 : i64} {
  func.func @_tc2_body(%arg0: i32, %arg1: memref<2x256x64xf32, #tpu.memory_space<vmem>>, %arg2: memref<2x256x16xf32, #tpu.memory_space<vmem>>, %arg3: memref<2x256x16xf32, #tpu.memory_space<vmem>>, %arg4: memref<128x64xf32, #tpu.memory_space<vmem>>, %arg5: memref<1x128xf32, #tpu.memory_space<vmem>>, %arg6: memref<256x64xf32, #tpu.memory_space<vmem>>) attributes {dimension_semantics = [#tpu.dimension_semantics<arbitrary>], iteration_bounds = array<i64: 40>, scalar_prefetch = 0 : i64, scratch_operands = 0 : i64, tpu.core_type = #tpu.core_type<tc>, window_params = [{transform_indices = @transform_0, window_bounds = array<i64: 2, 256, 64>}, {transform_indices = @transform_1, window_bounds = array<i64: 2, 256, 16>}, {transform_indices = @transform_2, window_bounds = array<i64: 2, 256, 16>}, {pipeline_mode = #tpu.pipeline_mode<synchronous>, transform_indices = @transform_3, window_bounds = array<i64: 128, 64>}, {pipeline_mode = #tpu.pipeline_mode<synchronous>, transform_indices = @transform_4, window_bounds = array<i64: 1, 128>}, {transform_indices = @transform_5, window_bounds = array<i64: 256, 64>}]} {
    %get3A = arith.constant 0 : index
    %get3A_0 = arith.constant 0 : index
    %get3A_1 = arith.constant 0 : index
    %get3A_2 = vector.load %arg3[%get3A, %get3A_0, %get3A_1] : memref<2x256x16xf32, #tpu.memory_space<vmem>>, vector<2x256x16xf32>
    %slice3A = vector.extract_strided_slice %get3A_2 {offsets = [0, 0, 0], sizes = [1, 256, 16], strides = [1, 1, 1]} : vector<2x256x16xf32> to vector<1x256x16xf32>
    %squeeze3A = vector.shape_cast %slice3A : vector<1x256x16xf32> to vector<256x16xf32>
    %slice3A_3 = vector.extract_strided_slice %get3A_2 {offsets = [1, 0, 0], sizes = [1, 256, 16], strides = [1, 1, 1]} : vector<2x256x16xf32> to vector<1x256x16xf32>
    %squeeze3A_4 = vector.shape_cast %slice3A_3 : vector<1x256x16xf32> to vector<256x16xf32>
    %add3A = arith.addf %squeeze3A, %squeeze3A_4 : vector<256x16xf32>
    %slice3A_5 = vector.extract_strided_slice %add3A {offsets = [0, 0], sizes = [256, 1], strides = [1, 1]} : vector<256x16xf32> to vector<256x1xf32>
    %max3A = arith.constant 1.000000e+00 : f32
    %max3A_6 = vector.broadcast %max3A : f32 to vector<256x1xf32>
    %max3A_7 = arith.maximumf %slice3A_5, %max3A_6 : vector<256x1xf32>
    %rsqrt3A = math.rsqrt %max3A_7 : vector<256x1xf32>
    %get3A_8 = arith.constant 0 : index
    %get3A_9 = arith.constant 0 : index
    %get3A_10 = arith.constant 0 : index
    %get3A_11 = vector.load %arg2[%get3A_8, %get3A_9, %get3A_10] : memref<2x256x16xf32, #tpu.memory_space<vmem>>, vector<2x256x16xf32>
    %slice3A_12 = vector.extract_strided_slice %get3A_11 {offsets = [0, 0, 0], sizes = [1, 256, 16], strides = [1, 1, 1]} : vector<2x256x16xf32> to vector<1x256x16xf32>
    %squeeze3A_13 = vector.shape_cast %slice3A_12 : vector<1x256x16xf32> to vector<256x16xf32>
    %slice3A_14 = vector.extract_strided_slice %get3A_11 {offsets = [1, 0, 0], sizes = [1, 256, 16], strides = [1, 1, 1]} : vector<2x256x16xf32> to vector<1x256x16xf32>
    %squeeze3A_15 = vector.shape_cast %slice3A_14 : vector<1x256x16xf32> to vector<256x16xf32>
    %add3A_16 = arith.addf %squeeze3A_13, %squeeze3A_15 : vector<256x16xf32>
    %slice3A_17 = vector.extract_strided_slice %add3A_16 {offsets = [0, 0], sizes = [256, 1], strides = [1, 1]} : vector<256x16xf32> to vector<256x1xf32>
    %max3A_18 = arith.constant 1.000000e+00 : f32
    %max3A_19 = vector.broadcast %max3A_18 : f32 to vector<256x1xf32>
    %max3A_20 = arith.maximumf %slice3A_17, %max3A_19 : vector<256x1xf32>
    %rsqrt3A_21 = math.rsqrt %max3A_20 : vector<256x1xf32>
    %get3A_22 = arith.constant 0 : index
    %get3A_23 = arith.constant 0 : index
    %get3A_24 = arith.constant 0 : index
    %get3A_25 = vector.load %arg1[%get3A_22, %get3A_23, %get3A_24] : memref<2x256x64xf32, #tpu.memory_space<vmem>>, vector<1x256x64xf32>
    %get3A_26 = vector.shape_cast %get3A_25 : vector<1x256x64xf32> to vector<256x64xf32>
    %get3A_27 = arith.constant 1 : index
    %get3A_28 = arith.constant 0 : index
    %get3A_29 = arith.constant 0 : index
    %get3A_30 = vector.load %arg1[%get3A_27, %get3A_28, %get3A_29] : memref<2x256x64xf32, #tpu.memory_space<vmem>>, vector<1x256x64xf32>
    %get3A_31 = vector.shape_cast %get3A_30 : vector<1x256x64xf32> to vector<256x64xf32>
    %concatenate3A = tpu.concatenate %get3A_26, %get3A_31 in 1 : vector<256x64xf32>, vector<256x64xf32> -> vector<256x128xf32>
    %mul3A = vector.broadcast %rsqrt3A : vector<256x1xf32> to vector<256x128xf32>
    %mul3A_32 = arith.mulf %concatenate3A, %mul3A : vector<256x128xf32>
    %get3A_33 = arith.constant 0 : index
    %get3A_34 = arith.constant 0 : index
    %get3A_35 = vector.load %arg5[%get3A_33, %get3A_34] : memref<1x128xf32, #tpu.memory_space<vmem>>, vector<1x128xf32>
    %add3A_36 = vector.broadcast %get3A_35 : vector<1x128xf32> to vector<256x128xf32>
    %add3A_37 = arith.addf %mul3A_32, %add3A_36 : vector<256x128xf32>
    %max3A_38 = arith.constant 0.000000e+00 : f32
    %max3A_39 = vector.broadcast %max3A_38 : f32 to vector<256x128xf32>
    %max3A_40 = arith.maximumf %add3A_37, %max3A_39 : vector<256x128xf32>
    %mul3A_41 = vector.broadcast %rsqrt3A_21 : vector<256x1xf32> to vector<256x128xf32>
    %mul3A_42 = arith.mulf %max3A_40, %mul3A_41 : vector<256x128xf32>
    %get3A_43 = arith.constant 0 : index
    %get3A_44 = arith.constant 0 : index
    %get3A_45 = vector.load %arg4[%get3A_43, %get3A_44] : memref<128x64xf32, #tpu.memory_space<vmem>>, vector<128x64xf32>
    %dot_general3A = arith.constant dense<0.000000e+00> : vector<256x64xf32>
    %dot_general3A_46 = tpu.matmul %mul3A_42, %get3A_45, %dot_general3A {dimension_numbers = #tpu.dot_dimension_numbers<[1], [0], [0], [1], [0, 0, 1, 1], [], []>, transpose_lhs_hint = false} : vector<256x128xf32>, vector<128x64xf32>, vector<256x64xf32> -> vector<256x64xf32>
    %swap3A = arith.constant 0 : index
    %swap3A_47 = arith.constant 0 : index
    %swap3A_48 = vector.load %arg6[%swap3A, %swap3A_47] : memref<256x64xf32, #tpu.memory_space<vmem>>, vector<256x64xf32>
    tpu.vector_store %arg6[%swap3A, %swap3A_47], %dot_general3A_46 {strides = array<i32>} : memref<256x64xf32, #tpu.memory_space<vmem>>, vector<256x64xf32>,
    return
  }
  func.func @transform_0(%arg0: i32) -> (i32, i32, i32) {
    %c0_i32 = arith.constant 0 : i32
    %c0_i32_0 = arith.constant 0 : i32
    %c0_i32_1 = arith.constant 0 : i32
    return %c0_i32, %arg0, %c0_i32_0 : i32, i32, i32
  }
  func.func @transform_1(%arg0: i32) -> (i32, i32, i32) {
    %c0_i32 = arith.constant 0 : i32
    %c0_i32_0 = arith.constant 0 : i32
    %c0_i32_1 = arith.constant 0 : i32
    return %c0_i32, %arg0, %c0_i32_0 : i32, i32, i32
  }
  func.func @transform_2(%arg0: i32) -> (i32, i32, i32) {
    %c0_i32 = arith.constant 0 : i32
    %c0_i32_0 = arith.constant 0 : i32
    %c0_i32_1 = arith.constant 0 : i32
    return %c0_i32, %arg0, %c0_i32_0 : i32, i32, i32
  }
  func.func @transform_3(%arg0: i32) -> (i32, i32) {
    %c0_i32 = arith.constant 0 : i32
    %c0_i32_0 = arith.constant 0 : i32
    %c0_i32_1 = arith.constant 0 : i32
    return %c0_i32, %c0_i32_0 : i32, i32
  }
  func.func @transform_4(%arg0: i32) -> (i32, i32) {
    %c0_i32 = arith.constant 0 : i32
    %c0_i32_0 = arith.constant 0 : i32
    %c0_i32_1 = arith.constant 0 : i32
    return %c0_i32, %c0_i32_0 : i32, i32
  }
  func.func @transform_5(%arg0: i32) -> (i32, i32) {
    %c0_i32 = arith.constant 0 : i32
    %c0_i32_0 = arith.constant 0 : i32
    return %arg0, %c0_i32 : i32, i32
  }
}

module attributes {stable_mosaic.version = 14 : i64} {
  func.func @_tc3_body(%arg0: i32, %arg1: memref<2x256x32xf32, #tpu.memory_space<vmem>>, %arg2: memref<2x256x16xf32, #tpu.memory_space<vmem>>, %arg3: memref<1x64xf32, #tpu.memory_space<vmem>>, %arg4: memref<256x64xf32, #tpu.memory_space<vmem>>) attributes {dimension_semantics = [#tpu.dimension_semantics<arbitrary>], iteration_bounds = array<i64: 40>, scalar_prefetch = 0 : i64, scratch_operands = 0 : i64, tpu.core_type = #tpu.core_type<tc>, window_params = [{transform_indices = @transform_0, window_bounds = array<i64: 2, 256, 32>}, {transform_indices = @transform_1, window_bounds = array<i64: 2, 256, 16>}, {pipeline_mode = #tpu.pipeline_mode<synchronous>, transform_indices = @transform_2, window_bounds = array<i64: 1, 64>}, {transform_indices = @transform_3, window_bounds = array<i64: 256, 64>}]} {
    %get3A = arith.constant 0 : index
    %get3A_0 = arith.constant 0 : index
    %get3A_1 = arith.constant 0 : index
    %get3A_2 = vector.load %arg2[%get3A, %get3A_0, %get3A_1] : memref<2x256x16xf32, #tpu.memory_space<vmem>>, vector<2x256x16xf32>
    %slice3A = vector.extract_strided_slice %get3A_2 {offsets = [0, 0, 0], sizes = [1, 256, 16], strides = [1, 1, 1]} : vector<2x256x16xf32> to vector<1x256x16xf32>
    %squeeze3A = vector.shape_cast %slice3A : vector<1x256x16xf32> to vector<256x16xf32>
    %slice3A_3 = vector.extract_strided_slice %get3A_2 {offsets = [1, 0, 0], sizes = [1, 256, 16], strides = [1, 1, 1]} : vector<2x256x16xf32> to vector<1x256x16xf32>
    %squeeze3A_4 = vector.shape_cast %slice3A_3 : vector<1x256x16xf32> to vector<256x16xf32>
    %add3A = arith.addf %squeeze3A, %squeeze3A_4 : vector<256x16xf32>
    %slice3A_5 = vector.extract_strided_slice %add3A {offsets = [0, 0], sizes = [256, 1], strides = [1, 1]} : vector<256x16xf32> to vector<256x1xf32>
    %max3A = arith.constant 1.000000e+00 : f32
    %max3A_6 = vector.broadcast %max3A : f32 to vector<256x1xf32>
    %max3A_7 = arith.maximumf %slice3A_5, %max3A_6 : vector<256x1xf32>
    %rsqrt3A = math.rsqrt %max3A_7 : vector<256x1xf32>
    %get3A_8 = arith.constant 0 : index
    %get3A_9 = arith.constant 0 : index
    %get3A_10 = arith.constant 0 : index
    %get3A_11 = vector.load %arg1[%get3A_8, %get3A_9, %get3A_10] : memref<2x256x32xf32, #tpu.memory_space<vmem>>, vector<1x256x32xf32>
    %get3A_12 = vector.shape_cast %get3A_11 : vector<1x256x32xf32> to vector<256x32xf32>
    %get3A_13 = arith.constant 1 : index
    %get3A_14 = arith.constant 0 : index
    %get3A_15 = arith.constant 0 : index
    %get3A_16 = vector.load %arg1[%get3A_13, %get3A_14, %get3A_15] : memref<2x256x32xf32, #tpu.memory_space<vmem>>, vector<1x256x32xf32>
    %get3A_17 = vector.shape_cast %get3A_16 : vector<1x256x32xf32> to vector<256x32xf32>
    %concatenate3A = tpu.concatenate %get3A_12, %get3A_17 in 1 : vector<256x32xf32>, vector<256x32xf32> -> vector<256x64xf32>
    %mul3A = vector.broadcast %rsqrt3A : vector<256x1xf32> to vector<256x64xf32>
    %mul3A_18 = arith.mulf %concatenate3A, %mul3A : vector<256x64xf32>
    %get3A_19 = arith.constant 0 : index
    %get3A_20 = arith.constant 0 : index
    %get3A_21 = vector.load %arg3[%get3A_19, %get3A_20] : memref<1x64xf32, #tpu.memory_space<vmem>>, vector<1x64xf32>
    %add3A_22 = vector.broadcast %get3A_21 : vector<1x64xf32> to vector<256x64xf32>
    %add3A_23 = arith.addf %mul3A_18, %add3A_22 : vector<256x64xf32>
    %swap3A = arith.constant 0 : index
    %swap3A_24 = arith.constant 0 : index
    %swap3A_25 = vector.load %arg4[%swap3A, %swap3A_24] : memref<256x64xf32, #tpu.memory_space<vmem>>, vector<256x64xf32>
    tpu.vector_store %arg4[%swap3A, %swap3A_24], %add3A_23 {strides = array<i32>} : memref<256x64xf32, #tpu.memory_space<vmem>>, vector<256x64xf32>,
    return
  }
  func.func @transform_0(%arg0: i32) -> (i32, i32, i32) {
    %c0_i32 = arith.constant 0 : i32
    %c0_i32_0 = arith.constant 0 : i32
    %c0_i32_1 = arith.constant 0 : i32
    return %c0_i32, %arg0, %c0_i32_0 : i32, i32, i32
  }
  func.func @transform_1(%arg0: i32) -> (i32, i32, i32) {
    %c0_i32 = arith.constant 0 : i32
    %c0_i32_0 = arith.constant 0 : i32
    %c0_i32_1 = arith.constant 0 : i32
    return %c0_i32, %arg0, %c0_i32_0 : i32, i32, i32
  }
  func.func @transform_2(%arg0: i32) -> (i32, i32) {
    %c0_i32 = arith.constant 0 : i32
    %c0_i32_0 = arith.constant 0 : i32
    %c0_i32_1 = arith.constant 0 : i32
    return %c0_i32, %c0_i32_0 : i32, i32
  }
  func.func @transform_3(%arg0: i32) -> (i32, i32) {
    %c0_i32 = arith.constant 0 : i32
    %c0_i32_0 = arith.constant 0 : i32
    return %arg0, %c0_i32 : i32, i32
  }
}

</mosaic_0001>

<sc_bundles>
// kernel: kernel.11.cloned.1.call-start
scs
__scs_entry_jumppad:
0x0: {  	(pc) =	sbr.rel $0x88, $3  }
0x1: {  	(tag) =	ssettag $0x0;
	lr =	simm.s32 $0x1  }
0x2: {  	[smem:$0x3F9B] =	sst lr;
	_ =	strace $0xD0000000  }
0x3: {  	_ = 	snop  }
0x4: {  	_ = 	snop  }
0x5: {  	_ = 	snop  }
0x6: {  	_ = 	snop  }
0x7: {  	_ = 	snop  }
__scs_overlays_trampoline_lowered:
0x8: {  	[smem:$0x3FAA] =	sst s0  }
0x9: {  	[smem:$0x3FAB] =	sst s1  }
0xa: {  	[smem:$0x3FAC] =	sst s2  }
0xb: {  	[smem:$0x3FAD] =	sst s3  }
0xc: {  	[smem:$0x3FAE] =	sst s4  }
0xd: {  	[smem:$0x3FAF] =	sst s5  }
0xe: {  	[smem:$0x3FB0] =	sst s6  }
0xf: {  	[smem:$0x3FB1] =	sst s7  }
0x10: {  	[smem:$0x3FB2] =	sst s8  }
0x11: {  	[smem:$0x3FB3] =	sst s9;
	s0 =	simm.s32 @!p0 $0x0  }
0x12: {  	s1 =	sld [smem:$0x3F99];
	s0 =	simm.s32 @p0 $0x1  }
0x13: {  	[smem:$0x3FB4] =	sst s0;
	s0 =	simm.s32 @!p1 $0x0  }
0x14: {  	s2 =	sld [smem:$0x3F98];
	s0 =	simm.s32 @p1 $0x1  }
0x15: {  	[smem:$0x3FB5] =	sst s0;
	s0 =	simm.s32 @!p2 $0x0  }
0x16: {  	s3 =	sld [smem:$0x3FDB];
	s0 =	simm.s32 @p2 $0x1  }
0x17: {  	s4 =	simm.s32 $0x1BF5;
	[smem:$0x3FB7] =	sst s0  }
0x18: {  	s0 =	sld [smem:$0x3F9A];
	_ =	swait.ge [sflag:s4], $0x0  }
0x19: {  	s7 =	sld [smem:$0x3F9B]  }
0x1a: {  	s8 =	sadd.s32 $0xFFFFE003, lr  }
0x1b: {  	s9 =	sadd.s32 $0xFFFFFEF7, lr;
	s5 =	simm.s32 $0xFFFFFFFF;
	p2 =	slt.u32 s8, $0xFFFFF086  }
0x1c: {  	p1 =	slt.u32 s9, $0xF7A;
	s5 =	simm.s32 @!p2 $0x0  }
0x1d: {  	s5 =	simm.s32 @p1 $0x1;
	p0 =	seq.s32 s7, s2  }
0x1e: {  	s7 =	smul.u32 @!p0 $0xF7A, s2;
	p2 =	seq.s32 @!p0 s5, $0x0  }
0x1f: {  	s9 =	smul.u32 $0xF7A, s1;
	s8 =	simm.s32 @!p0 $0x1BF5;
	p2 =	por !p2, p0  }
0x20: {  	[sflag:s8] =	ssyncset.s32 @!p0 $0xFFFFF086;
	s6 =	sadd.s32 @!p0 s3, s7;
	s7 =	simm.s32 @!p0 $0x108  }
0x21: {  	s3 =	sadd.s32 s3, s9;
	s6 =	sadd.s32 @!p0 $0x88, s6;
	s7 =	simm.s32 @p2 $0x1082  }
0x22: {  	[simem:s7], [sflag:s8] =	dma.local @!p0 [hbm:s6], $0xF7A  }
0x23: {  	s9 =	sor.u32 $0xD0000000, s2;
	s6 =	simm.s32 $0x108;
	_ =	swait.ge @!p0 [sflag:s8], $0x0  }
0x24: {  	s3 =	sadd.s32 $0x88, s3;
	s6 =	simm.s32 @!p1 $0x1082;
	[sflag:s4] =	ssyncset.s32 $0xFFFFF086  }
0x25: {  	[simem:s6], [sflag:s4] =	dma.local [hbm:s3], $0xF7A  }
0x26: {  	[smem:$0x3F9B] =	sst s1;
	(tag) =	ssettag s2;
	_ =	strace s9  }
0x27: {  	s1 =	sld [smem:$0x3FAB]  }
0x28: {  	s2 =	sld [smem:$0x3FAC]  }
0x29: {  	s4 =	sld [smem:$0x3FAE]  }
0x2a: {  	p0 =	seq.s32 s5, $0x0;
	s5 =	sld [smem:$0x3FAF]  }
0x2b: {  	s6 =	sld [smem:$0x3FB0]  }
0x2c: {  	s7 =	sld [smem:$0x3FB1]  }
0x2d: {  	s3 =	simm.s32 $0x108;
	s8 =	sld [smem:$0x3FB2]  }
0x2e: {  	s3 =	simm.s32 @!p0 $0x1082;
	s9 =	sld [smem:$0x3FB3]  }
0x2f: {  	lr =	sadd.s32 s0, s3;
	s0 =	sld [smem:$0x3FAA]  }
0x30: {  	s3 =	sld [smem:$0x3FAD]  }
0x31: {  	[smem:$0x3FB6] =	sst s10  }
0x32: {  	s10 =	sld [smem:$0x3FB4];
	_ =	sdelay $0x3  }
0x33: {  	p0 =	seq.s32 s10, $0x1;
	s10 =	sld [smem:$0x3FB6];
	_ =	sdelay $0x3  }
0x34: {  	[smem:$0x3FB6] =	sst s10  }
0x35: {  	s10 =	sld [smem:$0x3FB5];
	_ =	sdelay $0x3  }
0x36: {  	p1 =	seq.s32 s10, $0x1;
	s10 =	sld [smem:$0x3FB6];
	_ =	sdelay $0x3  }
0x37: {  	[smem:$0x3FB6] =	sst s10  }
0x38: {  	s10 =	sld [smem:$0x3FB7]  }
0x39: {  	_ = 	snop;
	(pc) =	sbr.ind lr, $3  }
0x3a: {  	_ = 	snop  }
0x3b: {  	_ = 	snop  }
0x3c: {  	p2 =	seq.s32 s10, $0x1;
	s10 =	sld [smem:$0x3FB6]  }
0x3d: {  	_ =	shalt  }
0x3e: {  	_ =	shalt  }
0x3f: {  	_ =	shalt  }
0x40: {  	_ =	shalt  }
0x41: {  	_ =	shalt  }
0x42: {  	_ =	shalt  }
0x43: {  	_ =	shalt  }
0x44: {  	_ =	shalt  }
0x45: {  	_ =	shalt  }
0x46: {  	_ =	shalt  }
0x47: {  	_ =	shalt  }
0x48: {  	_ =	shalt  }
0x49: {  	_ =	shalt  }
0x4a: {  	_ =	shalt  }
0x4b: {  	_ =	shalt  }
0x4c: {  	_ =	shalt  }
0x4d: {  	_ =	shalt  }
0x4e: {  	_ =	shalt  }
0x4f: {  	_ =	shalt  }
0x50: {  	_ =	shalt  }
0x51: {  	_ =	shalt  }
0x52: {  	_ =	shalt  }
0x53: {  	_ =	shalt  }
0x54: {  	_ =	shalt  }
0x55: {  	_ =	shalt  }
0x56: {  	_ =	shalt  }
0x57: {  	_ =	shalt  }
0x58: {  	_ =	shalt  }
0x59: {  	_ =	shalt  }
0x5a: {  	_ =	shalt  }
0x5b: {  	_ =	shalt  }
0x5c: {  	_ =	shalt  }
0x5d: {  	_ =	shalt  }
0x5e: {  	_ =	shalt  }
0x5f: {  	_ =	shalt  }
0x60: {  	_ =	shalt  }
0x61: {  	_ =	shalt  }
0x62: {  	_ =	shalt  }
0x63: {  	_ =	shalt  }
0x64: {  	_ =	shalt  }
0x65: {  	_ =	shalt  }
0x66: {  	_ =	shalt  }
0x67: {  	_ =	shalt  }
0x68: {  	_ =	shalt  }
0x69: {  	_ =	shalt  }
0x6a: {  	_ =	shalt  }
0x6b: {  	_ =	shalt  }
0x6c: {  	_ =	shalt  }
0x6d: {  	_ =	shalt  }
0x6e: {  	_ =	shalt  }
0x6f: {  	_ =	shalt  }
0x70: {  	_ =	shalt  }
0x71: {  	_ =	shalt  }
0x72: {  	_ =	shalt  }
0x73: {  	_ =	shalt  }
0x74: {  	_ =	shalt  }
0x75: {  	_ =	shalt  }
0x76: {  	_ =	shalt  }
0x77: {  	_ =	shalt  }
0x78: {  	_ =	shalt  }
0x79: {  	_ =	shalt  }
0x7a: {  	_ =	shalt  }
0x7b: {  	_ =	shalt  }
0x7c: {  	_ =	shalt  }
0x7d: {  	_ =	shalt  }
0x7e: {  	_ =	shalt  }
0x7f: {  	_ =	shalt  }
0x80: {  	_ =	shalt  }
0x81: {  	_ =	shalt  }
0x82: {  	_ =	shalt  }
0x83: {  	_ =	shalt  }
0x84: {  	_ =	shalt  }
0x85: {  	_ =	shalt  }
0x86: {  	_ =	shalt  }
0x87: {  	_ =	shalt  }
.Lfunc_end0:
.L_simem_size_0:
called_computation.1_lowered:
.L_overlay_start_0:
0x88: {  	s2 =	sld [smem:$0x3FD9]  }
0x89: {  	s3 =	sld [smem:$0x3FFE];
	_ =	sdelay $0x1  }
0x8a: {  	s1 =	srdreg.scid  }
0x8b: {  	s0 =	sand.u32 $0x1, s1  }
0x8c: {  	s17 =	sshll.u32 s0, $0xA;
	s2 =	sadd.s32 s3, s2  }
0x8d: {  	s2 =	sadd.s32 s2, s17  }
0x8e: {  	[smem:$0x3FC2] =	sst s2  }
0x8f: {  	_ = 	snop  }
0x90: {  	s2 =	sld [smem:$0x3FD0];
	(tm) =	ssettm $0x1  }
0x91: {  	s18 =	sld [smem:$0x3FFB];
	_ =	sdelay $0x3  }
0x92: {  	_ =	strace s18  }
0x93: {  	s3 =	sld [smem:$0x3FFC];
	_ =	sdelay $0x3  }
0x94: {  	_ =	strace s3  }
0x95: {  	s3 =	sld [smem:$0x3FFD];
	_ =	sdelay $0x3  }
0x96: {  	_ =	strace s3  }
0x97: {  	_ =	strace $0x8FFFFFFF  }
0x98: {  	s19 =	sld [smem:$0x3FDB];
	_ =	sdelay $0x1  }
0x99: {  	s4 =	simm.s32 $_scs_section_size  }
0x9a: {  	s5 =	simm.s32 $_size__tile_overlayer_lowered;
	s6 =	simm.s32 $_tile_overlayer_lowered  }
0x9b: {  	s22 =	simm.s32 $0x1BFF;
	s21 =	sshll.u32 s6, $0x1;
	s3 =	sadd.s32 s4, s19  }
0x9c: {  	s7 =	simm.s32 $0x0;
	s20 =	sshll.u32 s5, $0x1;
	s5 =	sadd.s32 s21, s3  }
0x9d: {  	[timem:s7], [sflag:s22] =	dma.local [hbm:s5], s20  }
0x9e: {  	_ =	swait.ge [sflag:s22], s20  }
0x9f: {  	s4 =	ssub.s32 $0x0, s20;
	[sflag:s22] =	ssyncset.done $0x0  }
0xa0: {  	[sflag:s22] =	ssyncadd.s32 s4;
	_ =	sdelay $0x1  }
0xa1: {  	s23 =	simm.s32 $0x1B8B  }
0xa2: {  	_ =	swait.ge [sflag:s23], $0x1  }
0xa3: {  	[sflag:s23] =	ssyncset.done $0x0  }
0xa4: {  	s25 =	simm.s32 $0x1B8E;
	s24 =	sld [smem:$0x3FFE];
	[sflag:s23] =	ssyncadd.s32 $0xFFFFFFFF  }
0xa5: {  	s26 =	simm.s32 $execute0_lowered;
	[smem:$0x3FD2] =	sst s25  }
0xa6: {  	s5 =	sshll.u32 s26, $0x1;
	_ =	strace $0x80000049;
	[dreg:$0x1] =	wrdreg $0xFFFFFFFF  }
0xa7: {  	s28 =	simm.s32 $_size_execute0_lowered;
	s3 =	sadd.s32 s3, s5;
	[dreg:$0x0] =	wrdreg $0x0  }
0xa8: {  	s5 =	sshll.u32 s28, $0x1;
	[dreg:$0x2] =	wrdreg s3  }
0xa9: {  	[dreg:$0x3] =	wrdreg s5  }
0xaa: {  	[dreg:$0x4] =	wrdreg $0xC0  }
0xab: {  	_ =	task [dreg:s7], $0x5FFFF  }
0xac: {  	[dreg:$0x1] =	wrdreg $0xFFFFFFFF  }
0xad: {  	[dreg:$0x0] =	wrdreg $0x60  }
0xae: {  	[dreg:$0x2] =	wrdreg s24  }
0xaf: {  	[dreg:$0x3] =	wrdreg s2  }
0xb0: {  	[dreg:$0x4] =	wrdreg $0x13E000  }
0xb1: {  	[dreg:$0x5] =	wrdreg $0x9  }
0xb2: {  	_ =	task.clear_ibuf [dreg:s7], $0x6FFFF;
	_ =	strace $0x90000049  }
0xb3: {  	s29 =	simm.s32 $0x9;
	_ =	strace $0x8000004B  }
0xb4: {  	_ =	swait.ge [sflag:s29], $0x1  }
0xb5: {  	[sflag:s29] =	ssyncadd.s32 $0xFFFFFFFF  }
0xb6: {  	_ =	strace $0x9000004B  }
0xb7: {  	_ =	sfence  }
0xb8: {  	s30 =	sld [smem:$0x0];
	_ =	sdelay $0x2  }
0xb9: {  	s31 =	sshll.u32 s1, $0xD;
	s1 =	sshrl.u32 s1, $0x2  }
0xba: {  	s3 =	sand.u32 $0x4000, s31;
	s1 =	sadd.s32 s1, s30  }
0xbb: {  	s0 =	sor.u32 s3, s0;
	s1 =	sshll.u32 s1, $0x11  }
0xbc: {  	s0 =	sor.u32 s1, s0  }
0xbd: {  	s0 =	sadd.s32 $0x8F2B, s0  }
0xbe: {  	[sflag:s0] =	ssyncadd.remote.s32 $0x1  }
0xbf: {  	_ =	sfence.sel $0xFFFF  }
0xc0: {  	[dreg:$0x0] =	wrdreg $0xFFFFFFFF;
	(pc) =	sbr.abs _section_cstart, $3  }
0xc1: {  	[dreg:$0x1] =	wrdreg $0xFFFFFFFF  }
0xc2: {  	_ =	task.clear_ibuf [dreg:s7], $0x2FFFF;
	_ =	strace $0x9FFFFFFF  }
0xc3: {  	(tm) =	ssettm $0x7FFFFFFF  }
tec
execute0_lowered:
.L_overlay_start_1:
0x0: {  	(tag) =	ssettag $0x1  }
0x1: {  	s6 =	rddreg [dreg:$0x0]  }
0x2: {  	s7 =	rddreg [dreg:$0x1]  }
0x3: {  	s2 =	rddreg [dreg:$0x2]  }
0x4: {  	s0 =	rddreg [dreg:$0x3]  }
0x5: {  	s1 =	stileid.u32;
	s4 =	srdreg.scid  }
0x6: {  	s3 =	simm.s32 $0x0;
	s14 =	simm.s32 $0x9E00;
	s15 =	simm.s32 $0xBE00  }
0x7: {  	s16 =	simm.s32 $0x100;
	s17 =	simm.s32 $0xDE00;
	s18 =	simm.s32 $0x180  }
0x8: {  	s19 =	simm.s32 $0xFE00;
	s20 =	simm.s32 $0x11E00;
	s21 =	simm.s32 $0x1  }
0x9: {  	s22 =	simm.s32 $0x6;
	s23 =	simm.s32 $0x8;
	s8 =	smul.u32 $0x4F00, s1  }
0xa: {  	s24 =	simm.s32 $0x0;
	s5 =	sand.u32 $0x1, s4;
	s9 =	smul.u32 $0xA000, s1  }
0xb: {  	[smem:$0x7FF] =	sst s3;
	s4 =	sadd.s32 $0x7A400, s6;
	s30 =	sshll.u32 s1, $0x6  }
0xc: {  	s10 =	smul.u32 $0xA0000, s5;
	_ =	strace $0x8000004A;
	s12 =	ssub.s32 $0x2, s5  }
0xd: {  	s13 =	smul.u32 $0x4F000, s5;
	s5 =	sadd.s32 $0x2000, s6;
	s11 =	sshrl.u32 s8, $0x3  }
0xe: {  	s29 =	sshrl.u32 s12, $0x1;
	s31 =	sadd.s32 s9, s2;
	s11 =	sadd.s32 s11, s6  }
.Ltmp0:
0xf: {  	s10 =	sadd.s32 s9, s10;
	s12 =	ssub.s32 s12, s29;
	(pc) =	sbr.rel .LBB2_1-.Ltmp0, $4  }
0x10: {  	s8 =	sadd.s32 s8, s13;
	s13 =	simm.s32 $0x80;
	s10 =	sshrl.u32 s10, $0x3  }
0x11: {  	s8 =	sshrl.u32 s8, $0x3;
	s10 =	sadd.s32 s10, s6;
	s6 =	sor.u32 $0x1C0B, s30  }
0x12: {  	s7 =	sadd.s32 s7, s8;
	s8 =	sadd.s32 $0xBE00, s11;
	s11 =	sshrl.u32 s31, $0x3  }
0x13: {  	s9 =	sadd.s32 $0xA2400, s10;
	s10 =	smax.u32 s12, $0x1;
	s12 =	simm.s32 $0xB  }
.LBB2_7:
0x14: {  	_ =	swait.ge [sflag:s23], $0x2000  }
0x15: {  	s24 =	sadd.s32 $0x1, s24;
	[sflag:s23] =	ssyncset.done $0x0  }
0x16: {  	p0 =	sne.s32 s24, s10;
	[sflag:s23] =	ssyncadd.s32 $0xFFFFE000  }
.Ltmp1:
0x17: {  	[bflag:$0x0] =	sbarrier.arrive $0xFFFF;
	(pc) =	sbr.rel @!p0 .LBB2_8-.Ltmp1, $4  }
0x18: {  	[hbm:s9], [sflag:s6] =	dma.local [spmem:s11], $0x1400  }
0x19: {  	_ =	swait.ge [sflag:s12], $0x1400  }
0x1a: {  	[sflag:s12] =	ssyncset.done $0x0  }
0x1b: {  	[sflag:s12] =	ssyncadd.s32 $0xFFFFEC00  }
.LBB2_1:
0x1c: {  	[spmem:s11], [sflag:s6] =	dma.local [hbm:s5], $0x1400  }
0x1d: {  	_ =	swait.ge [sflag:s12], $0x1400  }
0x1e: {  	[sflag:s12] =	ssyncset.done $0x0  }
0x1f: {  	[sflag:s12] =	ssyncadd.s32 $0xFFFFEC00  }
0x20: {  	[tilespmem:s3], [sflag:$0xB] =	stream.linear.gather [hbm4b:s7+s3], $0x4F00, $0x38;
	[tilespmem:$0x1DE00] =	vst v63  }
0x21: {  	_ =	swait.ge [sflag:s12], $0x4F00  }
0x22: {  	[sflag:s12] =	ssyncset.done $0x0  }
0x23: {  	s25 =	simm.s32 $0x4F00;
	[sflag:s12] =	ssyncadd.s32 $0xFFFFB100  }
0x24: {  	[tilespmem:s25], [sflag:$0xB] =	stream.linear.gather [hbm4b:s8+s3], $0x4F00, $0x38;
	[tilespmem:$0x1DE00] =	vst v63  }
0x25: {  	_ =	swait.ge [sflag:s12], $0x4F00  }
0x26: {  	[sflag:s12] =	ssyncset.done $0x0  }
0x27: {  	[sflag:s12] =	ssyncadd.s32 $0xFFFFB100  }
0x28: {  	[bflag:$0x0] =	sbarrier.arrive $0xFFFF  }
0x29: {  	[tilespmem:s14], [sflag:$0x1] =	stream.indirect.gather [hbm4b:s4+s13], $0x40, s3, s13, $0xb8;
	[tilespmem:$0x1DE00] =	vst v63  }
0x2a: {  	_ = 	snop  }
0x2b: {  	[tilespmem:s15], [sflag:$0x2] =	stream.indirect.gather [hbm4b:s4+s13], $0x40, s13, s13, $0xb8;
	[tilespmem:$0x1DE00] =	vst v63  }
.Ltmp2:
0x2c: {  	_ = 	snop;
	(pc) =	sbr.rel .LBB2_2-.Ltmp2, $4  }
0x2d: {  	_ = 	snop  }
0x2e: {  	[tilespmem:s17], [sflag:$0x3] =	stream.indirect.gather [hbm4b:s4+s13], $0x40, s16, s13, $0xb8;
	[tilespmem:$0x1DE00] =	vst v63  }
0x2f: {  	s26 =	simm.s32 $0x200;
	s28 =	simm.s32 $0x0  }
0x30: {  	[tilespmem:s19], [sflag:$0x4] =	stream.indirect.gather [hbm4b:s4+s13], $0x40, s18, s13, $0xb8;
	[tilespmem:$0x1DE00] =	vst v63  }
.LBB2_9:
0x31: {  	p0 =	seq.s32 s29, $0x2  }
0x32: {  	s30 =	simm.s32 @p0 $0x7  }
0x33: {  	p1 =	slt.u32 @p0 s28, $0x9A;
	_ =	swait.ge @p0 [sflag:s30], $0x2000  }
0x34: {  	p2 =	por !p1, !p0;
	[sflag:s30] =	ssyncset.done @p0 $0x0  }
0x35: {  	s31 =	simm.s32 @!p2 $0xBE00;
	[sflag:s30] =	ssyncadd.s32 @p0 $0xFFFFE000;
	s30 =	simm.s32 @!p2 $0x80  }
0x36: {  	[tilespmem:s31], [sflag:$0x2] =	stream.indirect.gather @!p2 [hbm4b:s4+s30], $0x40, s26, s30, $0xb8;
	[tilespmem:$0x1DE00] =	vst v63  }
0x37: {  	s31 =	simm.s32 @!p2 $0x3  }
0x38: {  	_ =	swait.ge @!p2 [sflag:s31], $0x2000  }
0x39: {  	[sflag:s31] =	ssyncset.done @!p2 $0x0  }
0x3a: {  	p1 =	por p1, !p0;
	[sflag:s31] =	ssyncadd.s32 @!p2 $0xFFFFE000;
	s31 =	simm.s32 @!p2 $0xDE00  }
0x3b: {  	[spmem:s2] =	stream.indirect.scatter.add.f32 @!p2 [tilespmem:s31], [sflag:$0x8], $0x40, s25, s30, $0xb8;
	[tilespmem:$0x1DE00] =	vst v63  }
0x3c: {  	s30 =	simm.s32 @!p1 $0x3  }
0x3d: {  	_ =	swait.ge @!p1 [sflag:s30], $0x2000  }
0x3e: {  	[sflag:s30] =	ssyncset.done @!p1 $0x0  }
0x3f: {  	s31 =	simm.s32 @!p1 $0xDE00;
	[sflag:s30] =	ssyncadd.s32 @!p1 $0xFFFFE000;
	s30 =	simm.s32 @!p1 $0x80  }
0x40: {  	[spmem:s2] =	stream.indirect.scatter.add.f32 @!p1 [tilespmem:s31], [sflag:$0x8], $0x40, s25, s30, $0xb8;
	[tilespmem:$0x1DE00] =	vst v63  }
0x41: {  	p1 =	seq.s32 @!p0 s29, $0x3  }
0x42: {  	p2 =	por !p1, p0  }
0x43: {  	s29 =	simm.s32 @!p2 $0x8;
	p3 =	sgt.u32 @!p2 s28, $0x99  }
0x44: {  	_ =	swait.ge @!p2 [sflag:s29], $0x2000;
	p3 =	por @!p0 p3, !p1  }
0x45: {  	[sflag:s29] =	ssyncset.done @!p2 $0x0;
	p3 =	por p3, p0  }
0x46: {  	[sflag:s29] =	ssyncadd.s32 @!p2 $0xFFFFE000;
	s29 =	simm.s32 @!p3 $0x80;
	s30 =	simm.s32 @!p3 $0xDE00  }
0x47: {  	[tilespmem:s30], [sflag:$0x3] =	stream.indirect.gather @!p3 [hbm4b:s4+s29], $0x40, s26, s29, $0xb8;
	[tilespmem:$0x1DE00] =	vst v63  }
0x48: {  	s29 =	simm.s32 @!p2 $0x4  }
0x49: {  	_ =	swait.ge @!p2 [sflag:s29], $0x2000  }
0x4a: {  	[sflag:s29] =	ssyncset.done @!p2 $0x0  }
0x4b: {  	s30 =	simm.s32 @!p2 $0xFE00;
	[sflag:s29] =	ssyncadd.s32 @!p2 $0xFFFFE000;
	s29 =	simm.s32 @!p2 $0x80  }
0x4c: {  	[spmem:s2] =	stream.indirect.scatter.add.f32 @!p2 [tilespmem:s30], [sflag:$0x9], $0x40, s25, s29, $0xb8;
	[tilespmem:$0x1DE00] =	vst v63  }
0x4d: {  	p2 =	por p1, p0  }
0x4e: {  	s29 =	simm.s32 @!p2 $0x9;
	p3 =	sgt.u32 @!p2 s28, $0x99  }
0x4f: {  	_ =	swait.ge @!p2 [sflag:s29], $0x2000;
	p1 =	por @!p0 p3, p1  }
0x50: {  	[sflag:s29] =	ssyncset.done @!p2 $0x0;
	p0 =	por p1, p0  }
0x51: {  	[sflag:s29] =	ssyncadd.s32 @!p2 $0xFFFFE000;
	s29 =	simm.s32 @!p0 $0x80;
	s30 =	simm.s32 @!p0 $0xFE00  }
0x52: {  	[tilespmem:s30], [sflag:$0x4] =	stream.indirect.gather @!p0 [hbm4b:s4+s29], $0x40, s26, s29, $0xb8;
	[tilespmem:$0x1DE00] =	vst v63  }
0x53: {  	s29 =	simm.s32 @!p2 $0x5  }
0x54: {  	_ =	swait.ge @!p2 [sflag:s29], $0x2000  }
0x55: {  	[sflag:s29] =	ssyncset.done @!p2 $0x0  }
0x56: {  	s30 =	simm.s32 @!p2 $0x11E00;
	[sflag:s29] =	ssyncadd.s32 @!p2 $0xFFFFE000;
	s29 =	simm.s32 @!p2 $0x80  }
0x57: {  	[spmem:s2] =	stream.indirect.scatter.add.f32 @!p2 [tilespmem:s30], [sflag:$0xA], $0x40, s25, s29, $0xb8;
	[tilespmem:$0x1DE00] =	vst v63  }
.LBB2_6:
0x58: {  	s28 =	sadd.s32 $0x1, s28  }
0x59: {  	p0 =	sne.s32 s28, $0x9E  }
.Ltmp3:
0x5a: {  	_ = 	snop;
	(pc) =	sbr.rel @!p0 .LBB2_7-.Ltmp3, $2  }
0x5b: {  	_ =	sdelay $0x2  }
0x5c: {  	s25 =	sadd.s32 $0x80, s25;
	s26 =	sadd.s32 $0x80, s26  }
.LBB2_2:
0x5d: {  	s29 =	smul.u32 $0xCD, s28;
	_ =	sdelay $0x1  }
0x5e: {  	s29 =	sshrl.u32 s29, $0xA  }
0x5f: {  	s29 =	sand.u32 $0x3F, s29  }
0x60: {  	s29 =	smul.u32 $0x5, s29;
	_ =	sdelay $0x1  }
0x61: {  	s29 =	ssub.s32 s28, s29  }
0x62: {  	s29 =	sand.u32 $0xFF, s29  }
0x63: {  	p0 =	sgt.s32 s29, $0x1  }
.Ltmp4:
0x64: {  	_ = 	snop;
	(pc) =	sbr.rel @p0 .LBB2_9-.Ltmp4, $1  }
0x65: {  	_ =	sdelay $0x3  }
0x66: {  	p0 =	seq.s32 s29, $0x0  }
.Ltmp5:
0x67: {  	_ = 	snop;
	(pc) =	sbr.rel @!p0 .LBB2_5-.Ltmp5, $1  }
0x68: {  	_ =	sdelay $0x3  }
0x69: {  	p0 =	seq.s32 s28, $0x0  }
0x6a: {  	s29 =	simm.s32 @!p0 $0xA  }
0x6b: {  	_ =	swait.ge @!p0 [sflag:s29], $0x2000  }
0x6c: {  	p1 =	sgt.u32 @!p0 s28, $0x99;
	[sflag:s29] =	ssyncset.done @!p0 $0x0  }
0x6d: {  	p1 =	por p0, !p1;
	[sflag:s29] =	ssyncadd.s32 @!p0 $0xFFFFE000  }
0x6e: {  	[tilespmem:s20], [sflag:$0x5] =	stream.indirect.gather @p1 [hbm4b:s4+s13], $0x40, s26, s13, $0xb8;
	[tilespmem:$0x1DE00] =	vst v63  }
.Ltmp6:
0x6f: {  	_ = 	snop;
	(pc) =	sbr.rel .LBB2_6-.Ltmp6, $4  }
0x70: {  	_ =	swait.ge [sflag:s21], $0x2000  }
0x71: {  	[sflag:s21] =	ssyncset.done $0x0  }
0x72: {  	[sflag:s21] =	ssyncadd.s32 $0xFFFFE000  }
0x73: {  	[spmem:s2] =	stream.indirect.scatter.add.f32 [tilespmem:s14], [sflag:$0x6], $0x40, s25, s13, $0xb8;
	[tilespmem:$0x1DE00] =	vst v63  }
.LBB2_5:
0x74: {  	_ =	swait.ge [sflag:s22], $0x2000  }
0x75: {  	p0 =	slt.u32 s28, $0x9A;
	[sflag:s22] =	ssyncset.done $0x0  }
0x76: {  	s29 =	simm.s32 @p0 $0x80;
	s30 =	simm.s32 @p0 $0x9E00;
	[sflag:s22] =	ssyncadd.s32 $0xFFFFE000  }
0x77: {  	[tilespmem:s30], [sflag:$0x1] =	stream.indirect.gather @p0 [hbm4b:s4+s29], $0x40, s26, s29, $0xb8;
	[tilespmem:$0x1DE00] =	vst v63  }
0x78: {  	s30 =	simm.s32 @p0 $0x2  }
0x79: {  	_ =	swait.ge @p0 [sflag:s30], $0x2000  }
0x7a: {  	[sflag:s30] =	ssyncset.done @p0 $0x0  }
0x7b: {  	[sflag:s30] =	ssyncadd.s32 @p0 $0xFFFFE000;
	s30 =	simm.s32 @p0 $0xBE00  }
0x7c: {  	[spmem:s2] =	stream.indirect.scatter.add.f32 @p0 [tilespmem:s30], [sflag:$0x7], $0x40, s25, s29, $0xb8;
	[tilespmem:$0x1DE00] =	vst v63  }
.Ltmp7:
0x7d: {  	s29 =	simm.s32 @!p0 $0x2;
	(pc) =	sbr.rel .LBB2_6-.Ltmp7, $4  }
0x7e: {  	_ =	swait.ge @!p0 [sflag:s29], $0x2000  }
0x7f: {  	[sflag:s29] =	ssyncset.done @!p0 $0x0  }
0x80: {  	s30 =	simm.s32 @!p0 $0xBE00;
	[sflag:s29] =	ssyncadd.s32 @!p0 $0xFFFFE000;
	s29 =	simm.s32 @!p0 $0x80  }
0x81: {  	[spmem:s2] =	stream.indirect.scatter.add.f32 @!p0 [tilespmem:s30], [sflag:$0x7], $0x40, s25, s29, $0xb8;
	[tilespmem:$0x1DE00] =	vst v63  }
.LBB2_8:
0x82: {  	_ =	sfence.sel $0x180000  }
0x83: {  	[bflag:$0x0] =	sbarrier.arrive $0xFFFF  }
0x84: {  	p0 =	sne.s32 s1, $0x0;
	_ =	strace $0x9000004A  }
0x85: {  	s0 =	sadd.s32 @!p0 $0x100000, s0;
	[bflag:$0x2] =	sbarrier.arrive $0xFFFF  }
0x86: {  	[sflag:s0] =	ssyncadd.tile.s32 @!p0 $0x1;
	_ =	shalt  }
.Lfunc_end2:
_tile_overlayer_lowered:
.L_overlay_start_2:
0x87: {  	(tag) =	ssettag $0x2  }
0x88: {  	s0 =	rddreg [dreg:$0x0];
	s2 =	stileid.u32  }
0x89: {  	s1 =	rddreg [dreg:$0x1];
	p0 =	sne.s32 s2, $0x0  }
0x8a: {  	s3 =	rddreg [dreg:$0x2];
	[bflag:$0x3] =	sbarrier.arrive $0xFFFF;
	s2 =	simm.s32 @!p0 $0x1C0B  }
0x8b: {  	[timem:s3], [sflag:s2] =	dma.local @!p0 [hbm:s0], s1  }
0x8c: {  	s0 =	simm.s32 @!p0 $0xB  }
0x8d: {  	_ =	swait.ge @!p0 [sflag:s0], s1  }
0x8e: {  	s1 =	ssub.s32 @!p0 $0x0, s1;
	[sflag:s0] =	ssyncset.done @!p0 $0x0  }
0x8f: {  	[sflag:s0] =	ssyncadd.s32 @!p0 s1  }
0x90: {  	[bflag:$0x3] =	sbarrier.arrive $0xFFFF  }
0x91: {  	_ =	shalt  }

// kernel: kernel.14.cloned.1.call-start
scs
__scs_entry_jumppad:
0x0: {  	(pc) =	sbr.rel $0x88, $3  }
0x1: {  	(tag) =	ssettag $0x0;
	lr =	simm.s32 $0x1  }
0x2: {  	[smem:$0x3F9B] =	sst lr;
	_ =	strace $0xD0000000  }
0x3: {  	_ = 	snop  }
0x4: {  	_ = 	snop  }
0x5: {  	_ = 	snop  }
0x6: {  	_ = 	snop  }
0x7: {  	_ = 	snop  }
__scs_overlays_trampoline_lowered:
0x8: {  	[smem:$0x3FAA] =	sst s0  }
0x9: {  	[smem:$0x3FAB] =	sst s1  }
0xa: {  	[smem:$0x3FAC] =	sst s2  }
0xb: {  	[smem:$0x3FAD] =	sst s3  }
0xc: {  	[smem:$0x3FAE] =	sst s4  }
0xd: {  	[smem:$0x3FAF] =	sst s5  }
0xe: {  	[smem:$0x3FB0] =	sst s6  }
0xf: {  	[smem:$0x3FB1] =	sst s7  }
0x10: {  	[smem:$0x3FB2] =	sst s8  }
0x11: {  	[smem:$0x3FB3] =	sst s9;
	s0 =	simm.s32 @!p0 $0x0  }
0x12: {  	s1 =	sld [smem:$0x3F99];
	s0 =	simm.s32 @p0 $0x1  }
0x13: {  	[smem:$0x3FB4] =	sst s0;
	s0 =	simm.s32 @!p1 $0x0  }
0x14: {  	s2 =	sld [smem:$0x3F98];
	s0 =	simm.s32 @p1 $0x1  }
0x15: {  	[smem:$0x3FB5] =	sst s0;
	s0 =	simm.s32 @!p2 $0x0  }
0x16: {  	s3 =	sld [smem:$0x3FDB];
	s0 =	simm.s32 @p2 $0x1  }
0x17: {  	s4 =	simm.s32 $0x1BF5;
	[smem:$0x3FB7] =	sst s0  }
0x18: {  	s0 =	sld [smem:$0x3F9A];
	_ =	swait.ge [sflag:s4], $0x0  }
0x19: {  	s7 =	sld [smem:$0x3F9B]  }
0x1a: {  	s8 =	sadd.s32 $0xFFFFE003, lr  }
0x1b: {  	s9 =	sadd.s32 $0xFFFFFEF7, lr;
	s5 =	simm.s32 $0xFFFFFFFF;
	p2 =	slt.u32 s8, $0xFFFFF086  }
0x1c: {  	p1 =	slt.u32 s9, $0xF7A;
	s5 =	simm.s32 @!p2 $0x0  }
0x1d: {  	s5 =	simm.s32 @p1 $0x1;
	p0 =	seq.s32 s7, s2  }
0x1e: {  	s7 =	smul.u32 @!p0 $0xF7A, s2;
	p2 =	seq.s32 @!p0 s5, $0x0  }
0x1f: {  	s9 =	smul.u32 $0xF7A, s1;
	s8 =	simm.s32 @!p0 $0x1BF5;
	p2 =	por !p2, p0  }
0x20: {  	[sflag:s8] =	ssyncset.s32 @!p0 $0xFFFFF086;
	s6 =	sadd.s32 @!p0 s3, s7;
	s7 =	simm.s32 @!p0 $0x108  }
0x21: {  	s3 =	sadd.s32 s3, s9;
	s6 =	sadd.s32 @!p0 $0x88, s6;
	s7 =	simm.s32 @p2 $0x1082  }
0x22: {  	[simem:s7], [sflag:s8] =	dma.local @!p0 [hbm:s6], $0xF7A  }
0x23: {  	s9 =	sor.u32 $0xD0000000, s2;
	s6 =	simm.s32 $0x108;
	_ =	swait.ge @!p0 [sflag:s8], $0x0  }
0x24: {  	s3 =	sadd.s32 $0x88, s3;
	s6 =	simm.s32 @!p1 $0x1082;
	[sflag:s4] =	ssyncset.s32 $0xFFFFF086  }
0x25: {  	[simem:s6], [sflag:s4] =	dma.local [hbm:s3], $0xF7A  }
0x26: {  	[smem:$0x3F9B] =	sst s1;
	(tag) =	ssettag s2;
	_ =	strace s9  }
0x27: {  	s1 =	sld [smem:$0x3FAB]  }
0x28: {  	s2 =	sld [smem:$0x3FAC]  }
0x29: {  	s4 =	sld [smem:$0x3FAE]  }
0x2a: {  	p0 =	seq.s32 s5, $0x0;
	s5 =	sld [smem:$0x3FAF]  }
0x2b: {  	s6 =	sld [smem:$0x3FB0]  }
0x2c: {  	s7 =	sld [smem:$0x3FB1]  }
0x2d: {  	s3 =	simm.s32 $0x108;
	s8 =	sld [smem:$0x3FB2]  }
0x2e: {  	s3 =	simm.s32 @!p0 $0x1082;
	s9 =	sld [smem:$0x3FB3]  }
0x2f: {  	lr =	sadd.s32 s0, s3;
	s0 =	sld [smem:$0x3FAA]  }
0x30: {  	s3 =	sld [smem:$0x3FAD]  }
0x31: {  	[smem:$0x3FB6] =	sst s10  }
0x32: {  	s10 =	sld [smem:$0x3FB4];
	_ =	sdelay $0x3  }
0x33: {  	p0 =	seq.s32 s10, $0x1;
	s10 =	sld [smem:$0x3FB6];
	_ =	sdelay $0x3  }
0x34: {  	[smem:$0x3FB6] =	sst s10  }
0x35: {  	s10 =	sld [smem:$0x3FB5];
	_ =	sdelay $0x3  }
0x36: {  	p1 =	seq.s32 s10, $0x1;
	s10 =	sld [smem:$0x3FB6];
	_ =	sdelay $0x3  }
0x37: {  	[smem:$0x3FB6] =	sst s10  }
0x38: {  	s10 =	sld [smem:$0x3FB7]  }
0x39: {  	_ = 	snop;
	(pc) =	sbr.ind lr, $3  }
0x3a: {  	_ = 	snop  }
0x3b: {  	_ = 	snop  }
0x3c: {  	p2 =	seq.s32 s10, $0x1;
	s10 =	sld [smem:$0x3FB6]  }
0x3d: {  	_ =	shalt  }
0x3e: {  	_ =	shalt  }
0x3f: {  	_ =	shalt  }
0x40: {  	_ =	shalt  }
0x41: {  	_ =	shalt  }
0x42: {  	_ =	shalt  }
0x43: {  	_ =	shalt  }
0x44: {  	_ =	shalt  }
0x45: {  	_ =	shalt  }
0x46: {  	_ =	shalt  }
0x47: {  	_ =	shalt  }
0x48: {  	_ =	shalt  }
0x49: {  	_ =	shalt  }
0x4a: {  	_ =	shalt  }
0x4b: {  	_ =	shalt  }
0x4c: {  	_ =	shalt  }
0x4d: {  	_ =	shalt  }
0x4e: {  	_ =	shalt  }
0x4f: {  	_ =	shalt  }
0x50: {  	_ =	shalt  }
0x51: {  	_ =	shalt  }
0x52: {  	_ =	shalt  }
0x53: {  	_ =	shalt  }
0x54: {  	_ =	shalt  }
0x55: {  	_ =	shalt  }
0x56: {  	_ =	shalt  }
0x57: {  	_ =	shalt  }
0x58: {  	_ =	shalt  }
0x59: {  	_ =	shalt  }
0x5a: {  	_ =	shalt  }
0x5b: {  	_ =	shalt  }
0x5c: {  	_ =	shalt  }
0x5d: {  	_ =	shalt  }
0x5e: {  	_ =	shalt  }
0x5f: {  	_ =	shalt  }
0x60: {  	_ =	shalt  }
0x61: {  	_ =	shalt  }
0x62: {  	_ =	shalt  }
0x63: {  	_ =	shalt  }
0x64: {  	_ =	shalt  }
0x65: {  	_ =	shalt  }
0x66: {  	_ =	shalt  }
0x67: {  	_ =	shalt  }
0x68: {  	_ =	shalt  }
0x69: {  	_ =	shalt  }
0x6a: {  	_ =	shalt  }
0x6b: {  	_ =	shalt  }
0x6c: {  	_ =	shalt  }
0x6d: {  	_ =	shalt  }
0x6e: {  	_ =	shalt  }
0x6f: {  	_ =	shalt  }
0x70: {  	_ =	shalt  }
0x71: {  	_ =	shalt  }
0x72: {  	_ =	shalt  }
0x73: {  	_ =	shalt  }
0x74: {  	_ =	shalt  }
0x75: {  	_ =	shalt  }
0x76: {  	_ =	shalt  }
0x77: {  	_ =	shalt  }
0x78: {  	_ =	shalt  }
0x79: {  	_ =	shalt  }
0x7a: {  	_ =	shalt  }
0x7b: {  	_ =	shalt  }
0x7c: {  	_ =	shalt  }
0x7d: {  	_ =	shalt  }
0x7e: {  	_ =	shalt  }
0x7f: {  	_ =	shalt  }
0x80: {  	_ =	shalt  }
0x81: {  	_ =	shalt  }
0x82: {  	_ =	shalt  }
0x83: {  	_ =	shalt  }
0x84: {  	_ =	shalt  }
0x85: {  	_ =	shalt  }
0x86: {  	_ =	shalt  }
0x87: {  	_ =	shalt  }
.Lfunc_end0:
.L_simem_size_0:
called_computation.2_lowered:
.L_overlay_start_0:
0x88: {  	s2 =	sld [smem:$0x3FD9]  }
0x89: {  	s3 =	sld [smem:$0x3FFE];
	_ =	sdelay $0x1  }
0x8a: {  	s1 =	srdreg.scid  }
0x8b: {  	s0 =	sand.u32 $0x1, s1  }
0x8c: {  	s17 =	sshll.u32 s0, $0xA;
	s2 =	sadd.s32 s3, s2  }
0x8d: {  	s2 =	sadd.s32 s2, s17  }
0x8e: {  	[smem:$0x3FC2] =	sst s2  }
0x8f: {  	_ = 	snop  }
0x90: {  	s2 =	sld [smem:$0x3FD0];
	(tm) =	ssettm $0x1  }
0x91: {  	s18 =	sld [smem:$0x3FFB];
	_ =	sdelay $0x3  }
0x92: {  	_ =	strace s18  }
0x93: {  	s3 =	sld [smem:$0x3FFC];
	_ =	sdelay $0x3  }
0x94: {  	_ =	strace s3  }
0x95: {  	s3 =	sld [smem:$0x3FFD];
	_ =	sdelay $0x3  }
0x96: {  	_ =	strace s3  }
0x97: {  	_ =	strace $0x8FFFFFFF  }
0x98: {  	s19 =	sld [smem:$0x3FDB];
	_ =	sdelay $0x1  }
0x99: {  	s4 =	simm.s32 $_scs_section_size  }
0x9a: {  	s5 =	simm.s32 $_size__tile_overlayer_lowered;
	s6 =	simm.s32 $_tile_overlayer_lowered  }
0x9b: {  	s22 =	simm.s32 $0x1BFF;
	s21 =	sshll.u32 s6, $0x1;
	s3 =	sadd.s32 s4, s19  }
0x9c: {  	s7 =	simm.s32 $0x0;
	s20 =	sshll.u32 s5, $0x1;
	s5 =	sadd.s32 s21, s3  }
0x9d: {  	[timem:s7], [sflag:s22] =	dma.local [hbm:s5], s20  }
0x9e: {  	_ =	swait.ge [sflag:s22], s20  }
0x9f: {  	s4 =	ssub.s32 $0x0, s20;
	[sflag:s22] =	ssyncset.done $0x0  }
0xa0: {  	[sflag:s22] =	ssyncadd.s32 s4;
	_ =	sdelay $0x1  }
0xa1: {  	s23 =	simm.s32 $0x1B8B  }
0xa2: {  	_ =	swait.ge [sflag:s23], $0x1  }
0xa3: {  	[sflag:s23] =	ssyncset.done $0x0  }
0xa4: {  	s25 =	simm.s32 $0x1B8E;
	s24 =	sld [smem:$0x3FFE];
	[sflag:s23] =	ssyncadd.s32 $0xFFFFFFFF  }
0xa5: {  	s26 =	simm.s32 $execute0_lowered;
	[smem:$0x3FD2] =	sst s25  }
0xa6: {  	s5 =	sshll.u32 s26, $0x1;
	_ =	strace $0x8000004C;
	[dreg:$0x1] =	wrdreg $0xFFFFFFFF  }
0xa7: {  	s28 =	simm.s32 $_size_execute0_lowered;
	s3 =	sadd.s32 s3, s5;
	[dreg:$0x0] =	wrdreg $0x0  }
0xa8: {  	s5 =	sshll.u32 s28, $0x1;
	[dreg:$0x2] =	wrdreg s3  }
0xa9: {  	[dreg:$0x3] =	wrdreg s5  }
0xaa: {  	[dreg:$0x4] =	wrdreg $0xC0  }
0xab: {  	_ =	task [dreg:s7], $0x5FFFF  }
0xac: {  	[dreg:$0x1] =	wrdreg $0xFFFFFFFF  }
0xad: {  	[dreg:$0x0] =	wrdreg $0x60  }
0xae: {  	[dreg:$0x2] =	wrdreg s24  }
0xaf: {  	[dreg:$0x3] =	wrdreg s2  }
0xb0: {  	[dreg:$0x4] =	wrdreg $0xEE000  }
0xb1: {  	[dreg:$0x5] =	wrdreg $0x9  }
0xb2: {  	_ =	task.clear_ibuf [dreg:s7], $0x6FFFF;
	_ =	strace $0x9000004C  }
0xb3: {  	s29 =	simm.s32 $0x9;
	_ =	strace $0x8000004E  }
0xb4: {  	_ =	swait.ge [sflag:s29], $0x1  }
0xb5: {  	[sflag:s29] =	ssyncadd.s32 $0xFFFFFFFF  }
0xb6: {  	_ =	strace $0x9000004E  }
0xb7: {  	_ =	sfence  }
0xb8: {  	s30 =	sld [smem:$0x0];
	_ =	sdelay $0x2  }
0xb9: {  	s31 =	sshll.u32 s1, $0xD;
	s1 =	sshrl.u32 s1, $0x2  }
0xba: {  	s3 =	sand.u32 $0x4000, s31;
	s1 =	sadd.s32 s1, s30  }
0xbb: {  	s0 =	sor.u32 s3, s0;
	s1 =	sshll.u32 s1, $0x11  }
0xbc: {  	s0 =	sor.u32 s1, s0  }
0xbd: {  	s0 =	sadd.s32 $0x8F2B, s0  }
0xbe: {  	[sflag:s0] =	ssyncadd.remote.s32 $0x1  }
0xbf: {  	_ =	sfence.sel $0xFFFF  }
0xc0: {  	[dreg:$0x0] =	wrdreg $0xFFFFFFFF;
	(pc) =	sbr.abs _section_cstart, $3  }
0xc1: {  	[dreg:$0x1] =	wrdreg $0xFFFFFFFF  }
0xc2: {  	_ =	task.clear_ibuf [dreg:s7], $0x2FFFF;
	_ =	strace $0x9FFFFFFF  }
0xc3: {  	(tm) =	ssettm $0x7FFFFFFF  }
tec
execute0_lowered:
.L_overlay_start_1:
0x0: {  	(tag) =	ssettag $0x1  }
0x1: {  	s6 =	rddreg [dreg:$0x0]  }
0x2: {  	s7 =	rddreg [dreg:$0x1]  }
0x3: {  	s2 =	rddreg [dreg:$0x2]  }
0x4: {  	s0 =	rddreg [dreg:$0x3]  }
0x5: {  	s1 =	stileid.u32;
	s4 =	srdreg.scid  }
0x6: {  	s3 =	simm.s32 $0x0;
	s14 =	simm.s32 $0x9E00;
	s15 =	simm.s32 $0xAE00  }
0x7: {  	s16 =	simm.s32 $0x100;
	s17 =	simm.s32 $0xBE00;
	s18 =	simm.s32 $0x180  }
0x8: {  	s19 =	simm.s32 $0xCE00;
	s20 =	simm.s32 $0xDE00;
	s21 =	simm.s32 $0x1  }
0x9: {  	s22 =	simm.s32 $0x6;
	s23 =	simm.s32 $0x8;
	s8 =	smul.u32 $0x4F00, s1  }
0xa: {  	s24 =	simm.s32 $0x0;
	s5 =	sand.u32 $0x1, s4;
	s9 =	smul.u32 $0x5000, s1  }
0xb: {  	[smem:$0x7FF] =	sst s3;
	s4 =	sadd.s32 $0x15C00, s6;
	s30 =	sshll.u32 s1, $0x6  }
0xc: {  	s10 =	smul.u32 $0x50000, s5;
	_ =	strace $0x8000004D;
	s12 =	ssub.s32 $0x2, s5  }
0xd: {  	s13 =	smul.u32 $0x4F000, s5;
	s5 =	sadd.s32 $0x2000, s6;
	s11 =	sshrl.u32 s8, $0x3  }
0xe: {  	s29 =	sshrl.u32 s12, $0x1;
	s31 =	sadd.s32 s9, s2;
	s11 =	sadd.s32 s11, s6  }
.Ltmp0:
0xf: {  	s10 =	sadd.s32 s9, s10;
	s12 =	ssub.s32 s12, s29;
	(pc) =	sbr.rel .LBB2_1-.Ltmp0, $4  }
0x10: {  	s8 =	sadd.s32 s8, s13;
	s13 =	simm.s32 $0x80;
	s10 =	sshrl.u32 s10, $0x3  }
0x11: {  	s8 =	sshrl.u32 s8, $0x3;
	s10 =	sadd.s32 s10, s6;
	s6 =	sor.u32 $0x1C0B, s30  }
0x12: {  	s7 =	sadd.s32 s7, s8;
	s8 =	sadd.s32 $0xBE00, s11;
	s11 =	sshrl.u32 s31, $0x3  }
0x13: {  	s9 =	sadd.s32 $0x29C00, s10;
	s10 =	smax.u32 s12, $0x1;
	s12 =	simm.s32 $0xB  }
.LBB2_7:
0x14: {  	_ =	swait.ge [sflag:s23], $0x1000  }
0x15: {  	s24 =	sadd.s32 $0x1, s24;
	[sflag:s23] =	ssyncset.done $0x0  }
0x16: {  	p0 =	sne.s32 s24, s10;
	[sflag:s23] =	ssyncadd.s32 $0xFFFFF000  }
.Ltmp1:
0x17: {  	[bflag:$0x0] =	sbarrier.arrive $0xFFFF;
	(pc) =	sbr.rel @!p0 .LBB2_8-.Ltmp1, $4  }
0x18: {  	[hbm:s9], [sflag:s6] =	dma.local [spmem:s11], $0xA00  }
0x19: {  	_ =	swait.ge [sflag:s12], $0xA00  }
0x1a: {  	[sflag:s12] =	ssyncset.done $0x0  }
0x1b: {  	[sflag:s12] =	ssyncadd.s32 $0xFFFFF600  }
.LBB2_1:
0x1c: {  	[spmem:s11], [sflag:s6] =	dma.local [hbm:s5], $0xA00  }
0x1d: {  	_ =	swait.ge [sflag:s12], $0xA00  }
0x1e: {  	[sflag:s12] =	ssyncset.done $0x0  }
0x1f: {  	[sflag:s12] =	ssyncadd.s32 $0xFFFFF600  }
0x20: {  	[tilespmem:s3], [sflag:$0xB] =	stream.linear.gather [hbm4b:s7+s3], $0x4F00, $0x38;
	[tilespmem:$0x13E00] =	vst v63  }
0x21: {  	_ =	swait.ge [sflag:s12], $0x4F00  }
0x22: {  	[sflag:s12] =	ssyncset.done $0x0  }
0x23: {  	s25 =	simm.s32 $0x4F00;
	[sflag:s12] =	ssyncadd.s32 $0xFFFFB100  }
0x24: {  	[tilespmem:s25], [sflag:$0xB] =	stream.linear.gather [hbm4b:s8+s3], $0x4F00, $0x38;
	[tilespmem:$0x13E00] =	vst v63  }
0x25: {  	_ =	swait.ge [sflag:s12], $0x4F00  }
0x26: {  	[sflag:s12] =	ssyncset.done $0x0  }
0x27: {  	[sflag:s12] =	ssyncadd.s32 $0xFFFFB100  }
0x28: {  	[bflag:$0x0] =	sbarrier.arrive $0xFFFF  }
0x29: {  	[tilespmem:s14], [sflag:$0x1] =	stream.indirect.gather [hbm4b:s4+s13], $0x20, s3, s13, $0xb8;
	[tilespmem:$0x13E00] =	vst v63  }
0x2a: {  	_ = 	snop  }
0x2b: {  	[tilespmem:s15], [sflag:$0x2] =	stream.indirect.gather [hbm4b:s4+s13], $0x20, s13, s13, $0xb8;
	[tilespmem:$0x13E00] =	vst v63  }
.Ltmp2:
0x2c: {  	_ = 	snop;
	(pc) =	sbr.rel .LBB2_2-.Ltmp2, $4  }
0x2d: {  	_ = 	snop  }
0x2e: {  	[tilespmem:s17], [sflag:$0x3] =	stream.indirect.gather [hbm4b:s4+s13], $0x20, s16, s13, $0xb8;
	[tilespmem:$0x13E00] =	vst v63  }
0x2f: {  	s26 =	simm.s32 $0x200;
	s28 =	simm.s32 $0x0  }
0x30: {  	[tilespmem:s19], [sflag:$0x4] =	stream.indirect.gather [hbm4b:s4+s13], $0x20, s18, s13, $0xb8;
	[tilespmem:$0x13E00] =	vst v63  }
.LBB2_9:
0x31: {  	p0 =	seq.s32 s29, $0x2  }
0x32: {  	s30 =	simm.s32 @p0 $0x7  }
0x33: {  	p1 =	slt.u32 @p0 s28, $0x9A;
	_ =	swait.ge @p0 [sflag:s30], $0x1000  }
0x34: {  	p2 =	por !p1, !p0;
	[sflag:s30] =	ssyncset.done @p0 $0x0  }
0x35: {  	s31 =	simm.s32 @!p2 $0xAE00;
	[sflag:s30] =	ssyncadd.s32 @p0 $0xFFFFF000;
	s30 =	simm.s32 @!p2 $0x80  }
0x36: {  	[tilespmem:s31], [sflag:$0x2] =	stream.indirect.gather @!p2 [hbm4b:s4+s30], $0x20, s26, s30, $0xb8;
	[tilespmem:$0x13E00] =	vst v63  }
0x37: {  	s31 =	simm.s32 @!p2 $0x3  }
0x38: {  	_ =	swait.ge @!p2 [sflag:s31], $0x1000  }
0x39: {  	[sflag:s31] =	ssyncset.done @!p2 $0x0  }
0x3a: {  	p1 =	por p1, !p0;
	[sflag:s31] =	ssyncadd.s32 @!p2 $0xFFFFF000;
	s31 =	simm.s32 @!p2 $0xBE00  }
0x3b: {  	[spmem:s2] =	stream.indirect.scatter.add.f32 @!p2 [tilespmem:s31], [sflag:$0x8], $0x20, s25, s30, $0xb8;
	[tilespmem:$0x13E00] =	vst v63  }
0x3c: {  	s30 =	simm.s32 @!p1 $0x3  }
0x3d: {  	_ =	swait.ge @!p1 [sflag:s30], $0x1000  }
0x3e: {  	[sflag:s30] =	ssyncset.done @!p1 $0x0  }
0x3f: {  	s31 =	simm.s32 @!p1 $0xBE00;
	[sflag:s30] =	ssyncadd.s32 @!p1 $0xFFFFF000;
	s30 =	simm.s32 @!p1 $0x80  }
0x40: {  	[spmem:s2] =	stream.indirect.scatter.add.f32 @!p1 [tilespmem:s31], [sflag:$0x8], $0x20, s25, s30, $0xb8;
	[tilespmem:$0x13E00] =	vst v63  }
0x41: {  	p1 =	seq.s32 @!p0 s29, $0x3  }
0x42: {  	p2 =	por !p1, p0  }
0x43: {  	s29 =	simm.s32 @!p2 $0x8;
	p3 =	sgt.u32 @!p2 s28, $0x99  }
0x44: {  	_ =	swait.ge @!p2 [sflag:s29], $0x1000;
	p3 =	por @!p0 p3, !p1  }
0x45: {  	[sflag:s29] =	ssyncset.done @!p2 $0x0;
	p3 =	por p3, p0  }
0x46: {  	[sflag:s29] =	ssyncadd.s32 @!p2 $0xFFFFF000;
	s29 =	simm.s32 @!p3 $0x80;
	s30 =	simm.s32 @!p3 $0xBE00  }
0x47: {  	[tilespmem:s30], [sflag:$0x3] =	stream.indirect.gather @!p3 [hbm4b:s4+s29], $0x20, s26, s29, $0xb8;
	[tilespmem:$0x13E00] =	vst v63  }
0x48: {  	s29 =	simm.s32 @!p2 $0x4  }
0x49: {  	_ =	swait.ge @!p2 [sflag:s29], $0x1000  }
0x4a: {  	[sflag:s29] =	ssyncset.done @!p2 $0x0  }
0x4b: {  	s30 =	simm.s32 @!p2 $0xCE00;
	[sflag:s29] =	ssyncadd.s32 @!p2 $0xFFFFF000;
	s29 =	simm.s32 @!p2 $0x80  }
0x4c: {  	[spmem:s2] =	stream.indirect.scatter.add.f32 @!p2 [tilespmem:s30], [sflag:$0x9], $0x20, s25, s29, $0xb8;
	[tilespmem:$0x13E00] =	vst v63  }
0x4d: {  	p2 =	por p1, p0  }
0x4e: {  	s29 =	simm.s32 @!p2 $0x9;
	p3 =	sgt.u32 @!p2 s28, $0x99  }
0x4f: {  	_ =	swait.ge @!p2 [sflag:s29], $0x1000;
	p1 =	por @!p0 p3, p1  }
0x50: {  	[sflag:s29] =	ssyncset.done @!p2 $0x0;
	p0 =	por p1, p0  }
0x51: {  	[sflag:s29] =	ssyncadd.s32 @!p2 $0xFFFFF000;
	s29 =	simm.s32 @!p0 $0x80;
	s30 =	simm.s32 @!p0 $0xCE00  }
0x52: {  	[tilespmem:s30], [sflag:$0x4] =	stream.indirect.gather @!p0 [hbm4b:s4+s29], $0x20, s26, s29, $0xb8;
	[tilespmem:$0x13E00] =	vst v63  }
0x53: {  	s29 =	simm.s32 @!p2 $0x5  }
0x54: {  	_ =	swait.ge @!p2 [sflag:s29], $0x1000  }
0x55: {  	[sflag:s29] =	ssyncset.done @!p2 $0x0  }
0x56: {  	s30 =	simm.s32 @!p2 $0xDE00;
	[sflag:s29] =	ssyncadd.s32 @!p2 $0xFFFFF000;
	s29 =	simm.s32 @!p2 $0x80  }
0x57: {  	[spmem:s2] =	stream.indirect.scatter.add.f32 @!p2 [tilespmem:s30], [sflag:$0xA], $0x20, s25, s29, $0xb8;
	[tilespmem:$0x13E00] =	vst v63  }
.LBB2_6:
0x58: {  	s28 =	sadd.s32 $0x1, s28  }
0x59: {  	p0 =	sne.s32 s28, $0x9E  }
.Ltmp3:
0x5a: {  	_ = 	snop;
	(pc) =	sbr.rel @!p0 .LBB2_7-.Ltmp3, $2  }
0x5b: {  	_ =	sdelay $0x2  }
0x5c: {  	s25 =	sadd.s32 $0x80, s25;
	s26 =	sadd.s32 $0x80, s26  }
.LBB2_2:
0x5d: {  	s29 =	smul.u32 $0xCD, s28;
	_ =	sdelay $0x1  }
0x5e: {  	s29 =	sshrl.u32 s29, $0xA  }
0x5f: {  	s29 =	sand.u32 $0x3F, s29  }
0x60: {  	s29 =	smul.u32 $0x5, s29;
	_ =	sdelay $0x1  }
0x61: {  	s29 =	ssub.s32 s28, s29  }
0x62: {  	s29 =	sand.u32 $0xFF, s29  }
0x63: {  	p0 =	sgt.s32 s29, $0x1  }
.Ltmp4:
0x64: {  	_ = 	snop;
	(pc) =	sbr.rel @p0 .LBB2_9-.Ltmp4, $1  }
0x65: {  	_ =	sdelay $0x3  }
0x66: {  	p0 =	seq.s32 s29, $0x0  }
.Ltmp5:
0x67: {  	_ = 	snop;
	(pc) =	sbr.rel @!p0 .LBB2_5-.Ltmp5, $1  }
0x68: {  	_ =	sdelay $0x3  }
0x69: {  	p0 =	seq.s32 s28, $0x0  }
0x6a: {  	s29 =	simm.s32 @!p0 $0xA  }
0x6b: {  	_ =	swait.ge @!p0 [sflag:s29], $0x1000  }
0x6c: {  	p1 =	sgt.u32 @!p0 s28, $0x99;
	[sflag:s29] =	ssyncset.done @!p0 $0x0  }
0x6d: {  	p1 =	por p0, !p1;
	[sflag:s29] =	ssyncadd.s32 @!p0 $0xFFFFF000  }
0x6e: {  	[tilespmem:s20], [sflag:$0x5] =	stream.indirect.gather @p1 [hbm4b:s4+s13], $0x20, s26, s13, $0xb8;
	[tilespmem:$0x13E00] =	vst v63  }
.Ltmp6:
0x6f: {  	_ = 	snop;
	(pc) =	sbr.rel .LBB2_6-.Ltmp6, $4  }
0x70: {  	_ =	swait.ge [sflag:s21], $0x1000  }
0x71: {  	[sflag:s21] =	ssyncset.done $0x0  }
0x72: {  	[sflag:s21] =	ssyncadd.s32 $0xFFFFF000  }
0x73: {  	[spmem:s2] =	stream.indirect.scatter.add.f32 [tilespmem:s14], [sflag:$0x6], $0x20, s25, s13, $0xb8;
	[tilespmem:$0x13E00] =	vst v63  }
.LBB2_5:
0x74: {  	_ =	swait.ge [sflag:s22], $0x1000  }
0x75: {  	p0 =	slt.u32 s28, $0x9A;
	[sflag:s22] =	ssyncset.done $0x0  }
0x76: {  	s29 =	simm.s32 @p0 $0x80;
	s30 =	simm.s32 @p0 $0x9E00;
	[sflag:s22] =	ssyncadd.s32 $0xFFFFF000  }
0x77: {  	[tilespmem:s30], [sflag:$0x1] =	stream.indirect.gather @p0 [hbm4b:s4+s29], $0x20, s26, s29, $0xb8;
	[tilespmem:$0x13E00] =	vst v63  }
0x78: {  	s30 =	simm.s32 @p0 $0x2  }
0x79: {  	_ =	swait.ge @p0 [sflag:s30], $0x1000  }
0x7a: {  	[sflag:s30] =	ssyncset.done @p0 $0x0  }
0x7b: {  	[sflag:s30] =	ssyncadd.s32 @p0 $0xFFFFF000;
	s30 =	simm.s32 @p0 $0xAE00  }
0x7c: {  	[spmem:s2] =	stream.indirect.scatter.add.f32 @p0 [tilespmem:s30], [sflag:$0x7], $0x20, s25, s29, $0xb8;
	[tilespmem:$0x13E00] =	vst v63  }
.Ltmp7:
0x7d: {  	s29 =	simm.s32 @!p0 $0x2;
	(pc) =	sbr.rel .LBB2_6-.Ltmp7, $4  }
0x7e: {  	_ =	swait.ge @!p0 [sflag:s29], $0x1000  }
0x7f: {  	[sflag:s29] =	ssyncset.done @!p0 $0x0  }
0x80: {  	s30 =	simm.s32 @!p0 $0xAE00;
	[sflag:s29] =	ssyncadd.s32 @!p0 $0xFFFFF000;
	s29 =	simm.s32 @!p0 $0x80  }
0x81: {  	[spmem:s2] =	stream.indirect.scatter.add.f32 @!p0 [tilespmem:s30], [sflag:$0x7], $0x20, s25, s29, $0xb8;
	[tilespmem:$0x13E00] =	vst v63  }
.LBB2_8:
0x82: {  	_ =	sfence.sel $0x180000  }
0x83: {  	[bflag:$0x0] =	sbarrier.arrive $0xFFFF  }
0x84: {  	p0 =	sne.s32 s1, $0x0;
	_ =	strace $0x9000004D  }
0x85: {  	s0 =	sadd.s32 @!p0 $0x100000, s0;
	[bflag:$0x2] =	sbarrier.arrive $0xFFFF  }
0x86: {  	[sflag:s0] =	ssyncadd.tile.s32 @!p0 $0x1;
	_ =	shalt  }
.Lfunc_end2:
_tile_overlayer_lowered:
.L_overlay_start_2:
0x87: {  	(tag) =	ssettag $0x2  }
0x88: {  	s0 =	rddreg [dreg:$0x0];
	s2 =	stileid.u32  }
0x89: {  	s1 =	rddreg [dreg:$0x1];
	p0 =	sne.s32 s2, $0x0  }
0x8a: {  	s3 =	rddreg [dreg:$0x2];
	[bflag:$0x3] =	sbarrier.arrive $0xFFFF;
	s2 =	simm.s32 @!p0 $0x1C0B  }
0x8b: {  	[timem:s3], [sflag:s2] =	dma.local @!p0 [hbm:s0], s1  }
0x8c: {  	s0 =	simm.s32 @!p0 $0xB  }
0x8d: {  	_ =	swait.ge @!p0 [sflag:s0], s1  }
0x8e: {  	s1 =	ssub.s32 @!p0 $0x0, s1;
	[sflag:s0] =	ssyncset.done @!p0 $0x0  }
0x8f: {  	[sflag:s0] =	ssyncadd.s32 @!p0 s1  }
0x90: {  	[bflag:$0x3] =	sbarrier.arrive $0xFFFF  }
0x91: {  	_ =	shalt  }

// kernel: kernel.8.cloned.1.call-start
scs
__scs_entry_jumppad:
0x0: {  	(pc) =	sbr.rel $0x88, $3  }
0x1: {  	(tag) =	ssettag $0x0;
	lr =	simm.s32 $0x1  }
0x2: {  	[smem:$0x3F9B] =	sst lr;
	_ =	strace $0xD0000000  }
0x3: {  	_ = 	snop  }
0x4: {  	_ = 	snop  }
0x5: {  	_ = 	snop  }
0x6: {  	_ = 	snop  }
0x7: {  	_ = 	snop  }
__scs_overlays_trampoline_lowered:
0x8: {  	[smem:$0x3FAA] =	sst s0  }
0x9: {  	[smem:$0x3FAB] =	sst s1  }
0xa: {  	[smem:$0x3FAC] =	sst s2  }
0xb: {  	[smem:$0x3FAD] =	sst s3  }
0xc: {  	[smem:$0x3FAE] =	sst s4  }
0xd: {  	[smem:$0x3FAF] =	sst s5  }
0xe: {  	[smem:$0x3FB0] =	sst s6  }
0xf: {  	[smem:$0x3FB1] =	sst s7  }
0x10: {  	[smem:$0x3FB2] =	sst s8  }
0x11: {  	[smem:$0x3FB3] =	sst s9;
	s0 =	simm.s32 @!p0 $0x0  }
0x12: {  	s1 =	sld [smem:$0x3F99];
	s0 =	simm.s32 @p0 $0x1  }
0x13: {  	[smem:$0x3FB4] =	sst s0;
	s0 =	simm.s32 @!p1 $0x0  }
0x14: {  	s2 =	sld [smem:$0x3F98];
	s0 =	simm.s32 @p1 $0x1  }
0x15: {  	[smem:$0x3FB5] =	sst s0;
	s0 =	simm.s32 @!p2 $0x0  }
0x16: {  	s3 =	sld [smem:$0x3FDB];
	s0 =	simm.s32 @p2 $0x1  }
0x17: {  	s4 =	simm.s32 $0x1BF5;
	[smem:$0x3FB7] =	sst s0  }
0x18: {  	s0 =	sld [smem:$0x3F9A];
	_ =	swait.ge [sflag:s4], $0x0  }
0x19: {  	s7 =	sld [smem:$0x3F9B]  }
0x1a: {  	s8 =	sadd.s32 $0xFFFFE003, lr  }
0x1b: {  	s9 =	sadd.s32 $0xFFFFFEF7, lr;
	s5 =	simm.s32 $0xFFFFFFFF;
	p2 =	slt.u32 s8, $0xFFFFF086  }
0x1c: {  	p1 =	slt.u32 s9, $0xF7A;
	s5 =	simm.s32 @!p2 $0x0  }
0x1d: {  	s5 =	simm.s32 @p1 $0x1;
	p0 =	seq.s32 s7, s2  }
0x1e: {  	s7 =	smul.u32 @!p0 $0xF7A, s2;
	p2 =	seq.s32 @!p0 s5, $0x0  }
0x1f: {  	s9 =	smul.u32 $0xF7A, s1;
	s8 =	simm.s32 @!p0 $0x1BF5;
	p2 =	por !p2, p0  }
0x20: {  	[sflag:s8] =	ssyncset.s32 @!p0 $0xFFFFF086;
	s6 =	sadd.s32 @!p0 s3, s7;
	s7 =	simm.s32 @!p0 $0x108  }
0x21: {  	s3 =	sadd.s32 s3, s9;
	s6 =	sadd.s32 @!p0 $0x88, s6;
	s7 =	simm.s32 @p2 $0x1082  }
0x22: {  	[simem:s7], [sflag:s8] =	dma.local @!p0 [hbm:s6], $0xF7A  }
0x23: {  	s9 =	sor.u32 $0xD0000000, s2;
	s6 =	simm.s32 $0x108;
	_ =	swait.ge @!p0 [sflag:s8], $0x0  }
0x24: {  	s3 =	sadd.s32 $0x88, s3;
	s6 =	simm.s32 @!p1 $0x1082;
	[sflag:s4] =	ssyncset.s32 $0xFFFFF086  }
0x25: {  	[simem:s6], [sflag:s4] =	dma.local [hbm:s3], $0xF7A  }
0x26: {  	[smem:$0x3F9B] =	sst s1;
	(tag) =	ssettag s2;
	_ =	strace s9  }
0x27: {  	s1 =	sld [smem:$0x3FAB]  }
0x28: {  	s2 =	sld [smem:$0x3FAC]  }
0x29: {  	s4 =	sld [smem:$0x3FAE]  }
0x2a: {  	p0 =	seq.s32 s5, $0x0;
	s5 =	sld [smem:$0x3FAF]  }
0x2b: {  	s6 =	sld [smem:$0x3FB0]  }
0x2c: {  	s7 =	sld [smem:$0x3FB1]  }
0x2d: {  	s3 =	simm.s32 $0x108;
	s8 =	sld [smem:$0x3FB2]  }
0x2e: {  	s3 =	simm.s32 @!p0 $0x1082;
	s9 =	sld [smem:$0x3FB3]  }
0x2f: {  	lr =	sadd.s32 s0, s3;
	s0 =	sld [smem:$0x3FAA]  }
0x30: {  	s3 =	sld [smem:$0x3FAD]  }
0x31: {  	[smem:$0x3FB6] =	sst s10  }
0x32: {  	s10 =	sld [smem:$0x3FB4];
	_ =	sdelay $0x3  }
0x33: {  	p0 =	seq.s32 s10, $0x1;
	s10 =	sld [smem:$0x3FB6];
	_ =	sdelay $0x3  }
0x34: {  	[smem:$0x3FB6] =	sst s10  }
0x35: {  	s10 =	sld [smem:$0x3FB5];
	_ =	sdelay $0x3  }
0x36: {  	p1 =	seq.s32 s10, $0x1;
	s10 =	sld [smem:$0x3FB6];
	_ =	sdelay $0x3  }
0x37: {  	[smem:$0x3FB6] =	sst s10  }
0x38: {  	s10 =	sld [smem:$0x3FB7]  }
0x39: {  	_ = 	snop;
	(pc) =	sbr.ind lr, $3  }
0x3a: {  	_ = 	snop  }
0x3b: {  	_ = 	snop  }
0x3c: {  	p2 =	seq.s32 s10, $0x1;
	s10 =	sld [smem:$0x3FB6]  }
0x3d: {  	_ =	shalt  }
0x3e: {  	_ =	shalt  }
0x3f: {  	_ =	shalt  }
0x40: {  	_ =	shalt  }
0x41: {  	_ =	shalt  }
0x42: {  	_ =	shalt  }
0x43: {  	_ =	shalt  }
0x44: {  	_ =	shalt  }
0x45: {  	_ =	shalt  }
0x46: {  	_ =	shalt  }
0x47: {  	_ =	shalt  }
0x48: {  	_ =	shalt  }
0x49: {  	_ =	shalt  }
0x4a: {  	_ =	shalt  }
0x4b: {  	_ =	shalt  }
0x4c: {  	_ =	shalt  }
0x4d: {  	_ =	shalt  }
0x4e: {  	_ =	shalt  }
0x4f: {  	_ =	shalt  }
0x50: {  	_ =	shalt  }
0x51: {  	_ =	shalt  }
0x52: {  	_ =	shalt  }
0x53: {  	_ =	shalt  }
0x54: {  	_ =	shalt  }
0x55: {  	_ =	shalt  }
0x56: {  	_ =	shalt  }
0x57: {  	_ =	shalt  }
0x58: {  	_ =	shalt  }
0x59: {  	_ =	shalt  }
0x5a: {  	_ =	shalt  }
0x5b: {  	_ =	shalt  }
0x5c: {  	_ =	shalt  }
0x5d: {  	_ =	shalt  }
0x5e: {  	_ =	shalt  }
0x5f: {  	_ =	shalt  }
0x60: {  	_ =	shalt  }
0x61: {  	_ =	shalt  }
0x62: {  	_ =	shalt  }
0x63: {  	_ =	shalt  }
0x64: {  	_ =	shalt  }
0x65: {  	_ =	shalt  }
0x66: {  	_ =	shalt  }
0x67: {  	_ =	shalt  }
0x68: {  	_ =	shalt  }
0x69: {  	_ =	shalt  }
0x6a: {  	_ =	shalt  }
0x6b: {  	_ =	shalt  }
0x6c: {  	_ =	shalt  }
0x6d: {  	_ =	shalt  }
0x6e: {  	_ =	shalt  }
0x6f: {  	_ =	shalt  }
0x70: {  	_ =	shalt  }
0x71: {  	_ =	shalt  }
0x72: {  	_ =	shalt  }
0x73: {  	_ =	shalt  }
0x74: {  	_ =	shalt  }
0x75: {  	_ =	shalt  }
0x76: {  	_ =	shalt  }
0x77: {  	_ =	shalt  }
0x78: {  	_ =	shalt  }
0x79: {  	_ =	shalt  }
0x7a: {  	_ =	shalt  }
0x7b: {  	_ =	shalt  }
0x7c: {  	_ =	shalt  }
0x7d: {  	_ =	shalt  }
0x7e: {  	_ =	shalt  }
0x7f: {  	_ =	shalt  }
0x80: {  	_ =	shalt  }
0x81: {  	_ =	shalt  }
0x82: {  	_ =	shalt  }
0x83: {  	_ =	shalt  }
0x84: {  	_ =	shalt  }
0x85: {  	_ =	shalt  }
0x86: {  	_ =	shalt  }
0x87: {  	_ =	shalt  }
.Lfunc_end0:
.L_simem_size_0:
called_computation_lowered:
.L_overlay_start_0:
0x88: {  	s2 =	sld [smem:$0x3FD9]  }
0x89: {  	s3 =	sld [smem:$0x3FFE];
	_ =	sdelay $0x1  }
0x8a: {  	s1 =	srdreg.scid  }
0x8b: {  	s0 =	sand.u32 $0x1, s1  }
0x8c: {  	s16 =	sshll.u32 s0, $0xA;
	s2 =	sadd.s32 s3, s2  }
0x8d: {  	s2 =	sadd.s32 s2, s16  }
0x8e: {  	[smem:$0x3FC2] =	sst s2  }
0x8f: {  	_ = 	snop  }
0x90: {  	(tm) =	ssettm $0x1  }
0x91: {  	s17 =	sld [smem:$0x3FFB];
	_ =	sdelay $0x3  }
0x92: {  	_ =	strace s17  }
0x93: {  	s2 =	sld [smem:$0x3FFC];
	_ =	sdelay $0x3  }
0x94: {  	_ =	strace s2  }
0x95: {  	s2 =	sld [smem:$0x3FFD];
	_ =	sdelay $0x3  }
0x96: {  	_ =	strace s2  }
0x97: {  	_ =	strace $0x8FFFFFFF  }
0x98: {  	s18 =	sld [smem:$0x3FDB];
	_ =	sdelay $0x1  }
0x99: {  	s19 =	simm.s32 $_scs_section_size  }
0x9a: {  	s4 =	simm.s32 $_size__tile_overlayer_lowered;
	s5 =	simm.s32 $_tile_overlayer_lowered  }
0x9b: {  	s22 =	simm.s32 $0x1BFF;
	s21 =	sshll.u32 s5, $0x1;
	s2 =	sadd.s32 s19, s18  }
0x9c: {  	s6 =	simm.s32 $0x0;
	s20 =	sshll.u32 s4, $0x1;
	s4 =	sadd.s32 s21, s2  }
0x9d: {  	[timem:s6], [sflag:s22] =	dma.local [hbm:s4], s20  }
0x9e: {  	_ =	swait.ge [sflag:s22], s20  }
0x9f: {  	s3 =	ssub.s32 $0x0, s20;
	[sflag:s22] =	ssyncset.done $0x0  }
0xa0: {  	[sflag:s22] =	ssyncadd.s32 s3;
	_ =	sdelay $0x1  }
0xa1: {  	s23 =	simm.s32 $0x1B8B  }
0xa2: {  	_ =	swait.ge [sflag:s23], $0x1  }
0xa3: {  	[sflag:s23] =	ssyncset.done $0x0  }
0xa4: {  	s25 =	simm.s32 $0x1B8E;
	s24 =	sld [smem:$0x3FFE];
	[sflag:s23] =	ssyncadd.s32 $0xFFFFFFFF  }
0xa5: {  	s26 =	simm.s32 $execute0_lowered;
	[smem:$0x3FD2] =	sst s25  }
0xa6: {  	s4 =	sshll.u32 s26, $0x1;
	_ =	strace $0x80000046;
	[dreg:$0x1] =	wrdreg $0xFFFFFFFF  }
0xa7: {  	s28 =	simm.s32 $_size_execute0_lowered;
	s2 =	sadd.s32 s2, s4;
	[dreg:$0x0] =	wrdreg $0x0  }
0xa8: {  	s4 =	sshll.u32 s28, $0x1;
	[dreg:$0x2] =	wrdreg s2  }
0xa9: {  	[dreg:$0x3] =	wrdreg s4  }
0xaa: {  	[dreg:$0x4] =	wrdreg $0xC0  }
0xab: {  	_ =	task [dreg:s6], $0x5FFFF  }
0xac: {  	[dreg:$0x1] =	wrdreg $0xFFFFFFFF  }
0xad: {  	[dreg:$0x0] =	wrdreg $0x60  }
0xae: {  	[dreg:$0x2] =	wrdreg s24  }
0xaf: {  	[dreg:$0x3] =	wrdreg $0x57000  }
0xb0: {  	[dreg:$0x4] =	wrdreg $0x7F000  }
0xb1: {  	[dreg:$0x5] =	wrdreg $0x9  }
0xb2: {  	_ =	task.clear_ibuf [dreg:s6], $0x6FFFF;
	_ =	strace $0x90000046  }
0xb3: {  	s29 =	simm.s32 $0x9;
	_ =	strace $0x80000048  }
0xb4: {  	_ =	swait.ge [sflag:s29], $0x1  }
0xb5: {  	[sflag:s29] =	ssyncadd.s32 $0xFFFFFFFF  }
0xb6: {  	_ =	strace $0x90000048  }
0xb7: {  	_ =	sfence  }
0xb8: {  	s30 =	sld [smem:$0x0];
	_ =	sdelay $0x2  }
0xb9: {  	s31 =	sshll.u32 s1, $0xD;
	s1 =	sshrl.u32 s1, $0x2  }
0xba: {  	s3 =	sand.u32 $0x4000, s31;
	s1 =	sadd.s32 s1, s30  }
0xbb: {  	s0 =	sor.u32 s3, s0;
	s1 =	sshll.u32 s1, $0x11  }
0xbc: {  	s0 =	sor.u32 s1, s0  }
0xbd: {  	s0 =	sadd.s32 $0x8F2B, s0  }
0xbe: {  	[sflag:s0] =	ssyncadd.remote.s32 $0x1  }
0xbf: {  	_ =	sfence.sel $0xFFFF  }
0xc0: {  	[dreg:$0x0] =	wrdreg $0xFFFFFFFF;
	(pc) =	sbr.abs _section_cstart, $3  }
0xc1: {  	[dreg:$0x1] =	wrdreg $0xFFFFFFFF  }
0xc2: {  	_ =	task.clear_ibuf [dreg:s6], $0x2FFFF;
	_ =	strace $0x9FFFFFFF  }
0xc3: {  	(tm) =	ssettm $0x7FFFFFFF  }
tec
execute0_lowered:
.L_overlay_start_1:
0x0: {  	(tag) =	ssettag $0x1  }
0x1: {  	s1 =	srdreg.scid;
	s7 =	rddreg [dreg:$0x0]  }
0x2: {  	s0 =	stileid.u32;
	s2 =	rddreg [dreg:$0x1]  }
0x3: {  	s3 =	rddreg [dreg:$0x2];
	s4 =	simm.s32 $0x0;
	s16 =	simm.s32 $0x2780  }
0x4: {  	s17 =	simm.s32 $0x4F00;
	s18 =	simm.s32 $0x80;
	s19 =	simm.s32 $0x2800  }
0x5: {  	s20 =	simm.s32 $0x2;
	s21 =	simm.s32 $0x1;
	s22 =	simm.s32 $0x0  }
0x6: {  	s6 =	sand.u32 $0x1, s1;
	s30 =	sshll.u32 s0, $0x1;
	s8 =	smul.u32 $0x2800, s0  }
0x7: {  	[smem:$0x7FF] =	sst s4;
	s31 =	sshll.u32 s0, $0x6;
	s1 =	sor.u32 s6, s30  }
0x8: {  	s9 =	smul.u32 $0x28000, s6;
	s11 =	ssub.s32 $0x2, s6;
	s6 =	sadd.s32 $0x15C00, s7  }
0x9: {  	s5 =	smul.u32 $0x4F0, s1;
	s1 =	rddreg [dreg:$0x3];
	_ =	strace $0x80000047  }
0xa: {  	s12 =	sshrl.u32 s11, $0x1;
	s14 =	sadd.s32 s8, s2;
	s15 =	sadd.s32 s8, s3  }
0xb: {  	s9 =	sadd.s32 s8, s9;
	s12 =	ssub.s32 s11, s12;
	s15 =	sshrl.u32 s15, $0x3  }
0xc: {  	s10 =	sadd.s32 s5, s7;
	s5 =	sadd.s32 $0x16200, s7;
	s9 =	sshrl.u32 s9, $0x3  }
0xd: {  	s12 =	smax.u32 s12, $0x1;
	s13 =	sadd.s32 s9, s7;
	s7 =	sor.u32 $0x1C03, s31  }
0xe: {  	s8 =	sadd.s32 $0x2000, s10;
	s9 =	sadd.s32 $0xBE00, s10;
	s10 =	sadd.s32 $0x16400, s13  }
0xf: {  	s11 =	sadd.s32 $0x20400, s13;
	s13 =	sshrl.u32 s14, $0x3;
	s14 =	simm.s32 $0x3  }
.LBB2_1:
0x10: {  	[spmem:s13], [sflag:s7] =	dma.local [hbm:s6], $0x500  }
0x11: {  	_ =	swait.ge [sflag:s14], $0x500  }
0x12: {  	[sflag:s14] =	ssyncset.done $0x0  }
0x13: {  	[sflag:s14] =	ssyncadd.s32 $0xFFFFFB00  }
0x14: {  	[spmem:s15], [sflag:s7] =	dma.local [hbm:s6], $0x500  }
0x15: {  	_ =	swait.ge [sflag:s14], $0x500  }
0x16: {  	[sflag:s14] =	ssyncset.done $0x0  }
0x17: {  	[sflag:s14] =	ssyncadd.s32 $0xFFFFFB00  }
0x18: {  	[tilespmem:s4], [sflag:$0x3] =	stream.linear.gather [hbm4b:s8+s4], $0x2780, $0x38;
	[tilespmem:$0xA700] =	vst v63  }
0x19: {  	_ =	swait.ge [sflag:s14], $0x2780  }
0x1a: {  	[sflag:s14] =	ssyncset.done $0x0  }
0x1b: {  	[sflag:s14] =	ssyncadd.s32 $0xFFFFD880  }
0x1c: {  	[tilespmem:s16], [sflag:$0x3] =	stream.linear.gather [hbm4b:s9+s4], $0x2780, $0x38;
	[tilespmem:$0xA700] =	vst v63  }
0x1d: {  	_ =	swait.ge [sflag:s14], $0x2780  }
0x1e: {  	[sflag:s14] =	ssyncset.done $0x0  }
0x1f: {  	[sflag:s14] =	ssyncadd.s32 $0xFFFFD880  }
0x20: {  	[tilespmem:s17], [sflag:$0x3] =	stream.linear.gather [hbm4b:s5+s4], $0x800, $0x38;
	[tilespmem:$0xA700] =	vst v63  }
0x21: {  	_ =	swait.ge [sflag:s14], $0x800  }
0x22: {  	[sflag:s14] =	ssyncset.done $0x0  }
0x23: {  	[sflag:s14] =	ssyncadd.s32 $0xFFFFF800  }
0x24: {  	[bflag:$0x0] =	sbarrier.arrive $0xFFFF  }
0x25: {  	[spmem:s2] =	stream.indirect.scatter.add.f32 [tilespmem:s17], [sflag:$0x1], $0x10, s4, s18, $0xb8;
	[tilespmem:$0xA700] =	vst v63  }
0x26: {  	s23 =	sand.u32 $0x1, s20  }
0x27: {  	[spmem:s3] =	stream.indirect.scatter.add.f32 [tilespmem:s17], [sflag:$0x1], $0x10, s16, s18, $0xb8;
	[tilespmem:$0xA700] =	vst v63  }
0x28: {  	p0 =	seq.s32 s23, $0x1;
	s23 =	simm.s32 $0x2  }
0x29: {  	[spmem:s2] =	stream.indirect.scatter.add.f32 [tilespmem:s17], [sflag:$0x2], $0x10, s18, s18, $0xb8;
	[tilespmem:$0xA700] =	vst v63  }
0x2a: {  	s23 =	simm.s32 @!p0 $0x1  }
0x2b: {  	[spmem:s3] =	stream.indirect.scatter.add.f32 [tilespmem:s17], [sflag:$0x2], $0x10, s19, s18, $0xb8;
	[tilespmem:$0xA700] =	vst v63  }
0x2c: {  	_ =	swait.ge [sflag:s23], $0x800  }
0x2d: {  	[sflag:s23] =	ssyncset.done $0x0  }
0x2e: {  	s26 =	simm.s32 $0x100;
	s28 =	simm.s32 $0x2880;
	[sflag:s23] =	ssyncadd.s32 $0xFFFFF800  }
0x2f: {  	s24 =	simm.s32 $0x3;
	s29 =	simm.s32 $0x4;
	_ =	swait.ge [sflag:s23], $0x800  }
0x30: {  	s25 =	sand.u32 $0x1, s24;
	s24 =	simm.s32 $0x2900;
	[sflag:s23] =	ssyncset.done $0x0  }
0x31: {  	p1 =	seq.s32 s25, $0x1;
	s25 =	simm.s32 $0x180;
	[sflag:s23] =	ssyncadd.s32 $0xFFFFF800  }
.LBB2_2:
0x32: {  	[spmem:s2] =	stream.indirect.scatter.add.f32 [tilespmem:s17], [sflag:s23], $0x10, s26, s18, $0xb8;
	[tilespmem:$0xA700] =	vst v63  }
0x33: {  	s30 =	smov.u32 s29;
	s26 =	smov.u32 s25;
	s31 =	simm.s32 $0x2  }
0x34: {  	p0 =	sne.s32 s29, $0x4E;
	s29 =	sadd.s32 $0x1, s29;
	s31 =	simm.s32 @!p1 $0x1  }
0x35: {  	[spmem:s3] =	stream.indirect.scatter.add.f32 [tilespmem:s17], [sflag:s23], $0x10, s28, s18, $0xb8;
	[tilespmem:$0xA700] =	vst v63  }
0x36: {  	s23 =	smov.u32 s31;
	s28 =	smov.u32 s24;
	_ =	swait.ge [sflag:s31], $0x800  }
.Ltmp0:
0x37: {  	[sflag:s23] =	ssyncset.done $0x0;
	(pc) =	sbr.rel @p0 .LBB2_2-.Ltmp0, $4  }
0x38: {  	[sflag:s23] =	ssyncadd.s32 $0xFFFFF800  }
0x39: {  	_ =	swait.ge [sflag:s23], $0x800  }
0x3a: {  	s30 =	sand.u32 $0x1, s30;
	s24 =	sadd.s32 $0x80, s24;
	[sflag:s23] =	ssyncset.done $0x0  }
0x3b: {  	s25 =	sadd.s32 $0x80, s25;
	p1 =	seq.s32 s30, $0x1;
	[sflag:s23] =	ssyncadd.s32 $0xFFFFF800  }
0x3c: {  	[spmem:s2] =	stream.indirect.scatter.add.f32 [tilespmem:s17], [sflag:s23], $0x10, s26, s18, $0xb8;
	[tilespmem:$0xA700] =	vst v63  }
0x3d: {  	s26 =	simm.s32 $0x2  }
0x3e: {  	s26 =	simm.s32 @!p1 $0x1  }
0x3f: {  	[spmem:s3] =	stream.indirect.scatter.add.f32 [tilespmem:s17], [sflag:s23], $0x10, s28, s18, $0xb8;
	[tilespmem:$0xA700] =	vst v63  }
0x40: {  	_ =	swait.ge [sflag:s26], $0x800  }
0x41: {  	[sflag:s26] =	ssyncset.done $0x0  }
0x42: {  	[sflag:s26] =	ssyncadd.s32 $0xFFFFF800  }
0x43: {  	_ =	swait.ge [sflag:s26], $0x800  }
0x44: {  	[sflag:s26] =	ssyncset.done $0x0  }
0x45: {  	[sflag:s26] =	ssyncadd.s32 $0xFFFFF800  }
0x46: {  	[spmem:s2] =	stream.indirect.scatter.add.f32 [tilespmem:s17], [sflag:s26], $0x10, s25, s18, $0xb8;
	[tilespmem:$0xA700] =	vst v63  }
0x47: {  	_ = 	snop  }
0x48: {  	[spmem:s3] =	stream.indirect.scatter.add.f32 [tilespmem:s17], [sflag:s26], $0x10, s24, s18, $0xb8;
	[tilespmem:$0xA700] =	vst v63  }
0x49: {  	_ =	swait.ge [sflag:s20], $0x800  }
0x4a: {  	[sflag:s20] =	ssyncset.done $0x0  }
0x4b: {  	[sflag:s20] =	ssyncadd.s32 $0xFFFFF800  }
0x4c: {  	_ =	swait.ge [sflag:s20], $0x800  }
0x4d: {  	[sflag:s20] =	ssyncset.done $0x0  }
0x4e: {  	[sflag:s20] =	ssyncadd.s32 $0xFFFFF800  }
0x4f: {  	_ =	swait.ge [sflag:s21], $0x800  }
0x50: {  	[sflag:s21] =	ssyncset.done $0x0  }
0x51: {  	[sflag:s21] =	ssyncadd.s32 $0xFFFFF800  }
0x52: {  	_ =	swait.ge [sflag:s21], $0x800  }
0x53: {  	[sflag:s21] =	ssyncset.done $0x0  }
0x54: {  	[sflag:s21] =	ssyncadd.s32 $0xFFFFF800  }
0x55: {  	[bflag:$0x0] =	sbarrier.arrive $0xFFFF  }
0x56: {  	[hbm:s10], [sflag:s7] =	dma.local [spmem:s13], $0x500  }
0x57: {  	s22 =	sadd.s32 $0x1, s22;
	_ =	swait.ge [sflag:s14], $0x500  }
0x58: {  	p0 =	sne.s32 s22, s12;
	[sflag:s14] =	ssyncset.done $0x0  }
.Ltmp1:
0x59: {  	[sflag:s14] =	ssyncadd.s32 $0xFFFFFB00;
	(pc) =	sbr.rel @p0 .LBB2_1-.Ltmp1, $4  }
0x5a: {  	[hbm:s11], [sflag:s7] =	dma.local [spmem:s15], $0x500  }
0x5b: {  	_ =	swait.ge [sflag:s14], $0x500  }
0x5c: {  	[sflag:s14] =	ssyncset.done $0x0  }
0x5d: {  	[sflag:s14] =	ssyncadd.s32 $0xFFFFFB00  }
0x5e: {  	_ =	sfence.sel $0x180000  }
0x5f: {  	[bflag:$0x0] =	sbarrier.arrive $0xFFFF  }
0x60: {  	p0 =	sne.s32 s0, $0x0;
	_ =	strace $0x90000047  }
0x61: {  	s0 =	sadd.s32 @!p0 $0x100000, s1;
	[bflag:$0x2] =	sbarrier.arrive $0xFFFF  }
0x62: {  	[sflag:s0] =	ssyncadd.tile.s32 @!p0 $0x1;
	_ =	shalt  }
.Lfunc_end2:
_tile_overlayer_lowered:
.L_overlay_start_2:
0x63: {  	(tag) =	ssettag $0x2  }
0x64: {  	s0 =	rddreg [dreg:$0x0];
	s2 =	stileid.u32  }
0x65: {  	s1 =	rddreg [dreg:$0x1];
	p0 =	sne.s32 s2, $0x0  }
0x66: {  	s3 =	rddreg [dreg:$0x2];
	[bflag:$0x3] =	sbarrier.arrive $0xFFFF;
	s2 =	simm.s32 @!p0 $0x1C03  }
0x67: {  	[timem:s3], [sflag:s2] =	dma.local @!p0 [hbm:s0], s1  }
0x68: {  	s0 =	simm.s32 @!p0 $0x3  }
0x69: {  	_ =	swait.ge @!p0 [sflag:s0], s1  }
0x6a: {  	s1 =	ssub.s32 @!p0 $0x0, s1;
	[sflag:s0] =	ssyncset.done @!p0 $0x0  }
0x6b: {  	[sflag:s0] =	ssyncadd.s32 @!p0 s1  }
0x6c: {  	[bflag:$0x3] =	sbarrier.arrive $0xFFFF  }
0x6d: {  	_ =	shalt  }

</sc_bundles>
